<compile_context>
chip_gen: v7x
topology: tpu7x:2x2x1
jax: 0.10.2.dev20260603
libtpu: 0.0.44.dev20260713+nightly
codegen_flags: <defaults>
</compile_context>

<pallas_src>
import functools

import jax
import jax.numpy as jnp
from jax import lax
from jax.experimental import pallas as pl
from jax.experimental.pallas import tpu as pltpu
from jax.experimental.pallas import tpu_sc as plsc

SEQ_LEN = 512
EMBED = 768
NSEG = 3
BATCH = 32
NTOK = BATCH * SEQ_LEN
FROWS = NSEG * SEQ_LEN

_info = plsc.get_sparse_core_info()
_NC = _info.num_cores
_NS = _info.num_subcores
_L = _info.num_lanes
_NW = _NC * _NS

_BPW = NTOK // _NW
_CH = 32
_NCHUNK = _BPW // _CH
_NBUF = 4


def _build_table_body(tok_ref, pos_ref, seg_ref, out_ref):
    tp = tok_ref[...] + pos_ref[...]
    for g in range(NSEG):
        out_ref[pl.ds(g * SEQ_LEN, SEQ_LEN), :] = tp + seg_ref[pl.ds(g, 1), :]


def _build_fused_table(token_table, position_table, segment_table):
    return pl.pallas_call(
        _build_table_body,
        grid=(1,),
        in_specs=[
            pl.BlockSpec((SEQ_LEN, EMBED), lambda i: (0, 0)),
            pl.BlockSpec((SEQ_LEN, EMBED), lambda i: (0, 0)),
            pl.BlockSpec((NSEG, EMBED), lambda i: (0, 0)),
        ],
        out_specs=pl.BlockSpec((FROWS, EMBED), lambda i: (0, 0)),
        out_shape=jax.ShapeDtypeStruct((FROWS, EMBED), jnp.float32),
    )(token_table, position_table, segment_table)


@functools.partial(
    pl.kernel,
    mesh=plsc.VectorSubcoreMesh(core_axis_name="c", subcore_axis_name="s"),
    out_type=jax.ShapeDtypeStruct((BATCH, SEQ_LEN, EMBED), jnp.float32),
    scratch_types=[
        pltpu.VMEM((_BPW,), jnp.int32),
        pltpu.VMEM((_BPW,), jnp.int32),
        pltpu.VMEM((_NCHUNK, _CH), jnp.int32),
    ] + [pltpu.VMEM((_CH, EMBED), jnp.float32) for _ in range(_NBUF)]
      + [pltpu.SemaphoreType.DMA for _ in range(2 * _NBUF)],
)
def _sc_gather(table_hbm, seq_hbm, seg_hbm, out_hbm,
               seq_v, seg_v, idx_v, *bufs_and_sems):
    bufs = bufs_and_sems[:_NBUF]
    gsems = bufs_and_sems[_NBUF:2 * _NBUF]
    osems = bufs_and_sems[2 * _NBUF:3 * _NBUF]
    wid = lax.axis_index("s") * _NC + lax.axis_index("c")

    pltpu.sync_copy(seq_hbm.at[wid], seq_v)
    pltpu.sync_copy(seg_hbm.at[wid], seg_v)

    for c in range(_NCHUNK):
        for j in range(_CH // _L):
            src = pl.ds(c * _CH + j * _L, _L)
            idx_v[c, pl.ds(j * _L, _L)] = seq_v[src] + seg_v[src] * SEQ_LEN

    gathers = [None] * _NCHUNK
    outs = [None] * _NCHUNK
    for c in range(min(_NBUF, _NCHUNK)):
        gathers[c] = pltpu.async_copy(
            table_hbm.at[idx_v.at[c]], bufs[c % _NBUF], gsems[c % _NBUF])
    for c in range(_NCHUNK):
        b = c % _NBUF
        gathers[c].wait()
        outs[c] = pltpu.async_copy(
            bufs[b], out_hbm.at[wid, pl.ds(c * _CH, _CH)], osems[b])
        n = c + _NBUF
        if n < _NCHUNK:
            outs[c].wait()
            gathers[n] = pltpu.async_copy(
                table_hbm.at[idx_v.at[n]], bufs[b], gsems[b])
    for c in range(max(0, _NCHUNK - _NBUF), _NCHUNK):
        outs[c].wait()


def kernel(sequence, segment_label, token_table, position_table, segment_table):
    ftable = _build_fused_table(token_table, position_table, segment_table)
    return _sc_gather(ftable, sequence, segment_label)

# --- scband reference (transcript-rebuilt; emitter-appended) ---
"""Pipeline reference for scband-bertembedding-32100585570921 (READ-ONLY COPY).

The authoritative reference and input builder live on the scoring server;
editing this copy changes nothing except your own understanding.
"""

import jax, jax.numpy as jnp
import numpy as np

VOCAB = 30522
EMBED = 768
SEQ_LEN = 512
BATCH = 32
PAD = 0

def setup_inputs(seed: int = 0) -> dict:
    key = jax.random.key(seed)
    k1, k2, k3, k4, k5 = jax.random.split(key, 5)
    sequence = jax.random.randint(k1, (BATCH, SEQ_LEN), 0, SEQ_LEN, dtype=jnp.int64 if jax.config.jax_enable_x64 else jnp.int32)
    segment_label = jax.random.randint(k2, (BATCH, SEQ_LEN), 0, 3, dtype=jnp.int64 if jax.config.jax_enable_x64 else jnp.int32)
    token_table = (jax.random.normal(k3, (VOCAB, EMBED), dtype=jnp.float32) * 0.02).at[PAD].set(0.0)
    position_table = (jax.random.normal(k4, (SEQ_LEN, EMBED), dtype=jnp.float32) * 0.02).at[PAD].set(0.0)
    segment_table = (jax.random.normal(k5, (3, EMBED), dtype=jnp.float32) * 0.02).at[PAD].set(0.0)
    return {
        "sequence": sequence,
        "segment_label": segment_label,
        "token_table": token_table,
        "position_table": position_table,
        "segment_table": segment_table,
    }

def reference(sequence, segment_label, token_table, position_table, segment_table):
    # batch = token(sequence) + position(sequence) + segment(segment_label)
    # Note: the original module indexes the position embedding with `sequence`
    # (token ids), not positions; reproduced faithfully here.
    tok = jnp.take(token_table, sequence, axis=0)
    pos = jnp.take(position_table, sequence, axis=0)
    seg = jnp.take(segment_table, segment_label, axis=0)
    out = tok + pos + seg
    # Dropout is identity in eval/deterministic mode.
    return out

if __name__ == "__main__":
    import jax
    _d = setup_inputs()
    print(jax.jit(kernel)(*tuple(_d.values())))

</pallas_src>

<mosaic_0001>
#map = affine_map<(d0, d1) -> (0, 0)>
#map1 = affine_map<(d0, d1) -> (0, 0, 0)>
module attributes {stable_mosaic.version = 14 : i64} {
  func.func @_sc_gather(%arg0: i32, %arg1: i32, %arg2: memref<1536x768xf32, #tpu.memory_space<hbm>>, %arg3: memref<32x512xi32, #tpu.memory_space<hbm>>, %arg4: memref<32x512xi32, #tpu.memory_space<hbm>>, %arg5: memref<32x512x768xf32, #tpu.memory_space<hbm>>, %arg6: memref<512xi32, #tpu.memory_space<vmem>>, %arg7: memref<512xi32, #tpu.memory_space<vmem>>, %arg8: memref<16x32xi32, #tpu.memory_space<vmem>>, %arg9: memref<32x768xf32, #tpu.memory_space<vmem>>, %arg10: memref<32x768xf32, #tpu.memory_space<vmem>>, %arg11: memref<32x768xf32, #tpu.memory_space<vmem>>, %arg12: memref<32x768xf32, #tpu.memory_space<vmem>>, %arg13: memref<!tpu.dma_semaphore, #tpu.memory_space<semaphore_mem>>, %arg14: memref<!tpu.dma_semaphore, #tpu.memory_space<semaphore_mem>>, %arg15: memref<!tpu.dma_semaphore, #tpu.memory_space<semaphore_mem>>, %arg16: memref<!tpu.dma_semaphore, #tpu.memory_space<semaphore_mem>>, %arg17: memref<!tpu.dma_semaphore, #tpu.memory_space<semaphore_mem>>, %arg18: memref<!tpu.dma_semaphore, #tpu.memory_space<semaphore_mem>>, %arg19: memref<!tpu.dma_semaphore, #tpu.memory_space<semaphore_mem>>, %arg20: memref<!tpu.dma_semaphore, #tpu.memory_space<semaphore_mem>>) attributes {dimension_semantics = [#tpu.dimension_semantics<core_parallel>, #tpu.dimension_semantics<subcore_parallel>], iteration_bounds = array<i64: 2, 16>, scalar_prefetch = 0 : i64, scratch_operands = 15 : i64, tpu.core_type = #tpu.core_type<sc_vector_subcore>, window_params = [{transform_indices = #map}, {transform_indices = #map}, {transform_indices = #map}, {transform_indices = #map1}]} {
    %mul3A = arith.constant 2 : i32
    %mul3A_0 = arith.muli %arg1, %mul3A : i32
    %add3A = arith.addi %mul3A_0, %arg0 : i32
    "tpu.region"() ({
      %run_scoped3A = tpu.sem_alloc : memref<!tpu.dma_semaphore, #tpu.memory_space<semaphore_mem>>
      %dma_start3A_989 = arith.constant 0 : i32
      %dma_start3A_990 = tpu.memref_slice %arg3[%add3A, %dma_start3A_989] : memref<32x512xi32, #tpu.memory_space<hbm>> -> memref<1x512xi32, #tpu.memory_space<hbm>>
      %dma_start3A_991 = tpu.memref_squeeze %dma_start3A_990 : memref<1x512xi32, #tpu.memory_space<hbm>> -> memref<512xi32, #tpu.memory_space<hbm>>
      %dma_start3A_992 = arith.constant 0 : i32
      %dma_start3A_993 = tpu.memref_slice %arg3[%add3A, %dma_start3A_992] : memref<32x512xi32, #tpu.memory_space<hbm>> -> memref<1x512xi32, #tpu.memory_space<hbm>>
      %dma_start3A_994 = tpu.memref_squeeze %dma_start3A_993 : memref<1x512xi32, #tpu.memory_space<hbm>> -> memref<512xi32, #tpu.memory_space<hbm>>
      tpu.enqueue_dma source(%dma_start3A_994 : memref<512xi32, #tpu.memory_space<hbm>>) target(%arg6 : memref<512xi32, #tpu.memory_space<vmem>>) target_semaphore(%run_scoped3A : memref<!tpu.dma_semaphore, #tpu.memory_space<semaphore_mem>>)
      %dma_wait3A_995 = arith.constant 0 : i32
      %dma_wait3A_996 = tpu.memref_slice %arg3[%add3A, %dma_wait3A_995] : memref<32x512xi32, #tpu.memory_space<hbm>> -> memref<1x512xi32, #tpu.memory_space<hbm>>
      %dma_wait3A_997 = tpu.memref_squeeze %dma_wait3A_996 : memref<1x512xi32, #tpu.memory_space<hbm>> -> memref<512xi32, #tpu.memory_space<hbm>>
      %dma_wait3A_998 = arith.constant 0 : i32
      %dma_wait3A_999 = tpu.memref_slice %arg3[%add3A, %dma_wait3A_998] : memref<32x512xi32, #tpu.memory_space<hbm>> -> memref<1x512xi32, #tpu.memory_space<hbm>>
      %dma_wait3A_1000 = tpu.memref_squeeze %dma_wait3A_999 : memref<1x512xi32, #tpu.memory_space<hbm>> -> memref<512xi32, #tpu.memory_space<hbm>>
      tpu.wait_dma2 semaphore(%run_scoped3A : memref<!tpu.dma_semaphore, #tpu.memory_space<semaphore_mem>>) src(%dma_wait3A_1000 : memref<512xi32, #tpu.memory_space<hbm>>) dst(%arg6 : memref<512xi32, #tpu.memory_space<vmem>>)
      tpu.yield
    }) : () -> ()
    "tpu.region"() ({
      %run_scoped3A = tpu.sem_alloc : memref<!tpu.dma_semaphore, #tpu.memory_space<semaphore_mem>>
      %dma_start3A_989 = arith.constant 0 : i32
      %dma_start3A_990 = tpu.memref_slice %arg4[%add3A, %dma_start3A_989] : memref<32x512xi32, #tpu.memory_space<hbm>> -> memref<1x512xi32, #tpu.memory_space<hbm>>
      %dma_start3A_991 = tpu.memref_squeeze %dma_start3A_990 : memref<1x512xi32, #tpu.memory_space<hbm>> -> memref<512xi32, #tpu.memory_space<hbm>>
      %dma_start3A_992 = arith.constant 0 : i32
      %dma_start3A_993 = tpu.memref_slice %arg4[%add3A, %dma_start3A_992] : memref<32x512xi32, #tpu.memory_space<hbm>> -> memref<1x512xi32, #tpu.memory_space<hbm>>
      %dma_start3A_994 = tpu.memref_squeeze %dma_start3A_993 : memref<1x512xi32, #tpu.memory_space<hbm>> -> memref<512xi32, #tpu.memory_space<hbm>>
      tpu.enqueue_dma source(%dma_start3A_994 : memref<512xi32, #tpu.memory_space<hbm>>) target(%arg7 : memref<512xi32, #tpu.memory_space<vmem>>) target_semaphore(%run_scoped3A : memref<!tpu.dma_semaphore, #tpu.memory_space<semaphore_mem>>)
      %dma_wait3A_995 = arith.constant 0 : i32
      %dma_wait3A_996 = tpu.memref_slice %arg4[%add3A, %dma_wait3A_995] : memref<32x512xi32, #tpu.memory_space<hbm>> -> memref<1x512xi32, #tpu.memory_space<hbm>>
      %dma_wait3A_997 = tpu.memref_squeeze %dma_wait3A_996 : memref<1x512xi32, #tpu.memory_space<hbm>> -> memref<512xi32, #tpu.memory_space<hbm>>
      %dma_wait3A_998 = arith.constant 0 : i32
      %dma_wait3A_999 = tpu.memref_slice %arg4[%add3A, %dma_wait3A_998] : memref<32x512xi32, #tpu.memory_space<hbm>> -> memref<1x512xi32, #tpu.memory_space<hbm>>
      %dma_wait3A_1000 = tpu.memref_squeeze %dma_wait3A_999 : memref<1x512xi32, #tpu.memory_space<hbm>> -> memref<512xi32, #tpu.memory_space<hbm>>
      tpu.wait_dma2 semaphore(%run_scoped3A : memref<!tpu.dma_semaphore, #tpu.memory_space<semaphore_mem>>) src(%dma_wait3A_1000 : memref<512xi32, #tpu.memory_space<hbm>>) dst(%arg7 : memref<512xi32, #tpu.memory_space<vmem>>)
      tpu.yield
    }) : () -> ()
    %get3A = arith.constant 0 : index
    %get3A_1 = tpu.vector_load %arg6[%get3A] {strides = array<i32>} : memref<512xi32, #tpu.memory_space<vmem>>, vector<16xi32>,
    %get3A_2 = vector.shape_cast %get3A_1 : vector<16xi32> to vector<16xi32>
    %get3A_3 = arith.constant 0 : index
    %get3A_4 = tpu.vector_load %arg7[%get3A_3] {strides = array<i32>} : memref<512xi32, #tpu.memory_space<vmem>>, vector<16xi32>,
    %get3A_5 = vector.shape_cast %get3A_4 : vector<16xi32> to vector<16xi32>
    %mul3A_6 = arith.constant 512 : i32
    %mul3A_7 = vector.broadcast %mul3A_6 : i32 to vector<16xi32>
    %mul3A_8 = arith.muli %get3A_5, %mul3A_7 : vector<16xi32>
    %add3A_9 = arith.addi %get3A_2, %mul3A_8 : vector<16xi32>
    %swap3A = arith.constant 0 : i32
    %swap3A_10 = arith.index_cast %swap3A : i32 to index
    %swap3A_11 = arith.constant 0 : index
    %swap3A_12 = tpu.vector_load %arg8[%swap3A_10, %swap3A_11] {strides = array<i32>} : memref<16x32xi32, #tpu.memory_space<vmem>>, vector<1x16xi32>,
    %swap3A_13 = vector.shape_cast %swap3A_12 : vector<1x16xi32> to vector<16xi32>
    %swap3A_14 = vector.shape_cast %add3A_9 : vector<16xi32> to vector<1x16xi32>
    tpu.vector_store %arg8[%swap3A_10, %swap3A_11], %swap3A_14 {strides = array<i32>} : memref<16x32xi32, #tpu.memory_space<vmem>>, vector<1x16xi32>,
    %get3A_15 = arith.constant 16 : index
    %get3A_16 = tpu.vector_load %arg6[%get3A_15] {strides = array<i32>} : memref<512xi32, #tpu.memory_space<vmem>>, vector<16xi32>,
    %get3A_17 = vector.shape_cast %get3A_16 : vector<16xi32> to vector<16xi32>
    %get3A_18 = arith.constant 16 : index
    %get3A_19 = tpu.vector_load %arg7[%get3A_18] {strides = array<i32>} : memref<512xi32, #tpu.memory_space<vmem>>, vector<16xi32>,
    %get3A_20 = vector.shape_cast %get3A_19 : vector<16xi32> to vector<16xi32>
    %mul3A_21 = arith.constant 512 : i32
    %mul3A_22 = vector.broadcast %mul3A_21 : i32 to vector<16xi32>
    %mul3A_23 = arith.muli %get3A_20, %mul3A_22 : vector<16xi32>
    %add3A_24 = arith.addi %get3A_17, %mul3A_23 : vector<16xi32>
    %swap3A_25 = arith.constant 0 : i32
    %swap3A_26 = arith.index_cast %swap3A_25 : i32 to index
    %swap3A_27 = arith.constant 16 : index
    %swap3A_28 = tpu.vector_load %arg8[%swap3A_26, %swap3A_27] {strides = array<i32>} : memref<16x32xi32, #tpu.memory_space<vmem>>, vector<1x16xi32>,
    %swap3A_29 = vector.shape_cast %swap3A_28 : vector<1x16xi32> to vector<16xi32>
    %swap3A_30 = vector.shape_cast %add3A_24 : vector<16xi32> to vector<1x16xi32>
    tpu.vector_store %arg8[%swap3A_26, %swap3A_27], %swap3A_30 {strides = array<i32>} : memref<16x32xi32, #tpu.memory_space<vmem>>, vector<1x16xi32>,
    %get3A_31 = arith.constant 32 : index
    %get3A_32 = tpu.vector_load %arg6[%get3A_31] {strides = array<i32>} : memref<512xi32, #tpu.memory_space<vmem>>, vector<16xi32>,
    %get3A_33 = vector.shape_cast %get3A_32 : vector<16xi32> to vector<16xi32>
    %get3A_34 = arith.constant 32 : index
    %get3A_35 = tpu.vector_load %arg7[%get3A_34] {strides = array<i32>} : memref<512xi32, #tpu.memory_space<vmem>>, vector<16xi32>,
    %get3A_36 = vector.shape_cast %get3A_35 : vector<16xi32> to vector<16xi32>
    %mul3A_37 = arith.constant 512 : i32
    %mul3A_38 = vector.broadcast %mul3A_37 : i32 to vector<16xi32>
    %mul3A_39 = arith.muli %get3A_36, %mul3A_38 : vector<16xi32>
    %add3A_40 = arith.addi %get3A_33, %mul3A_39 : vector<16xi32>
    %swap3A_41 = arith.constant 1 : i32
    %swap3A_42 = arith.index_cast %swap3A_41 : i32 to index
    %swap3A_43 = arith.constant 0 : index
    %swap3A_44 = tpu.vector_load %arg8[%swap3A_42, %swap3A_43] {strides = array<i32>} : memref<16x32xi32, #tpu.memory_space<vmem>>, vector<1x16xi32>,
    %swap3A_45 = vector.shape_cast %swap3A_44 : vector<1x16xi32> to vector<16xi32>
    %swap3A_46 = vector.shape_cast %add3A_40 : vector<16xi32> to vector<1x16xi32>
    tpu.vector_store %arg8[%swap3A_42, %swap3A_43], %swap3A_46 {strides = array<i32>} : memref<16x32xi32, #tpu.memory_space<vmem>>, vector<1x16xi32>,
    %get3A_47 = arith.constant 48 : index
    %get3A_48 = tpu.vector_load %arg6[%get3A_47] {strides = array<i32>} : memref<512xi32, #tpu.memory_space<vmem>>, vector<16xi32>,
    %get3A_49 = vector.shape_cast %get3A_48 : vector<16xi32> to vector<16xi32>
    %get3A_50 = arith.constant 48 : index
    %get3A_51 = tpu.vector_load %arg7[%get3A_50] {strides = array<i32>} : memref<512xi32, #tpu.memory_space<vmem>>, vector<16xi32>,
    %get3A_52 = vector.shape_cast %get3A_51 : vector<16xi32> to vector<16xi32>
    %mul3A_53 = arith.constant 512 : i32
    %mul3A_54 = vector.broadcast %mul3A_53 : i32 to vector<16xi32>
    %mul3A_55 = arith.muli %get3A_52, %mul3A_54 : vector<16xi32>
    %add3A_56 = arith.addi %get3A_49, %mul3A_55 : vector<16xi32>
    %swap3A_57 = arith.constant 1 : i32
    %swap3A_58 = arith.index_cast %swap3A_57 : i32 to index
    %swap3A_59 = arith.constant 16 : index
    %swap3A_60 = tpu.vector_load %arg8[%swap3A_58, %swap3A_59] {strides = array<i32>} : memref<16x32xi32, #tpu.memory_space<vmem>>, vector<1x16xi32>,
    %swap3A_61 = vector.shape_cast %swap3A_60 : vector<1x16xi32> to vector<16xi32>
    %swap3A_62 = vector.shape_cast %add3A_56 : vector<16xi32> to vector<1x16xi32>
    tpu.vector_store %arg8[%swap3A_58, %swap3A_59], %swap3A_62 {strides = array<i32>} : memref<16x32xi32, #tpu.memory_space<vmem>>, vector<1x16xi32>,
    %get3A_63 = arith.constant 64 : index
    %get3A_64 = tpu.vector_load %arg6[%get3A_63] {strides = array<i32>} : memref<512xi32, #tpu.memory_space<vmem>>, vector<16xi32>,
    %get3A_65 = vector.shape_cast %get3A_64 : vector<16xi32> to vector<16xi32>
    %get3A_66 = arith.constant 64 : index
    %get3A_67 = tpu.vector_load %arg7[%get3A_66] {strides = array<i32>} : memref<512xi32, #tpu.memory_space<vmem>>, vector<16xi32>,
    %get3A_68 = vector.shape_cast %get3A_67 : vector<16xi32> to vector<16xi32>
    %mul3A_69 = arith.constant 512 : i32
    %mul3A_70 = vector.broadcast %mul3A_69 : i32 to vector<16xi32>
    %mul3A_71 = arith.muli %get3A_68, %mul3A_70 : vector<16xi32>
    %add3A_72 = arith.addi %get3A_65, %mul3A_71 : vector<16xi32>
    %swap3A_73 = arith.constant 2 : i32
    %swap3A_74 = arith.index_cast %swap3A_73 : i32 to index
    %swap3A_75 = arith.constant 0 : index
    %swap3A_76 = tpu.vector_load %arg8[%swap3A_74, %swap3A_75] {strides = array<i32>} : memref<16x32xi32, #tpu.memory_space<vmem>>, vector<1x16xi32>,
    %swap3A_77 = vector.shape_cast %swap3A_76 : vector<1x16xi32> to vector<16xi32>
    %swap3A_78 = vector.shape_cast %add3A_72 : vector<16xi32> to vector<1x16xi32>
    tpu.vector_store %arg8[%swap3A_74, %swap3A_75], %swap3A_78 {strides = array<i32>} : memref<16x32xi32, #tpu.memory_space<vmem>>, vector<1x16xi32>,
    %get3A_79 = arith.constant 80 : index
    %get3A_80 = tpu.vector_load %arg6[%get3A_79] {strides = array<i32>} : memref<512xi32, #tpu.memory_space<vmem>>, vector<16xi32>,
    %get3A_81 = vector.shape_cast %get3A_80 : vector<16xi32> to vector<16xi32>
    %get3A_82 = arith.constant 80 : index
    %get3A_83 = tpu.vector_load %arg7[%get3A_82] {strides = array<i32>} : memref<512xi32, #tpu.memory_space<vmem>>, vector<16xi32>,
    %get3A_84 = vector.shape_cast %get3A_83 : vector<16xi32> to vector<16xi32>
    %mul3A_85 = arith.constant 512 : i32
    %mul3A_86 = vector.broadcast %mul3A_85 : i32 to vector<16xi32>
    %mul3A_87 = arith.muli %get3A_84, %mul3A_86 : vector<16xi32>
    %add3A_88 = arith.addi %get3A_81, %mul3A_87 : vector<16xi32>
    %swap3A_89 = arith.constant 2 : i32
    %swap3A_90 = arith.index_cast %swap3A_89 : i32 to index
    %swap3A_91 = arith.constant 16 : index
    %swap3A_92 = tpu.vector_load %arg8[%swap3A_90, %swap3A_91] {strides = array<i32>} : memref<16x32xi32, #tpu.memory_space<vmem>>, vector<1x16xi32>,
    %swap3A_93 = vector.shape_cast %swap3A_92 : vector<1x16xi32> to vector<16xi32>
    %swap3A_94 = vector.shape_cast %add3A_88 : vector<16xi32> to vector<1x16xi32>
    tpu.vector_store %arg8[%swap3A_90, %swap3A_91], %swap3A_94 {strides = array<i32>} : memref<16x32xi32, #tpu.memory_space<vmem>>, vector<1x16xi32>,
    %get3A_95 = arith.constant 96 : index
    %get3A_96 = tpu.vector_load %arg6[%get3A_95] {strides = array<i32>} : memref<512xi32, #tpu.memory_space<vmem>>, vector<16xi32>,
    %get3A_97 = vector.shape_cast %get3A_96 : vector<16xi32> to vector<16xi32>
    %get3A_98 = arith.constant 96 : index
    %get3A_99 = tpu.vector_load %arg7[%get3A_98] {strides = array<i32>} : memref<512xi32, #tpu.memory_space<vmem>>, vector<16xi32>,
    %get3A_100 = vector.shape_cast %get3A_99 : vector<16xi32> to vector<16xi32>
    %mul3A_101 = arith.constant 512 : i32
    %mul3A_102 = vector.broadcast %mul3A_101 : i32 to vector<16xi32>
    %mul3A_103 = arith.muli %get3A_100, %mul3A_102 : vector<16xi32>
    %add3A_104 = arith.addi %get3A_97, %mul3A_103 : vector<16xi32>
    %swap3A_105 = arith.constant 3 : i32
    %swap3A_106 = arith.index_cast %swap3A_105 : i32 to index
    %swap3A_107 = arith.constant 0 : index
    %swap3A_108 = tpu.vector_load %arg8[%swap3A_106, %swap3A_107] {strides = array<i32>} : memref<16x32xi32, #tpu.memory_space<vmem>>, vector<1x16xi32>,
    %swap3A_109 = vector.shape_cast %swap3A_108 : vector<1x16xi32> to vector<16xi32>
    %swap3A_110 = vector.shape_cast %add3A_104 : vector<16xi32> to vector<1x16xi32>
    tpu.vector_store %arg8[%swap3A_106, %swap3A_107], %swap3A_110 {strides = array<i32>} : memref<16x32xi32, #tpu.memory_space<vmem>>, vector<1x16xi32>,
    %get3A_111 = arith.constant 112 : index
    %get3A_112 = tpu.vector_load %arg6[%get3A_111] {strides = array<i32>} : memref<512xi32, #tpu.memory_space<vmem>>, vector<16xi32>,
    %get3A_113 = vector.shape_cast %get3A_112 : vector<16xi32> to vector<16xi32>
    %get3A_114 = arith.constant 112 : index
    %get3A_115 = tpu.vector_load %arg7[%get3A_114] {strides = array<i32>} : memref<512xi32, #tpu.memory_space<vmem>>, vector<16xi32>,
    %get3A_116 = vector.shape_cast %get3A_115 : vector<16xi32> to vector<16xi32>
    %mul3A_117 = arith.constant 512 : i32
    %mul3A_118 = vector.broadcast %mul3A_117 : i32 to vector<16xi32>
    %mul3A_119 = arith.muli %get3A_116, %mul3A_118 : vector<16xi32>
    %add3A_120 = arith.addi %get3A_113, %mul3A_119 : vector<16xi32>
    %swap3A_121 = arith.constant 3 : i32
    %swap3A_122 = arith.index_cast %swap3A_121 : i32 to index
    %swap3A_123 = arith.constant 16 : index
    %swap3A_124 = tpu.vector_load %arg8[%swap3A_122, %swap3A_123] {strides = array<i32>} : memref<16x32xi32, #tpu.memory_space<vmem>>, vector<1x16xi32>,
    %swap3A_125 = vector.shape_cast %swap3A_124 : vector<1x16xi32> to vector<16xi32>
    %swap3A_126 = vector.shape_cast %add3A_120 : vector<16xi32> to vector<1x16xi32>
    tpu.vector_store %arg8[%swap3A_122, %swap3A_123], %swap3A_126 {strides = array<i32>} : memref<16x32xi32, #tpu.memory_space<vmem>>, vector<1x16xi32>,
    %get3A_127 = arith.constant 128 : index
    %get3A_128 = tpu.vector_load %arg6[%get3A_127] {strides = array<i32>} : memref<512xi32, #tpu.memory_space<vmem>>, vector<16xi32>,
    %get3A_129 = vector.shape_cast %get3A_128 : vector<16xi32> to vector<16xi32>
    %get3A_130 = arith.constant 128 : index
    %get3A_131 = tpu.vector_load %arg7[%get3A_130] {strides = array<i32>} : memref<512xi32, #tpu.memory_space<vmem>>, vector<16xi32>,
    %get3A_132 = vector.shape_cast %get3A_131 : vector<16xi32> to vector<16xi32>
    %mul3A_133 = arith.constant 512 : i32
    %mul3A_134 = vector.broadcast %mul3A_133 : i32 to vector<16xi32>
    %mul3A_135 = arith.muli %get3A_132, %mul3A_134 : vector<16xi32>
    %add3A_136 = arith.addi %get3A_129, %mul3A_135 : vector<16xi32>
    %swap3A_137 = arith.constant 4 : i32
    %swap3A_138 = arith.index_cast %swap3A_137 : i32 to index
    %swap3A_139 = arith.constant 0 : index
    %swap3A_140 = tpu.vector_load %arg8[%swap3A_138, %swap3A_139] {strides = array<i32>} : memref<16x32xi32, #tpu.memory_space<vmem>>, vector<1x16xi32>,
    %swap3A_141 = vector.shape_cast %swap3A_140 : vector<1x16xi32> to vector<16xi32>
    %swap3A_142 = vector.shape_cast %add3A_136 : vector<16xi32> to vector<1x16xi32>
    tpu.vector_store %arg8[%swap3A_138, %swap3A_139], %swap3A_142 {strides = array<i32>} : memref<16x32xi32, #tpu.memory_space<vmem>>, vector<1x16xi32>,
    %get3A_143 = arith.constant 144 : index
    %get3A_144 = tpu.vector_load %arg6[%get3A_143] {strides = array<i32>} : memref<512xi32, #tpu.memory_space<vmem>>, vector<16xi32>,
    %get3A_145 = vector.shape_cast %get3A_144 : vector<16xi32> to vector<16xi32>
    %get3A_146 = arith.constant 144 : index
    %get3A_147 = tpu.vector_load %arg7[%get3A_146] {strides = array<i32>} : memref<512xi32, #tpu.memory_space<vmem>>, vector<16xi32>,
    %get3A_148 = vector.shape_cast %get3A_147 : vector<16xi32> to vector<16xi32>
    %mul3A_149 = arith.constant 512 : i32
    %mul3A_150 = vector.broadcast %mul3A_149 : i32 to vector<16xi32>
    %mul3A_151 = arith.muli %get3A_148, %mul3A_150 : vector<16xi32>
    %add3A_152 = arith.addi %get3A_145, %mul3A_151 : vector<16xi32>
    %swap3A_153 = arith.constant 4 : i32
    %swap3A_154 = arith.index_cast %swap3A_153 : i32 to index
    %swap3A_155 = arith.constant 16 : index
    %swap3A_156 = tpu.vector_load %arg8[%swap3A_154, %swap3A_155] {strides = array<i32>} : memref<16x32xi32, #tpu.memory_space<vmem>>, vector<1x16xi32>,
    %swap3A_157 = vector.shape_cast %swap3A_156 : vector<1x16xi32> to vector<16xi32>
    %swap3A_158 = vector.shape_cast %add3A_152 : vector<16xi32> to vector<1x16xi32>
    tpu.vector_store %arg8[%swap3A_154, %swap3A_155], %swap3A_158 {strides = array<i32>} : memref<16x32xi32, #tpu.memory_space<vmem>>, vector<1x16xi32>,
    %get3A_159 = arith.constant 160 : index
    %get3A_160 = tpu.vector_load %arg6[%get3A_159] {strides = array<i32>} : memref<512xi32, #tpu.memory_space<vmem>>, vector<16xi32>,
    %get3A_161 = vector.shape_cast %get3A_160 : vector<16xi32> to vector<16xi32>
    %get3A_162 = arith.constant 160 : index
    %get3A_163 = tpu.vector_load %arg7[%get3A_162] {strides = array<i32>} : memref<512xi32, #tpu.memory_space<vmem>>, vector<16xi32>,
    %get3A_164 = vector.shape_cast %get3A_163 : vector<16xi32> to vector<16xi32>
    %mul3A_165 = arith.constant 512 : i32
    %mul3A_166 = vector.broadcast %mul3A_165 : i32 to vector<16xi32>
    %mul3A_167 = arith.muli %get3A_164, %mul3A_166 : vector<16xi32>
    %add3A_168 = arith.addi %get3A_161, %mul3A_167 : vector<16xi32>
    %swap3A_169 = arith.constant 5 : i32
    %swap3A_170 = arith.index_cast %swap3A_169 : i32 to index
    %swap3A_171 = arith.constant 0 : index
    %swap3A_172 = tpu.vector_load %arg8[%swap3A_170, %swap3A_171] {strides = array<i32>} : memref<16x32xi32, #tpu.memory_space<vmem>>, vector<1x16xi32>,
    %swap3A_173 = vector.shape_cast %swap3A_172 : vector<1x16xi32> to vector<16xi32>
    %swap3A_174 = vector.shape_cast %add3A_168 : vector<16xi32> to vector<1x16xi32>
    tpu.vector_store %arg8[%swap3A_170, %swap3A_171], %swap3A_174 {strides = array<i32>} : memref<16x32xi32, #tpu.memory_space<vmem>>, vector<1x16xi32>,
    %get3A_175 = arith.constant 176 : index
    %get3A_176 = tpu.vector_load %arg6[%get3A_175] {strides = array<i32>} : memref<512xi32, #tpu.memory_space<vmem>>, vector<16xi32>,
    %get3A_177 = vector.shape_cast %get3A_176 : vector<16xi32> to vector<16xi32>
    %get3A_178 = arith.constant 176 : index
    %get3A_179 = tpu.vector_load %arg7[%get3A_178] {strides = array<i32>} : memref<512xi32, #tpu.memory_space<vmem>>, vector<16xi32>,
    %get3A_180 = vector.shape_cast %get3A_179 : vector<16xi32> to vector<16xi32>
    %mul3A_181 = arith.constant 512 : i32
    %mul3A_182 = vector.broadcast %mul3A_181 : i32 to vector<16xi32>
    %mul3A_183 = arith.muli %get3A_180, %mul3A_182 : vector<16xi32>
    %add3A_184 = arith.addi %get3A_177, %mul3A_183 : vector<16xi32>
    %swap3A_185 = arith.constant 5 : i32
    %swap3A_186 = arith.index_cast %swap3A_185 : i32 to index
    %swap3A_187 = arith.constant 16 : index
    %swap3A_188 = tpu.vector_load %arg8[%swap3A_186, %swap3A_187] {strides = array<i32>} : memref<16x32xi32, #tpu.memory_space<vmem>>, vector<1x16xi32>,
    %swap3A_189 = vector.shape_cast %swap3A_188 : vector<1x16xi32> to vector<16xi32>
    %swap3A_190 = vector.shape_cast %add3A_184 : vector<16xi32> to vector<1x16xi32>
    tpu.vector_store %arg8[%swap3A_186, %swap3A_187], %swap3A_190 {strides = array<i32>} : memref<16x32xi32, #tpu.memory_space<vmem>>, vector<1x16xi32>,
    %get3A_191 = arith.constant 192 : index
    %get3A_192 = tpu.vector_load %arg6[%get3A_191] {strides = array<i32>} : memref<512xi32, #tpu.memory_space<vmem>>, vector<16xi32>,
    %get3A_193 = vector.shape_cast %get3A_192 : vector<16xi32> to vector<16xi32>
    %get3A_194 = arith.constant 192 : index
    %get3A_195 = tpu.vector_load %arg7[%get3A_194] {strides = array<i32>} : memref<512xi32, #tpu.memory_space<vmem>>, vector<16xi32>,
    %get3A_196 = vector.shape_cast %get3A_195 : vector<16xi32> to vector<16xi32>
    %mul3A_197 = arith.constant 512 : i32
    %mul3A_198 = vector.broadcast %mul3A_197 : i32 to vector<16xi32>
    %mul3A_199 = arith.muli %get3A_196, %mul3A_198 : vector<16xi32>
    %add3A_200 = arith.addi %get3A_193, %mul3A_199 : vector<16xi32>
    %swap3A_201 = arith.constant 6 : i32
    %swap3A_202 = arith.index_cast %swap3A_201 : i32 to index
    %swap3A_203 = arith.constant 0 : index
    %swap3A_204 = tpu.vector_load %arg8[%swap3A_202, %swap3A_203] {strides = array<i32>} : memref<16x32xi32, #tpu.memory_space<vmem>>, vector<1x16xi32>,
    %swap3A_205 = vector.shape_cast %swap3A_204 : vector<1x16xi32> to vector<16xi32>
    %swap3A_206 = vector.shape_cast %add3A_200 : vector<16xi32> to vector<1x16xi32>
    tpu.vector_store %arg8[%swap3A_202, %swap3A_203], %swap3A_206 {strides = array<i32>} : memref<16x32xi32, #tpu.memory_space<vmem>>, vector<1x16xi32>,
    %get3A_207 = arith.constant 208 : index
    %get3A_208 = tpu.vector_load %arg6[%get3A_207] {strides = array<i32>} : memref<512xi32, #tpu.memory_space<vmem>>, vector<16xi32>,
    %get3A_209 = vector.shape_cast %get3A_208 : vector<16xi32> to vector<16xi32>
    %get3A_210 = arith.constant 208 : index
    %get3A_211 = tpu.vector_load %arg7[%get3A_210] {strides = array<i32>} : memref<512xi32, #tpu.memory_space<vmem>>, vector<16xi32>,
    %get3A_212 = vector.shape_cast %get3A_211 : vector<16xi32> to vector<16xi32>
    %mul3A_213 = arith.constant 512 : i32
    %mul3A_214 = vector.broadcast %mul3A_213 : i32 to vector<16xi32>
    %mul3A_215 = arith.muli %get3A_212, %mul3A_214 : vector<16xi32>
    %add3A_216 = arith.addi %get3A_209, %mul3A_215 : vector<16xi32>
    %swap3A_217 = arith.constant 6 : i32
    %swap3A_218 = arith.index_cast %swap3A_217 : i32 to index
    %swap3A_219 = arith.constant 16 : index
    %swap3A_220 = tpu.vector_load %arg8[%swap3A_218, %swap3A_219] {strides = array<i32>} : memref<16x32xi32, #tpu.memory_space<vmem>>, vector<1x16xi32>,
    %swap3A_221 = vector.shape_cast %swap3A_220 : vector<1x16xi32> to vector<16xi32>
    %swap3A_222 = vector.shape_cast %add3A_216 : vector<16xi32> to vector<1x16xi32>
    tpu.vector_store %arg8[%swap3A_218, %swap3A_219], %swap3A_222 {strides = array<i32>} : memref<16x32xi32, #tpu.memory_space<vmem>>, vector<1x16xi32>,
    %get3A_223 = arith.constant 224 : index
    %get3A_224 = tpu.vector_load %arg6[%get3A_223] {strides = array<i32>} : memref<512xi32, #tpu.memory_space<vmem>>, vector<16xi32>,
    %get3A_225 = vector.shape_cast %get3A_224 : vector<16xi32> to vector<16xi32>
    %get3A_226 = arith.constant 224 : index
    %get3A_227 = tpu.vector_load %arg7[%get3A_226] {strides = array<i32>} : memref<512xi32, #tpu.memory_space<vmem>>, vector<16xi32>,
    %get3A_228 = vector.shape_cast %get3A_227 : vector<16xi32> to vector<16xi32>
    %mul3A_229 = arith.constant 512 : i32
    %mul3A_230 = vector.broadcast %mul3A_229 : i32 to vector<16xi32>
    %mul3A_231 = arith.muli %get3A_228, %mul3A_230 : vector<16xi32>
    %add3A_232 = arith.addi %get3A_225, %mul3A_231 : vector<16xi32>
    %swap3A_233 = arith.constant 7 : i32
    %swap3A_234 = arith.index_cast %swap3A_233 : i32 to index
    %swap3A_235 = arith.constant 0 : index
    %swap3A_236 = tpu.vector_load %arg8[%swap3A_234, %swap3A_235] {strides = array<i32>} : memref<16x32xi32, #tpu.memory_space<vmem>>, vector<1x16xi32>,
    %swap3A_237 = vector.shape_cast %swap3A_236 : vector<1x16xi32> to vector<16xi32>
    %swap3A_238 = vector.shape_cast %add3A_232 : vector<16xi32> to vector<1x16xi32>
    tpu.vector_store %arg8[%swap3A_234, %swap3A_235], %swap3A_238 {strides = array<i32>} : memref<16x32xi32, #tpu.memory_space<vmem>>, vector<1x16xi32>,
    %get3A_239 = arith.constant 240 : index
    %get3A_240 = tpu.vector_load %arg6[%get3A_239] {strides = array<i32>} : memref<512xi32, #tpu.memory_space<vmem>>, vector<16xi32>,
    %get3A_241 = vector.shape_cast %get3A_240 : vector<16xi32> to vector<16xi32>
    %get3A_242 = arith.constant 240 : index
    %get3A_243 = tpu.vector_load %arg7[%get3A_242] {strides = array<i32>} : memref<512xi32, #tpu.memory_space<vmem>>, vector<16xi32>,
    %get3A_244 = vector.shape_cast %get3A_243 : vector<16xi32> to vector<16xi32>
    %mul3A_245 = arith.constant 512 : i32
    %mul3A_246 = vector.broadcast %mul3A_245 : i32 to vector<16xi32>
    %mul3A_247 = arith.muli %get3A_244, %mul3A_246 : vector<16xi32>
    %add3A_248 = arith.addi %get3A_241, %mul3A_247 : vector<16xi32>
    %swap3A_249 = arith.constant 7 : i32
    %swap3A_250 = arith.index_cast %swap3A_249 : i32 to index
    %swap3A_251 = arith.constant 16 : index
    %swap3A_252 = tpu.vector_load %arg8[%swap3A_250, %swap3A_251] {strides = array<i32>} : memref<16x32xi32, #tpu.memory_space<vmem>>, vector<1x16xi32>,
    %swap3A_253 = vector.shape_cast %swap3A_252 : vector<1x16xi32> to vector<16xi32>
    %swap3A_254 = vector.shape_cast %add3A_248 : vector<16xi32> to vector<1x16xi32>
    tpu.vector_store %arg8[%swap3A_250, %swap3A_251], %swap3A_254 {strides = array<i32>} : memref<16x32xi32, #tpu.memory_space<vmem>>, vector<1x16xi32>,
    %get3A_255 = arith.constant 256 : index
    %get3A_256 = tpu.vector_load %arg6[%get3A_255] {strides = array<i32>} : memref<512xi32, #tpu.memory_space<vmem>>, vector<16xi32>,
    %get3A_257 = vector.shape_cast %get3A_256 : vector<16xi32> to vector<16xi32>
    %get3A_258 = arith.constant 256 : index
    %get3A_259 = tpu.vector_load %arg7[%get3A_258] {strides = array<i32>} : memref<512xi32, #tpu.memory_space<vmem>>, vector<16xi32>,
    %get3A_260 = vector.shape_cast %get3A_259 : vector<16xi32> to vector<16xi32>
    %mul3A_261 = arith.constant 512 : i32
    %mul3A_262 = vector.broadcast %mul3A_261 : i32 to vector<16xi32>
    %mul3A_263 = arith.muli %get3A_260, %mul3A_262 : vector<16xi32>
    %add3A_264 = arith.addi %get3A_257, %mul3A_263 : vector<16xi32>
    %swap3A_265 = arith.constant 8 : i32
    %swap3A_266 = arith.index_cast %swap3A_265 : i32 to index
    %swap3A_267 = arith.constant 0 : index
    %swap3A_268 = tpu.vector_load %arg8[%swap3A_266, %swap3A_267] {strides = array<i32>} : memref<16x32xi32, #tpu.memory_space<vmem>>, vector<1x16xi32>,
    %swap3A_269 = vector.shape_cast %swap3A_268 : vector<1x16xi32> to vector<16xi32>
    %swap3A_270 = vector.shape_cast %add3A_264 : vector<16xi32> to vector<1x16xi32>
    tpu.vector_store %arg8[%swap3A_266, %swap3A_267], %swap3A_270 {strides = array<i32>} : memref<16x32xi32, #tpu.memory_space<vmem>>, vector<1x16xi32>,
    %get3A_271 = arith.constant 272 : index
    %get3A_272 = tpu.vector_load %arg6[%get3A_271] {strides = array<i32>} : memref<512xi32, #tpu.memory_space<vmem>>, vector<16xi32>,
    %get3A_273 = vector.shape_cast %get3A_272 : vector<16xi32> to vector<16xi32>
    %get3A_274 = arith.constant 272 : index
    %get3A_275 = tpu.vector_load %arg7[%get3A_274] {strides = array<i32>} : memref<512xi32, #tpu.memory_space<vmem>>, vector<16xi32>,
    %get3A_276 = vector.shape_cast %get3A_275 : vector<16xi32> to vector<16xi32>
    %mul3A_277 = arith.constant 512 : i32
    %mul3A_278 = vector.broadcast %mul3A_277 : i32 to vector<16xi32>
    %mul3A_279 = arith.muli %get3A_276, %mul3A_278 : vector<16xi32>
    %add3A_280 = arith.addi %get3A_273, %mul3A_279 : vector<16xi32>
    %swap3A_281 = arith.constant 8 : i32
    %swap3A_282 = arith.index_cast %swap3A_281 : i32 to index
    %swap3A_283 = arith.constant 16 : index
    %swap3A_284 = tpu.vector_load %arg8[%swap3A_282, %swap3A_283] {strides = array<i32>} : memref<16x32xi32, #tpu.memory_space<vmem>>, vector<1x16xi32>,
    %swap3A_285 = vector.shape_cast %swap3A_284 : vector<1x16xi32> to vector<16xi32>
    %swap3A_286 = vector.shape_cast %add3A_280 : vector<16xi32> to vector<1x16xi32>
    tpu.vector_store %arg8[%swap3A_282, %swap3A_283], %swap3A_286 {strides = array<i32>} : memref<16x32xi32, #tpu.memory_space<vmem>>, vector<1x16xi32>,
    %get3A_287 = arith.constant 288 : index
    %get3A_288 = tpu.vector_load %arg6[%get3A_287] {strides = array<i32>} : memref<512xi32, #tpu.memory_space<vmem>>, vector<16xi32>,
    %get3A_289 = vector.shape_cast %get3A_288 : vector<16xi32> to vector<16xi32>
    %get3A_290 = arith.constant 288 : index
    %get3A_291 = tpu.vector_load %arg7[%get3A_290] {strides = array<i32>} : memref<512xi32, #tpu.memory_space<vmem>>, vector<16xi32>,
    %get3A_292 = vector.shape_cast %get3A_291 : vector<16xi32> to vector<16xi32>
    %mul3A_293 = arith.constant 512 : i32
    %mul3A_294 = vector.broadcast %mul3A_293 : i32 to vector<16xi32>
    %mul3A_295 = arith.muli %get3A_292, %mul3A_294 : vector<16xi32>
    %add3A_296 = arith.addi %get3A_289, %mul3A_295 : vector<16xi32>
    %swap3A_297 = arith.constant 9 : i32
    %swap3A_298 = arith.index_cast %swap3A_297 : i32 to index
    %swap3A_299 = arith.constant 0 : index
    %swap3A_300 = tpu.vector_load %arg8[%swap3A_298, %swap3A_299] {strides = array<i32>} : memref<16x32xi32, #tpu.memory_space<vmem>>, vector<1x16xi32>,
    %swap3A_301 = vector.shape_cast %swap3A_300 : vector<1x16xi32> to vector<16xi32>
    %swap3A_302 = vector.shape_cast %add3A_296 : vector<16xi32> to vector<1x16xi32>
    tpu.vector_store %arg8[%swap3A_298, %swap3A_299], %swap3A_302 {strides = array<i32>} : memref<16x32xi32, #tpu.memory_space<vmem>>, vector<1x16xi32>,
    %get3A_303 = arith.constant 304 : index
    %get3A_304 = tpu.vector_load %arg6[%get3A_303] {strides = array<i32>} : memref<512xi32, #tpu.memory_space<vmem>>, vector<16xi32>,
    %get3A_305 = vector.shape_cast %get3A_304 : vector<16xi32> to vector<16xi32>
    %get3A_306 = arith.constant 304 : index
    %get3A_307 = tpu.vector_load %arg7[%get3A_306] {strides = array<i32>} : memref<512xi32, #tpu.memory_space<vmem>>, vector<16xi32>,
    %get3A_308 = vector.shape_cast %get3A_307 : vector<16xi32> to vector<16xi32>
    %mul3A_309 = arith.constant 512 : i32
    %mul3A_310 = vector.broadcast %mul3A_309 : i32 to vector<16xi32>
    %mul3A_311 = arith.muli %get3A_308, %mul3A_310 : vector<16xi32>
    %add3A_312 = arith.addi %get3A_305, %mul3A_311 : vector<16xi32>
    %swap3A_313 = arith.constant 9 : i32
    %swap3A_314 = arith.index_cast %swap3A_313 : i32 to index
    %swap3A_315 = arith.constant 16 : index
    %swap3A_316 = tpu.vector_load %arg8[%swap3A_314, %swap3A_315] {strides = array<i32>} : memref<16x32xi32, #tpu.memory_space<vmem>>, vector<1x16xi32>,
    %swap3A_317 = vector.shape_cast %swap3A_316 : vector<1x16xi32> to vector<16xi32>
    %swap3A_318 = vector.shape_cast %add3A_312 : vector<16xi32> to vector<1x16xi32>
    tpu.vector_store %arg8[%swap3A_314, %swap3A_315], %swap3A_318 {strides = array<i32>} : memref<16x32xi32, #tpu.memory_space<vmem>>, vector<1x16xi32>,
    %get3A_319 = arith.constant 320 : index
    %get3A_320 = tpu.vector_load %arg6[%get3A_319] {strides = array<i32>} : memref<512xi32, #tpu.memory_space<vmem>>, vector<16xi32>,
    %get3A_321 = vector.shape_cast %get3A_320 : vector<16xi32> to vector<16xi32>
    %get3A_322 = arith.constant 320 : index
    %get3A_323 = tpu.vector_load %arg7[%get3A_322] {strides = array<i32>} : memref<512xi32, #tpu.memory_space<vmem>>, vector<16xi32>,
    %get3A_324 = vector.shape_cast %get3A_323 : vector<16xi32> to vector<16xi32>
    %mul3A_325 = arith.constant 512 : i32
    %mul3A_326 = vector.broadcast %mul3A_325 : i32 to vector<16xi32>
    %mul3A_327 = arith.muli %get3A_324, %mul3A_326 : vector<16xi32>
    %add3A_328 = arith.addi %get3A_321, %mul3A_327 : vector<16xi32>
    %swap3A_329 = arith.constant 10 : i32
    %swap3A_330 = arith.index_cast %swap3A_329 : i32 to index
    %swap3A_331 = arith.constant 0 : index
    %swap3A_332 = tpu.vector_load %arg8[%swap3A_330, %swap3A_331] {strides = array<i32>} : memref<16x32xi32, #tpu.memory_space<vmem>>, vector<1x16xi32>,
    %swap3A_333 = vector.shape_cast %swap3A_332 : vector<1x16xi32> to vector<16xi32>
    %swap3A_334 = vector.shape_cast %add3A_328 : vector<16xi32> to vector<1x16xi32>
    tpu.vector_store %arg8[%swap3A_330, %swap3A_331], %swap3A_334 {strides = array<i32>} : memref<16x32xi32, #tpu.memory_space<vmem>>, vector<1x16xi32>,
    %get3A_335 = arith.constant 336 : index
    %get3A_336 = tpu.vector_load %arg6[%get3A_335] {strides = array<i32>} : memref<512xi32, #tpu.memory_space<vmem>>, vector<16xi32>,
    %get3A_337 = vector.shape_cast %get3A_336 : vector<16xi32> to vector<16xi32>
    %get3A_338 = arith.constant 336 : index
    %get3A_339 = tpu.vector_load %arg7[%get3A_338] {strides = array<i32>} : memref<512xi32, #tpu.memory_space<vmem>>, vector<16xi32>,
    %get3A_340 = vector.shape_cast %get3A_339 : vector<16xi32> to vector<16xi32>
    %mul3A_341 = arith.constant 512 : i32
    %mul3A_342 = vector.broadcast %mul3A_341 : i32 to vector<16xi32>
    %mul3A_343 = arith.muli %get3A_340, %mul3A_342 : vector<16xi32>
    %add3A_344 = arith.addi %get3A_337, %mul3A_343 : vector<16xi32>
    %swap3A_345 = arith.constant 10 : i32
    %swap3A_346 = arith.index_cast %swap3A_345 : i32 to index
    %swap3A_347 = arith.constant 16 : index
    %swap3A_348 = tpu.vector_load %arg8[%swap3A_346, %swap3A_347] {strides = array<i32>} : memref<16x32xi32, #tpu.memory_space<vmem>>, vector<1x16xi32>,
    %swap3A_349 = vector.shape_cast %swap3A_348 : vector<1x16xi32> to vector<16xi32>
    %swap3A_350 = vector.shape_cast %add3A_344 : vector<16xi32> to vector<1x16xi32>
    tpu.vector_store %arg8[%swap3A_346, %swap3A_347], %swap3A_350 {strides = array<i32>} : memref<16x32xi32, #tpu.memory_space<vmem>>, vector<1x16xi32>,
    %get3A_351 = arith.constant 352 : index
    %get3A_352 = tpu.vector_load %arg6[%get3A_351] {strides = array<i32>} : memref<512xi32, #tpu.memory_space<vmem>>, vector<16xi32>,
    %get3A_353 = vector.shape_cast %get3A_352 : vector<16xi32> to vector<16xi32>
    %get3A_354 = arith.constant 352 : index
    %get3A_355 = tpu.vector_load %arg7[%get3A_354] {strides = array<i32>} : memref<512xi32, #tpu.memory_space<vmem>>, vector<16xi32>,
    %get3A_356 = vector.shape_cast %get3A_355 : vector<16xi32> to vector<16xi32>
    %mul3A_357 = arith.constant 512 : i32
    %mul3A_358 = vector.broadcast %mul3A_357 : i32 to vector<16xi32>
    %mul3A_359 = arith.muli %get3A_356, %mul3A_358 : vector<16xi32>
    %add3A_360 = arith.addi %get3A_353, %mul3A_359 : vector<16xi32>
    %swap3A_361 = arith.constant 11 : i32
    %swap3A_362 = arith.index_cast %swap3A_361 : i32 to index
    %swap3A_363 = arith.constant 0 : index
    %swap3A_364 = tpu.vector_load %arg8[%swap3A_362, %swap3A_363] {strides = array<i32>} : memref<16x32xi32, #tpu.memory_space<vmem>>, vector<1x16xi32>,
    %swap3A_365 = vector.shape_cast %swap3A_364 : vector<1x16xi32> to vector<16xi32>
    %swap3A_366 = vector.shape_cast %add3A_360 : vector<16xi32> to vector<1x16xi32>
    tpu.vector_store %arg8[%swap3A_362, %swap3A_363], %swap3A_366 {strides = array<i32>} : memref<16x32xi32, #tpu.memory_space<vmem>>, vector<1x16xi32>,
    %get3A_367 = arith.constant 368 : index
    %get3A_368 = tpu.vector_load %arg6[%get3A_367] {strides = array<i32>} : memref<512xi32, #tpu.memory_space<vmem>>, vector<16xi32>,
    %get3A_369 = vector.shape_cast %get3A_368 : vector<16xi32> to vector<16xi32>
    %get3A_370 = arith.constant 368 : index
    %get3A_371 = tpu.vector_load %arg7[%get3A_370] {strides = array<i32>} : memref<512xi32, #tpu.memory_space<vmem>>, vector<16xi32>,
    %get3A_372 = vector.shape_cast %get3A_371 : vector<16xi32> to vector<16xi32>
    %mul3A_373 = arith.constant 512 : i32
    %mul3A_374 = vector.broadcast %mul3A_373 : i32 to vector<16xi32>
    %mul3A_375 = arith.muli %get3A_372, %mul3A_374 : vector<16xi32>
    %add3A_376 = arith.addi %get3A_369, %mul3A_375 : vector<16xi32>
    %swap3A_377 = arith.constant 11 : i32
    %swap3A_378 = arith.index_cast %swap3A_377 : i32 to index
    %swap3A_379 = arith.constant 16 : index
    %swap3A_380 = tpu.vector_load %arg8[%swap3A_378, %swap3A_379] {strides = array<i32>} : memref<16x32xi32, #tpu.memory_space<vmem>>, vector<1x16xi32>,
    %swap3A_381 = vector.shape_cast %swap3A_380 : vector<1x16xi32> to vector<16xi32>
    %swap3A_382 = vector.shape_cast %add3A_376 : vector<16xi32> to vector<1x16xi32>
    tpu.vector_store %arg8[%swap3A_378, %swap3A_379], %swap3A_382 {strides = array<i32>} : memref<16x32xi32, #tpu.memory_space<vmem>>, vector<1x16xi32>,
    %get3A_383 = arith.constant 384 : index
    %get3A_384 = tpu.vector_load %arg6[%get3A_383] {strides = array<i32>} : memref<512xi32, #tpu.memory_space<vmem>>, vector<16xi32>,
    %get3A_385 = vector.shape_cast %get3A_384 : vector<16xi32> to vector<16xi32>
    %get3A_386 = arith.constant 384 : index
    %get3A_387 = tpu.vector_load %arg7[%get3A_386] {strides = array<i32>} : memref<512xi32, #tpu.memory_space<vmem>>, vector<16xi32>,
    %get3A_388 = vector.shape_cast %get3A_387 : vector<16xi32> to vector<16xi32>
    %mul3A_389 = arith.constant 512 : i32
    %mul3A_390 = vector.broadcast %mul3A_389 : i32 to vector<16xi32>
    %mul3A_391 = arith.muli %get3A_388, %mul3A_390 : vector<16xi32>
    %add3A_392 = arith.addi %get3A_385, %mul3A_391 : vector<16xi32>
    %swap3A_393 = arith.constant 12 : i32
    %swap3A_394 = arith.index_cast %swap3A_393 : i32 to index
    %swap3A_395 = arith.constant 0 : index
    %swap3A_396 = tpu.vector_load %arg8[%swap3A_394, %swap3A_395] {strides = array<i32>} : memref<16x32xi32, #tpu.memory_space<vmem>>, vector<1x16xi32>,
    %swap3A_397 = vector.shape_cast %swap3A_396 : vector<1x16xi32> to vector<16xi32>
    %swap3A_398 = vector.shape_cast %add3A_392 : vector<16xi32> to vector<1x16xi32>
    tpu.vector_store %arg8[%swap3A_394, %swap3A_395], %swap3A_398 {strides = array<i32>} : memref<16x32xi32, #tpu.memory_space<vmem>>, vector<1x16xi32>,
    %get3A_399 = arith.constant 400 : index
    %get3A_400 = tpu.vector_load %arg6[%get3A_399] {strides = array<i32>} : memref<512xi32, #tpu.memory_space<vmem>>, vector<16xi32>,
    %get3A_401 = vector.shape_cast %get3A_400 : vector<16xi32> to vector<16xi32>
    %get3A_402 = arith.constant 400 : index
    %get3A_403 = tpu.vector_load %arg7[%get3A_402] {strides = array<i32>} : memref<512xi32, #tpu.memory_space<vmem>>, vector<16xi32>,
    %get3A_404 = vector.shape_cast %get3A_403 : vector<16xi32> to vector<16xi32>
    %mul3A_405 = arith.constant 512 : i32
    %mul3A_406 = vector.broadcast %mul3A_405 : i32 to vector<16xi32>
    %mul3A_407 = arith.muli %get3A_404, %mul3A_406 : vector<16xi32>
    %add3A_408 = arith.addi %get3A_401, %mul3A_407 : vector<16xi32>
    %swap3A_409 = arith.constant 12 : i32
    %swap3A_410 = arith.index_cast %swap3A_409 : i32 to index
    %swap3A_411 = arith.constant 16 : index
    %swap3A_412 = tpu.vector_load %arg8[%swap3A_410, %swap3A_411] {strides = array<i32>} : memref<16x32xi32, #tpu.memory_space<vmem>>, vector<1x16xi32>,
    %swap3A_413 = vector.shape_cast %swap3A_412 : vector<1x16xi32> to vector<16xi32>
    %swap3A_414 = vector.shape_cast %add3A_408 : vector<16xi32> to vector<1x16xi32>
    tpu.vector_store %arg8[%swap3A_410, %swap3A_411], %swap3A_414 {strides = array<i32>} : memref<16x32xi32, #tpu.memory_space<vmem>>, vector<1x16xi32>,
    %get3A_415 = arith.constant 416 : index
    %get3A_416 = tpu.vector_load %arg6[%get3A_415] {strides = array<i32>} : memref<512xi32, #tpu.memory_space<vmem>>, vector<16xi32>,
    %get3A_417 = vector.shape_cast %get3A_416 : vector<16xi32> to vector<16xi32>
    %get3A_418 = arith.constant 416 : index
    %get3A_419 = tpu.vector_load %arg7[%get3A_418] {strides = array<i32>} : memref<512xi32, #tpu.memory_space<vmem>>, vector<16xi32>,
    %get3A_420 = vector.shape_cast %get3A_419 : vector<16xi32> to vector<16xi32>
    %mul3A_421 = arith.constant 512 : i32
    %mul3A_422 = vector.broadcast %mul3A_421 : i32 to vector<16xi32>
    %mul3A_423 = arith.muli %get3A_420, %mul3A_422 : vector<16xi32>
    %add3A_424 = arith.addi %get3A_417, %mul3A_423 : vector<16xi32>
    %swap3A_425 = arith.constant 13 : i32
    %swap3A_426 = arith.index_cast %swap3A_425 : i32 to index
    %swap3A_427 = arith.constant 0 : index
    %swap3A_428 = tpu.vector_load %arg8[%swap3A_426, %swap3A_427] {strides = array<i32>} : memref<16x32xi32, #tpu.memory_space<vmem>>, vector<1x16xi32>,
    %swap3A_429 = vector.shape_cast %swap3A_428 : vector<1x16xi32> to vector<16xi32>
    %swap3A_430 = vector.shape_cast %add3A_424 : vector<16xi32> to vector<1x16xi32>
    tpu.vector_store %arg8[%swap3A_426, %swap3A_427], %swap3A_430 {strides = array<i32>} : memref<16x32xi32, #tpu.memory_space<vmem>>, vector<1x16xi32>,
    %get3A_431 = arith.constant 432 : index
    %get3A_432 = tpu.vector_load %arg6[%get3A_431] {strides = array<i32>} : memref<512xi32, #tpu.memory_space<vmem>>, vector<16xi32>,
    %get3A_433 = vector.shape_cast %get3A_432 : vector<16xi32> to vector<16xi32>
    %get3A_434 = arith.constant 432 : index
    %get3A_435 = tpu.vector_load %arg7[%get3A_434] {strides = array<i32>} : memref<512xi32, #tpu.memory_space<vmem>>, vector<16xi32>,
    %get3A_436 = vector.shape_cast %get3A_435 : vector<16xi32> to vector<16xi32>
    %mul3A_437 = arith.constant 512 : i32
    %mul3A_438 = vector.broadcast %mul3A_437 : i32 to vector<16xi32>
    %mul3A_439 = arith.muli %get3A_436, %mul3A_438 : vector<16xi32>
    %add3A_440 = arith.addi %get3A_433, %mul3A_439 : vector<16xi32>
    %swap3A_441 = arith.constant 13 : i32
    %swap3A_442 = arith.index_cast %swap3A_441 : i32 to index
    %swap3A_443 = arith.constant 16 : index
    %swap3A_444 = tpu.vector_load %arg8[%swap3A_442, %swap3A_443] {strides = array<i32>} : memref<16x32xi32, #tpu.memory_space<vmem>>, vector<1x16xi32>,
    %swap3A_445 = vector.shape_cast %swap3A_444 : vector<1x16xi32> to vector<16xi32>
    %swap3A_446 = vector.shape_cast %add3A_440 : vector<16xi32> to vector<1x16xi32>
    tpu.vector_store %arg8[%swap3A_442, %swap3A_443], %swap3A_446 {strides = array<i32>} : memref<16x32xi32, #tpu.memory_space<vmem>>, vector<1x16xi32>,
    %get3A_447 = arith.constant 448 : index
    %get3A_448 = tpu.vector_load %arg6[%get3A_447] {strides = array<i32>} : memref<512xi32, #tpu.memory_space<vmem>>, vector<16xi32>,
    %get3A_449 = vector.shape_cast %get3A_448 : vector<16xi32> to vector<16xi32>
    %get3A_450 = arith.constant 448 : index
    %get3A_451 = tpu.vector_load %arg7[%get3A_450] {strides = array<i32>} : memref<512xi32, #tpu.memory_space<vmem>>, vector<16xi32>,
    %get3A_452 = vector.shape_cast %get3A_451 : vector<16xi32> to vector<16xi32>
    %mul3A_453 = arith.constant 512 : i32
    %mul3A_454 = vector.broadcast %mul3A_453 : i32 to vector<16xi32>
    %mul3A_455 = arith.muli %get3A_452, %mul3A_454 : vector<16xi32>
    %add3A_456 = arith.addi %get3A_449, %mul3A_455 : vector<16xi32>
    %swap3A_457 = arith.constant 14 : i32
    %swap3A_458 = arith.index_cast %swap3A_457 : i32 to index
    %swap3A_459 = arith.constant 0 : index
    %swap3A_460 = tpu.vector_load %arg8[%swap3A_458, %swap3A_459] {strides = array<i32>} : memref<16x32xi32, #tpu.memory_space<vmem>>, vector<1x16xi32>,
    %swap3A_461 = vector.shape_cast %swap3A_460 : vector<1x16xi32> to vector<16xi32>
    %swap3A_462 = vector.shape_cast %add3A_456 : vector<16xi32> to vector<1x16xi32>
    tpu.vector_store %arg8[%swap3A_458, %swap3A_459], %swap3A_462 {strides = array<i32>} : memref<16x32xi32, #tpu.memory_space<vmem>>, vector<1x16xi32>,
    %get3A_463 = arith.constant 464 : index
    %get3A_464 = tpu.vector_load %arg6[%get3A_463] {strides = array<i32>} : memref<512xi32, #tpu.memory_space<vmem>>, vector<16xi32>,
    %get3A_465 = vector.shape_cast %get3A_464 : vector<16xi32> to vector<16xi32>
    %get3A_466 = arith.constant 464 : index
    %get3A_467 = tpu.vector_load %arg7[%get3A_466] {strides = array<i32>} : memref<512xi32, #tpu.memory_space<vmem>>, vector<16xi32>,
    %get3A_468 = vector.shape_cast %get3A_467 : vector<16xi32> to vector<16xi32>
    %mul3A_469 = arith.constant 512 : i32
    %mul3A_470 = vector.broadcast %mul3A_469 : i32 to vector<16xi32>
    %mul3A_471 = arith.muli %get3A_468, %mul3A_470 : vector<16xi32>
    %add3A_472 = arith.addi %get3A_465, %mul3A_471 : vector<16xi32>
    %swap3A_473 = arith.constant 14 : i32
    %swap3A_474 = arith.index_cast %swap3A_473 : i32 to index
    %swap3A_475 = arith.constant 16 : index
    %swap3A_476 = tpu.vector_load %arg8[%swap3A_474, %swap3A_475] {strides = array<i32>} : memref<16x32xi32, #tpu.memory_space<vmem>>, vector<1x16xi32>,
    %swap3A_477 = vector.shape_cast %swap3A_476 : vector<1x16xi32> to vector<16xi32>
    %swap3A_478 = vector.shape_cast %add3A_472 : vector<16xi32> to vector<1x16xi32>
    tpu.vector_store %arg8[%swap3A_474, %swap3A_475], %swap3A_478 {strides = array<i32>} : memref<16x32xi32, #tpu.memory_space<vmem>>, vector<1x16xi32>,
    %get3A_479 = arith.constant 480 : index
    %get3A_480 = tpu.vector_load %arg6[%get3A_479] {strides = array<i32>} : memref<512xi32, #tpu.memory_space<vmem>>, vector<16xi32>,
    %get3A_481 = vector.shape_cast %get3A_480 : vector<16xi32> to vector<16xi32>
    %get3A_482 = arith.constant 480 : index
    %get3A_483 = tpu.vector_load %arg7[%get3A_482] {strides = array<i32>} : memref<512xi32, #tpu.memory_space<vmem>>, vector<16xi32>,
    %get3A_484 = vector.shape_cast %get3A_483 : vector<16xi32> to vector<16xi32>
    %mul3A_485 = arith.constant 512 : i32
    %mul3A_486 = vector.broadcast %mul3A_485 : i32 to vector<16xi32>
    %mul3A_487 = arith.muli %get3A_484, %mul3A_486 : vector<16xi32>
    %add3A_488 = arith.addi %get3A_481, %mul3A_487 : vector<16xi32>
    %swap3A_489 = arith.constant 15 : i32
    %swap3A_490 = arith.index_cast %swap3A_489 : i32 to index
    %swap3A_491 = arith.constant 0 : index
    %swap3A_492 = tpu.vector_load %arg8[%swap3A_490, %swap3A_491] {strides = array<i32>} : memref<16x32xi32, #tpu.memory_space<vmem>>, vector<1x16xi32>,
    %swap3A_493 = vector.shape_cast %swap3A_492 : vector<1x16xi32> to vector<16xi32>
    %swap3A_494 = vector.shape_cast %add3A_488 : vector<16xi32> to vector<1x16xi32>
    tpu.vector_store %arg8[%swap3A_490, %swap3A_491], %swap3A_494 {strides = array<i32>} : memref<16x32xi32, #tpu.memory_space<vmem>>, vector<1x16xi32>,
    %get3A_495 = arith.constant 496 : index
    %get3A_496 = tpu.vector_load %arg6[%get3A_495] {strides = array<i32>} : memref<512xi32, #tpu.memory_space<vmem>>, vector<16xi32>,
    %get3A_497 = vector.shape_cast %get3A_496 : vector<16xi32> to vector<16xi32>
    %get3A_498 = arith.constant 496 : index
    %get3A_499 = tpu.vector_load %arg7[%get3A_498] {strides = array<i32>} : memref<512xi32, #tpu.memory_space<vmem>>, vector<16xi32>,
    %get3A_500 = vector.shape_cast %get3A_499 : vector<16xi32> to vector<16xi32>
    %mul3A_501 = arith.constant 512 : i32
    %mul3A_502 = vector.broadcast %mul3A_501 : i32 to vector<16xi32>
    %mul3A_503 = arith.muli %get3A_500, %mul3A_502 : vector<16xi32>
    %add3A_504 = arith.addi %get3A_497, %mul3A_503 : vector<16xi32>
    %swap3A_505 = arith.constant 15 : i32
    %swap3A_506 = arith.index_cast %swap3A_505 : i32 to index
    %swap3A_507 = arith.constant 16 : index
    %swap3A_508 = tpu.vector_load %arg8[%swap3A_506, %swap3A_507] {strides = array<i32>} : memref<16x32xi32, #tpu.memory_space<vmem>>, vector<1x16xi32>,
    %swap3A_509 = vector.shape_cast %swap3A_508 : vector<1x16xi32> to vector<16xi32>
    %swap3A_510 = vector.shape_cast %add3A_504 : vector<16xi32> to vector<1x16xi32>
    tpu.vector_store %arg8[%swap3A_506, %swap3A_507], %swap3A_510 {strides = array<i32>} : memref<16x32xi32, #tpu.memory_space<vmem>>, vector<1x16xi32>,
    %dma_start3A = arith.constant 0 : i32
    %dma_start3A_511 = arith.constant 0 : i32
    %dma_start3A_512 = tpu.memref_slice %arg8[%dma_start3A, %dma_start3A_511] : memref<16x32xi32, #tpu.memory_space<vmem>> -> memref<1x32xi32, #tpu.memory_space<vmem>>
    %dma_start3A_513 = tpu.memref_squeeze %dma_start3A_512 : memref<1x32xi32, #tpu.memory_space<vmem>> -> memref<32xi32, #tpu.memory_space<vmem>>
    %dma_start3A_514 = arith.constant 0 : i32
    %dma_start3A_515 = arith.constant 0 : i32
    %dma_start3A_516 = tpu.memref_slice %arg2[%dma_start3A_514, %dma_start3A_515] : memref<1536x768xf32, #tpu.memory_space<hbm>> -> memref<1536x768xf32, #tpu.memory_space<hbm>>
    tpu.enqueue_indirect_dma source(%dma_start3A_516 : memref<1536x768xf32, #tpu.memory_space<hbm>>) target(%arg9 : memref<32x768xf32, #tpu.memory_space<vmem>>) offsets(%dma_start3A_513 : memref<32xi32, #tpu.memory_space<vmem>>) semaphore(%arg13 : memref<!tpu.dma_semaphore, #tpu.memory_space<semaphore_mem>>)
    %dma_start3A_517 = arith.constant 1 : i32
    %dma_start3A_518 = arith.constant 0 : i32
    %dma_start3A_519 = tpu.memref_slice %arg8[%dma_start3A_517, %dma_start3A_518] : memref<16x32xi32, #tpu.memory_space<vmem>> -> memref<1x32xi32, #tpu.memory_space<vmem>>
    %dma_start3A_520 = tpu.memref_squeeze %dma_start3A_519 : memref<1x32xi32, #tpu.memory_space<vmem>> -> memref<32xi32, #tpu.memory_space<vmem>>
    %dma_start3A_521 = arith.constant 0 : i32
    %dma_start3A_522 = arith.constant 0 : i32
    %dma_start3A_523 = tpu.memref_slice %arg2[%dma_start3A_521, %dma_start3A_522] : memref<1536x768xf32, #tpu.memory_space<hbm>> -> memref<1536x768xf32, #tpu.memory_space<hbm>>
    tpu.enqueue_indirect_dma source(%dma_start3A_523 : memref<1536x768xf32, #tpu.memory_space<hbm>>) target(%arg10 : memref<32x768xf32, #tpu.memory_space<vmem>>) offsets(%dma_start3A_520 : memref<32xi32, #tpu.memory_space<vmem>>) semaphore(%arg14 : memref<!tpu.dma_semaphore, #tpu.memory_space<semaphore_mem>>)
    %dma_start3A_524 = arith.constant 2 : i32
    %dma_start3A_525 = arith.constant 0 : i32
    %dma_start3A_526 = tpu.memref_slice %arg8[%dma_start3A_524, %dma_start3A_525] : memref<16x32xi32, #tpu.memory_space<vmem>> -> memref<1x32xi32, #tpu.memory_space<vmem>>
    %dma_start3A_527 = tpu.memref_squeeze %dma_start3A_526 : memref<1x32xi32, #tpu.memory_space<vmem>> -> memref<32xi32, #tpu.memory_space<vmem>>
    %dma_start3A_528 = arith.constant 0 : i32
    %dma_start3A_529 = arith.constant 0 : i32
    %dma_start3A_530 = tpu.memref_slice %arg2[%dma_start3A_528, %dma_start3A_529] : memref<1536x768xf32, #tpu.memory_space<hbm>> -> memref<1536x768xf32, #tpu.memory_space<hbm>>
    tpu.enqueue_indirect_dma source(%dma_start3A_530 : memref<1536x768xf32, #tpu.memory_space<hbm>>) target(%arg11 : memref<32x768xf32, #tpu.memory_space<vmem>>) offsets(%dma_start3A_527 : memref<32xi32, #tpu.memory_space<vmem>>) semaphore(%arg15 : memref<!tpu.dma_semaphore, #tpu.memory_space<semaphore_mem>>)
    %dma_start3A_531 = arith.constant 3 : i32
    %dma_start3A_532 = arith.constant 0 : i32
    %dma_start3A_533 = tpu.memref_slice %arg8[%dma_start3A_531, %dma_start3A_532] : memref<16x32xi32, #tpu.memory_space<vmem>> -> memref<1x32xi32, #tpu.memory_space<vmem>>
    %dma_start3A_534 = tpu.memref_squeeze %dma_start3A_533 : memref<1x32xi32, #tpu.memory_space<vmem>> -> memref<32xi32, #tpu.memory_space<vmem>>
    %dma_start3A_535 = arith.constant 0 : i32
    %dma_start3A_536 = arith.constant 0 : i32
    %dma_start3A_537 = tpu.memref_slice %arg2[%dma_start3A_535, %dma_start3A_536] : memref<1536x768xf32, #tpu.memory_space<hbm>> -> memref<1536x768xf32, #tpu.memory_space<hbm>>
    tpu.enqueue_indirect_dma source(%dma_start3A_537 : memref<1536x768xf32, #tpu.memory_space<hbm>>) target(%arg12 : memref<32x768xf32, #tpu.memory_space<vmem>>) offsets(%dma_start3A_534 : memref<32xi32, #tpu.memory_space<vmem>>) semaphore(%arg16 : memref<!tpu.dma_semaphore, #tpu.memory_space<semaphore_mem>>)
    %dma_wait3A = arith.constant 0 : i32
    %dma_wait3A_538 = arith.constant 0 : i32
    %dma_wait3A_539 = tpu.memref_slice %arg8[%dma_wait3A, %dma_wait3A_538] : memref<16x32xi32, #tpu.memory_space<vmem>> -> memref<1x32xi32, #tpu.memory_space<vmem>>
    %dma_wait3A_540 = tpu.memref_squeeze %dma_wait3A_539 : memref<1x32xi32, #tpu.memory_space<vmem>> -> memref<32xi32, #tpu.memory_space<vmem>>
    %dma_wait3A_541 = arith.constant 0 : i32
    %dma_wait3A_542 = arith.constant 0 : i32
    %dma_wait3A_543 = tpu.memref_slice %arg2[%dma_wait3A_541, %dma_wait3A_542] : memref<1536x768xf32, #tpu.memory_space<hbm>> -> memref<1536x768xf32, #tpu.memory_space<hbm>>
    tpu.wait_indirect_dma semaphore(%arg13 : memref<!tpu.dma_semaphore, #tpu.memory_space<semaphore_mem>>) src(%dma_wait3A_543 : memref<1536x768xf32, #tpu.memory_space<hbm>>) dst(%arg9 : memref<32x768xf32, #tpu.memory_space<vmem>>)
    %dma_start3A_544 = arith.constant 0 : i32
    %dma_start3A_545 = arith.constant 0 : i32
    %dma_start3A_546 = tpu.memref_slice %arg5[%add3A, %dma_start3A_544, %dma_start3A_545] : memref<32x512x768xf32, #tpu.memory_space<hbm>> -> memref<1x32x768xf32, #tpu.memory_space<hbm>>
    %dma_start3A_547 = tpu.memref_squeeze %dma_start3A_546 : memref<1x32x768xf32, #tpu.memory_space<hbm>> -> memref<32x768xf32, #tpu.memory_space<hbm>>
    %dma_start3A_548 = arith.constant 0 : i32
    %dma_start3A_549 = arith.constant 0 : i32
    %dma_start3A_550 = tpu.memref_slice %arg5[%add3A, %dma_start3A_548, %dma_start3A_549] : memref<32x512x768xf32, #tpu.memory_space<hbm>> -> memref<1x32x768xf32, #tpu.memory_space<hbm>>
    %dma_start3A_551 = tpu.memref_squeeze %dma_start3A_550 : memref<1x32x768xf32, #tpu.memory_space<hbm>> -> memref<32x768xf32, #tpu.memory_space<hbm>>
    tpu.enqueue_dma source(%arg9 : memref<32x768xf32, #tpu.memory_space<vmem>>) target(%dma_start3A_551 : memref<32x768xf32, #tpu.memory_space<hbm>>) target_semaphore(%arg17 : memref<!tpu.dma_semaphore, #tpu.memory_space<semaphore_mem>>)
    %dma_wait3A_552 = arith.constant 0 : i32
    %dma_wait3A_553 = arith.constant 0 : i32
    %dma_wait3A_554 = tpu.memref_slice %arg5[%add3A, %dma_wait3A_552, %dma_wait3A_553] : memref<32x512x768xf32, #tpu.memory_space<hbm>> -> memref<1x32x768xf32, #tpu.memory_space<hbm>>
    %dma_wait3A_555 = tpu.memref_squeeze %dma_wait3A_554 : memref<1x32x768xf32, #tpu.memory_space<hbm>> -> memref<32x768xf32, #tpu.memory_space<hbm>>
    %dma_wait3A_556 = arith.constant 0 : i32
    %dma_wait3A_557 = arith.constant 0 : i32
    %dma_wait3A_558 = tpu.memref_slice %arg5[%add3A, %dma_wait3A_556, %dma_wait3A_557] : memref<32x512x768xf32, #tpu.memory_space<hbm>> -> memref<1x32x768xf32, #tpu.memory_space<hbm>>
    %dma_wait3A_559 = tpu.memref_squeeze %dma_wait3A_558 : memref<1x32x768xf32, #tpu.memory_space<hbm>> -> memref<32x768xf32, #tpu.memory_space<hbm>>
    tpu.wait_dma2 semaphore(%arg17 : memref<!tpu.dma_semaphore, #tpu.memory_space<semaphore_mem>>) src(%arg9 : memref<32x768xf32, #tpu.memory_space<vmem>>) dst(%dma_wait3A_559 : memref<32x768xf32, #tpu.memory_space<hbm>>)
    %dma_start3A_560 = arith.constant 4 : i32
    %dma_start3A_561 = arith.constant 0 : i32
    %dma_start3A_562 = tpu.memref_slice %arg8[%dma_start3A_560, %dma_start3A_561] : memref<16x32xi32, #tpu.memory_space<vmem>> -> memref<1x32xi32, #tpu.memory_space<vmem>>
    %dma_start3A_563 = tpu.memref_squeeze %dma_start3A_562 : memref<1x32xi32, #tpu.memory_space<vmem>> -> memref<32xi32, #tpu.memory_space<vmem>>
    %dma_start3A_564 = arith.constant 0 : i32
    %dma_start3A_565 = arith.constant 0 : i32
    %dma_start3A_566 = tpu.memref_slice %arg2[%dma_start3A_564, %dma_start3A_565] : memref<1536x768xf32, #tpu.memory_space<hbm>> -> memref<1536x768xf32, #tpu.memory_space<hbm>>
    tpu.enqueue_indirect_dma source(%dma_start3A_566 : memref<1536x768xf32, #tpu.memory_space<hbm>>) target(%arg9 : memref<32x768xf32, #tpu.memory_space<vmem>>) offsets(%dma_start3A_563 : memref<32xi32, #tpu.memory_space<vmem>>) semaphore(%arg13 : memref<!tpu.dma_semaphore, #tpu.memory_space<semaphore_mem>>)
    %dma_wait3A_567 = arith.constant 1 : i32
    %dma_wait3A_568 = arith.constant 0 : i32
    %dma_wait3A_569 = tpu.memref_slice %arg8[%dma_wait3A_567, %dma_wait3A_568] : memref<16x32xi32, #tpu.memory_space<vmem>> -> memref<1x32xi32, #tpu.memory_space<vmem>>
    %dma_wait3A_570 = tpu.memref_squeeze %dma_wait3A_569 : memref<1x32xi32, #tpu.memory_space<vmem>> -> memref<32xi32, #tpu.memory_space<vmem>>
    %dma_wait3A_571 = arith.constant 0 : i32
    %dma_wait3A_572 = arith.constant 0 : i32
    %dma_wait3A_573 = tpu.memref_slice %arg2[%dma_wait3A_571, %dma_wait3A_572] : memref<1536x768xf32, #tpu.memory_space<hbm>> -> memref<1536x768xf32, #tpu.memory_space<hbm>>
    tpu.wait_indirect_dma semaphore(%arg14 : memref<!tpu.dma_semaphore, #tpu.memory_space<semaphore_mem>>) src(%dma_wait3A_573 : memref<1536x768xf32, #tpu.memory_space<hbm>>) dst(%arg10 : memref<32x768xf32, #tpu.memory_space<vmem>>)
    %dma_start3A_574 = arith.constant 32 : i32
    %dma_start3A_575 = arith.constant 0 : i32
    %dma_start3A_576 = tpu.memref_slice %arg5[%add3A, %dma_start3A_574, %dma_start3A_575] : memref<32x512x768xf32, #tpu.memory_space<hbm>> -> memref<1x32x768xf32, #tpu.memory_space<hbm>>
    %dma_start3A_577 = tpu.memref_squeeze %dma_start3A_576 : memref<1x32x768xf32, #tpu.memory_space<hbm>> -> memref<32x768xf32, #tpu.memory_space<hbm>>
    %dma_start3A_578 = arith.constant 32 : i32
    %dma_start3A_579 = arith.constant 0 : i32
    %dma_start3A_580 = tpu.memref_slice %arg5[%add3A, %dma_start3A_578, %dma_start3A_579] : memref<32x512x768xf32, #tpu.memory_space<hbm>> -> memref<1x32x768xf32, #tpu.memory_space<hbm>>
    %dma_start3A_581 = tpu.memref_squeeze %dma_start3A_580 : memref<1x32x768xf32, #tpu.memory_space<hbm>> -> memref<32x768xf32, #tpu.memory_space<hbm>>
    tpu.enqueue_dma source(%arg10 : memref<32x768xf32, #tpu.memory_space<vmem>>) target(%dma_start3A_581 : memref<32x768xf32, #tpu.memory_space<hbm>>) target_semaphore(%arg18 : memref<!tpu.dma_semaphore, #tpu.memory_space<semaphore_mem>>)
    %dma_wait3A_582 = arith.constant 32 : i32
    %dma_wait3A_583 = arith.constant 0 : i32
    %dma_wait3A_584 = tpu.memref_slice %arg5[%add3A, %dma_wait3A_582, %dma_wait3A_583] : memref<32x512x768xf32, #tpu.memory_space<hbm>> -> memref<1x32x768xf32, #tpu.memory_space<hbm>>
    %dma_wait3A_585 = tpu.memref_squeeze %dma_wait3A_584 : memref<1x32x768xf32, #tpu.memory_space<hbm>> -> memref<32x768xf32, #tpu.memory_space<hbm>>
    %dma_wait3A_586 = arith.constant 32 : i32
    %dma_wait3A_587 = arith.constant 0 : i32
    %dma_wait3A_588 = tpu.memref_slice %arg5[%add3A, %dma_wait3A_586, %dma_wait3A_587] : memref<32x512x768xf32, #tpu.memory_space<hbm>> -> memref<1x32x768xf32, #tpu.memory_space<hbm>>
    %dma_wait3A_589 = tpu.memref_squeeze %dma_wait3A_588 : memref<1x32x768xf32, #tpu.memory_space<hbm>> -> memref<32x768xf32, #tpu.memory_space<hbm>>
    tpu.wait_dma2 semaphore(%arg18 : memref<!tpu.dma_semaphore, #tpu.memory_space<semaphore_mem>>) src(%arg10 : memref<32x768xf32, #tpu.memory_space<vmem>>) dst(%dma_wait3A_589 : memref<32x768xf32, #tpu.memory_space<hbm>>)
    %dma_start3A_590 = arith.constant 5 : i32
    %dma_start3A_591 = arith.constant 0 : i32
    %dma_start3A_592 = tpu.memref_slice %arg8[%dma_start3A_590, %dma_start3A_591] : memref<16x32xi32, #tpu.memory_space<vmem>> -> memref<1x32xi32, #tpu.memory_space<vmem>>
    %dma_start3A_593 = tpu.memref_squeeze %dma_start3A_592 : memref<1x32xi32, #tpu.memory_space<vmem>> -> memref<32xi32, #tpu.memory_space<vmem>>
    %dma_start3A_594 = arith.constant 0 : i32
    %dma_start3A_595 = arith.constant 0 : i32
    %dma_start3A_596 = tpu.memref_slice %arg2[%dma_start3A_594, %dma_start3A_595] : memref<1536x768xf32, #tpu.memory_space<hbm>> -> memref<1536x768xf32, #tpu.memory_space<hbm>>
    tpu.enqueue_indirect_dma source(%dma_start3A_596 : memref<1536x768xf32, #tpu.memory_space<hbm>>) target(%arg10 : memref<32x768xf32, #tpu.memory_space<vmem>>) offsets(%dma_start3A_593 : memref<32xi32, #tpu.memory_space<vmem>>) semaphore(%arg14 : memref<!tpu.dma_semaphore, #tpu.memory_space<semaphore_mem>>)
    %dma_wait3A_597 = arith.constant 2 : i32
    %dma_wait3A_598 = arith.constant 0 : i32
    %dma_wait3A_599 = tpu.memref_slice %arg8[%dma_wait3A_597, %dma_wait3A_598] : memref<16x32xi32, #tpu.memory_space<vmem>> -> memref<1x32xi32, #tpu.memory_space<vmem>>
    %dma_wait3A_600 = tpu.memref_squeeze %dma_wait3A_599 : memref<1x32xi32, #tpu.memory_space<vmem>> -> memref<32xi32, #tpu.memory_space<vmem>>
    %dma_wait3A_601 = arith.constant 0 : i32
    %dma_wait3A_602 = arith.constant 0 : i32
    %dma_wait3A_603 = tpu.memref_slice %arg2[%dma_wait3A_601, %dma_wait3A_602] : memref<1536x768xf32, #tpu.memory_space<hbm>> -> memref<1536x768xf32, #tpu.memory_space<hbm>>
    tpu.wait_indirect_dma semaphore(%arg15 : memref<!tpu.dma_semaphore, #tpu.memory_space<semaphore_mem>>) src(%dma_wait3A_603 : memref<1536x768xf32, #tpu.memory_space<hbm>>) dst(%arg11 : memref<32x768xf32, #tpu.memory_space<vmem>>)
    %dma_start3A_604 = arith.constant 64 : i32
    %dma_start3A_605 = arith.constant 0 : i32
    %dma_start3A_606 = tpu.memref_slice %arg5[%add3A, %dma_start3A_604, %dma_start3A_605] : memref<32x512x768xf32, #tpu.memory_space<hbm>> -> memref<1x32x768xf32, #tpu.memory_space<hbm>>
    %dma_start3A_607 = tpu.memref_squeeze %dma_start3A_606 : memref<1x32x768xf32, #tpu.memory_space<hbm>> -> memref<32x768xf32, #tpu.memory_space<hbm>>
    %dma_start3A_608 = arith.constant 64 : i32
    %dma_start3A_609 = arith.constant 0 : i32
    %dma_start3A_610 = tpu.memref_slice %arg5[%add3A, %dma_start3A_608, %dma_start3A_609] : memref<32x512x768xf32, #tpu.memory_space<hbm>> -> memref<1x32x768xf32, #tpu.memory_space<hbm>>
    %dma_start3A_611 = tpu.memref_squeeze %dma_start3A_610 : memref<1x32x768xf32, #tpu.memory_space<hbm>> -> memref<32x768xf32, #tpu.memory_space<hbm>>
    tpu.enqueue_dma source(%arg11 : memref<32x768xf32, #tpu.memory_space<vmem>>) target(%dma_start3A_611 : memref<32x768xf32, #tpu.memory_space<hbm>>) target_semaphore(%arg19 : memref<!tpu.dma_semaphore, #tpu.memory_space<semaphore_mem>>)
    %dma_wait3A_612 = arith.constant 64 : i32
    %dma_wait3A_613 = arith.constant 0 : i32
    %dma_wait3A_614 = tpu.memref_slice %arg5[%add3A, %dma_wait3A_612, %dma_wait3A_613] : memref<32x512x768xf32, #tpu.memory_space<hbm>> -> memref<1x32x768xf32, #tpu.memory_space<hbm>>
    %dma_wait3A_615 = tpu.memref_squeeze %dma_wait3A_614 : memref<1x32x768xf32, #tpu.memory_space<hbm>> -> memref<32x768xf32, #tpu.memory_space<hbm>>
    %dma_wait3A_616 = arith.constant 64 : i32
    %dma_wait3A_617 = arith.constant 0 : i32
    %dma_wait3A_618 = tpu.memref_slice %arg5[%add3A, %dma_wait3A_616, %dma_wait3A_617] : memref<32x512x768xf32, #tpu.memory_space<hbm>> -> memref<1x32x768xf32, #tpu.memory_space<hbm>>
    %dma_wait3A_619 = tpu.memref_squeeze %dma_wait3A_618 : memref<1x32x768xf32, #tpu.memory_space<hbm>> -> memref<32x768xf32, #tpu.memory_space<hbm>>
    tpu.wait_dma2 semaphore(%arg19 : memref<!tpu.dma_semaphore, #tpu.memory_space<semaphore_mem>>) src(%arg11 : memref<32x768xf32, #tpu.memory_space<vmem>>) dst(%dma_wait3A_619 : memref<32x768xf32, #tpu.memory_space<hbm>>)
    %dma_start3A_620 = arith.constant 6 : i32
    %dma_start3A_621 = arith.constant 0 : i32
    %dma_start3A_622 = tpu.memref_slice %arg8[%dma_start3A_620, %dma_start3A_621] : memref<16x32xi32, #tpu.memory_space<vmem>> -> memref<1x32xi32, #tpu.memory_space<vmem>>
    %dma_start3A_623 = tpu.memref_squeeze %dma_start3A_622 : memref<1x32xi32, #tpu.memory_space<vmem>> -> memref<32xi32, #tpu.memory_space<vmem>>
    %dma_start3A_624 = arith.constant 0 : i32
    %dma_start3A_625 = arith.constant 0 : i32
    %dma_start3A_626 = tpu.memref_slice %arg2[%dma_start3A_624, %dma_start3A_625] : memref<1536x768xf32, #tpu.memory_space<hbm>> -> memref<1536x768xf32, #tpu.memory_space<hbm>>
    tpu.enqueue_indirect_dma source(%dma_start3A_626 : memref<1536x768xf32, #tpu.memory_space<hbm>>) target(%arg11 : memref<32x768xf32, #tpu.memory_space<vmem>>) offsets(%dma_start3A_623 : memref<32xi32, #tpu.memory_space<vmem>>) semaphore(%arg15 : memref<!tpu.dma_semaphore, #tpu.memory_space<semaphore_mem>>)
    %dma_wait3A_627 = arith.constant 3 : i32
    %dma_wait3A_628 = arith.constant 0 : i32
    %dma_wait3A_629 = tpu.memref_slice %arg8[%dma_wait3A_627, %dma_wait3A_628] : memref<16x32xi32, #tpu.memory_space<vmem>> -> memref<1x32xi32, #tpu.memory_space<vmem>>
    %dma_wait3A_630 = tpu.memref_squeeze %dma_wait3A_629 : memref<1x32xi32, #tpu.memory_space<vmem>> -> memref<32xi32, #tpu.memory_space<vmem>>
    %dma_wait3A_631 = arith.constant 0 : i32
    %dma_wait3A_632 = arith.constant 0 : i32
    %dma_wait3A_633 = tpu.memref_slice %arg2[%dma_wait3A_631, %dma_wait3A_632] : memref<1536x768xf32, #tpu.memory_space<hbm>> -> memref<1536x768xf32, #tpu.memory_space<hbm>>
    tpu.wait_indirect_dma semaphore(%arg16 : memref<!tpu.dma_semaphore, #tpu.memory_space<semaphore_mem>>) src(%dma_wait3A_633 : memref<1536x768xf32, #tpu.memory_space<hbm>>) dst(%arg12 : memref<32x768xf32, #tpu.memory_space<vmem>>)
    %dma_start3A_634 = arith.constant 96 : i32
    %dma_start3A_635 = arith.constant 0 : i32
    %dma_start3A_636 = tpu.memref_slice %arg5[%add3A, %dma_start3A_634, %dma_start3A_635] : memref<32x512x768xf32, #tpu.memory_space<hbm>> -> memref<1x32x768xf32, #tpu.memory_space<hbm>>
    %dma_start3A_637 = tpu.memref_squeeze %dma_start3A_636 : memref<1x32x768xf32, #tpu.memory_space<hbm>> -> memref<32x768xf32, #tpu.memory_space<hbm>>
    %dma_start3A_638 = arith.constant 96 : i32
    %dma_start3A_639 = arith.constant 0 : i32
    %dma_start3A_640 = tpu.memref_slice %arg5[%add3A, %dma_start3A_638, %dma_start3A_639] : memref<32x512x768xf32, #tpu.memory_space<hbm>> -> memref<1x32x768xf32, #tpu.memory_space<hbm>>
    %dma_start3A_641 = tpu.memref_squeeze %dma_start3A_640 : memref<1x32x768xf32, #tpu.memory_space<hbm>> -> memref<32x768xf32, #tpu.memory_space<hbm>>
    tpu.enqueue_dma source(%arg12 : memref<32x768xf32, #tpu.memory_space<vmem>>) target(%dma_start3A_641 : memref<32x768xf32, #tpu.memory_space<hbm>>) target_semaphore(%arg20 : memref<!tpu.dma_semaphore, #tpu.memory_space<semaphore_mem>>)
    %dma_wait3A_642 = arith.constant 96 : i32
    %dma_wait3A_643 = arith.constant 0 : i32
    %dma_wait3A_644 = tpu.memref_slice %arg5[%add3A, %dma_wait3A_642, %dma_wait3A_643] : memref<32x512x768xf32, #tpu.memory_space<hbm>> -> memref<1x32x768xf32, #tpu.memory_space<hbm>>
    %dma_wait3A_645 = tpu.memref_squeeze %dma_wait3A_644 : memref<1x32x768xf32, #tpu.memory_space<hbm>> -> memref<32x768xf32, #tpu.memory_space<hbm>>
    %dma_wait3A_646 = arith.constant 96 : i32
    %dma_wait3A_647 = arith.constant 0 : i32
    %dma_wait3A_648 = tpu.memref_slice %arg5[%add3A, %dma_wait3A_646, %dma_wait3A_647] : memref<32x512x768xf32, #tpu.memory_space<hbm>> -> memref<1x32x768xf32, #tpu.memory_space<hbm>>
    %dma_wait3A_649 = tpu.memref_squeeze %dma_wait3A_648 : memref<1x32x768xf32, #tpu.memory_space<hbm>> -> memref<32x768xf32, #tpu.memory_space<hbm>>
    tpu.wait_dma2 semaphore(%arg20 : memref<!tpu.dma_semaphore, #tpu.memory_space<semaphore_mem>>) src(%arg12 : memref<32x768xf32, #tpu.memory_space<vmem>>) dst(%dma_wait3A_649 : memref<32x768xf32, #tpu.memory_space<hbm>>)
    %dma_start3A_650 = arith.constant 7 : i32
    %dma_start3A_651 = arith.constant 0 : i32
    %dma_start3A_652 = tpu.memref_slice %arg8[%dma_start3A_650, %dma_start3A_651] : memref<16x32xi32, #tpu.memory_space<vmem>> -> memref<1x32xi32, #tpu.memory_space<vmem>>
    %dma_start3A_653 = tpu.memref_squeeze %dma_start3A_652 : memref<1x32xi32, #tpu.memory_space<vmem>> -> memref<32xi32, #tpu.memory_space<vmem>>
    %dma_start3A_654 = arith.constant 0 : i32
    %dma_start3A_655 = arith.constant 0 : i32
    %dma_start3A_656 = tpu.memref_slice %arg2[%dma_start3A_654, %dma_start3A_655] : memref<1536x768xf32, #tpu.memory_space<hbm>> -> memref<1536x768xf32, #tpu.memory_space<hbm>>
    tpu.enqueue_indirect_dma source(%dma_start3A_656 : memref<1536x768xf32, #tpu.memory_space<hbm>>) target(%arg12 : memref<32x768xf32, #tpu.memory_space<vmem>>) offsets(%dma_start3A_653 : memref<32xi32, #tpu.memory_space<vmem>>) semaphore(%arg16 : memref<!tpu.dma_semaphore, #tpu.memory_space<semaphore_mem>>)
    %dma_wait3A_657 = arith.constant 4 : i32
    %dma_wait3A_658 = arith.constant 0 : i32
    %dma_wait3A_659 = tpu.memref_slice %arg8[%dma_wait3A_657, %dma_wait3A_658] : memref<16x32xi32, #tpu.memory_space<vmem>> -> memref<1x32xi32, #tpu.memory_space<vmem>>
    %dma_wait3A_660 = tpu.memref_squeeze %dma_wait3A_659 : memref<1x32xi32, #tpu.memory_space<vmem>> -> memref<32xi32, #tpu.memory_space<vmem>>
    %dma_wait3A_661 = arith.constant 0 : i32
    %dma_wait3A_662 = arith.constant 0 : i32
    %dma_wait3A_663 = tpu.memref_slice %arg2[%dma_wait3A_661, %dma_wait3A_662] : memref<1536x768xf32, #tpu.memory_space<hbm>> -> memref<1536x768xf32, #tpu.memory_space<hbm>>
    tpu.wait_indirect_dma semaphore(%arg13 : memref<!tpu.dma_semaphore, #tpu.memory_space<semaphore_mem>>) src(%dma_wait3A_663 : memref<1536x768xf32, #tpu.memory_space<hbm>>) dst(%arg9 : memref<32x768xf32, #tpu.memory_space<vmem>>)
    %dma_start3A_664 = arith.constant 128 : i32
    %dma_start3A_665 = arith.constant 0 : i32
    %dma_start3A_666 = tpu.memref_slice %arg5[%add3A, %dma_start3A_664, %dma_start3A_665] : memref<32x512x768xf32, #tpu.memory_space<hbm>> -> memref<1x32x768xf32, #tpu.memory_space<hbm>>
    %dma_start3A_667 = tpu.memref_squeeze %dma_start3A_666 : memref<1x32x768xf32, #tpu.memory_space<hbm>> -> memref<32x768xf32, #tpu.memory_space<hbm>>
    %dma_start3A_668 = arith.constant 128 : i32
    %dma_start3A_669 = arith.constant 0 : i32
    %dma_start3A_670 = tpu.memref_slice %arg5[%add3A, %dma_start3A_668, %dma_start3A_669] : memref<32x512x768xf32, #tpu.memory_space<hbm>> -> memref<1x32x768xf32, #tpu.memory_space<hbm>>
    %dma_start3A_671 = tpu.memref_squeeze %dma_start3A_670 : memref<1x32x768xf32, #tpu.memory_space<hbm>> -> memref<32x768xf32, #tpu.memory_space<hbm>>
    tpu.enqueue_dma source(%arg9 : memref<32x768xf32, #tpu.memory_space<vmem>>) target(%dma_start3A_671 : memref<32x768xf32, #tpu.memory_space<hbm>>) target_semaphore(%arg17 : memref<!tpu.dma_semaphore, #tpu.memory_space<semaphore_mem>>)
    %dma_wait3A_672 = arith.constant 128 : i32
    %dma_wait3A_673 = arith.constant 0 : i32
    %dma_wait3A_674 = tpu.memref_slice %arg5[%add3A, %dma_wait3A_672, %dma_wait3A_673] : memref<32x512x768xf32, #tpu.memory_space<hbm>> -> memref<1x32x768xf32, #tpu.memory_space<hbm>>
    %dma_wait3A_675 = tpu.memref_squeeze %dma_wait3A_674 : memref<1x32x768xf32, #tpu.memory_space<hbm>> -> memref<32x768xf32, #tpu.memory_space<hbm>>
    %dma_wait3A_676 = arith.constant 128 : i32
    %dma_wait3A_677 = arith.constant 0 : i32
    %dma_wait3A_678 = tpu.memref_slice %arg5[%add3A, %dma_wait3A_676, %dma_wait3A_677] : memref<32x512x768xf32, #tpu.memory_space<hbm>> -> memref<1x32x768xf32, #tpu.memory_space<hbm>>
    %dma_wait3A_679 = tpu.memref_squeeze %dma_wait3A_678 : memref<1x32x768xf32, #tpu.memory_space<hbm>> -> memref<32x768xf32, #tpu.memory_space<hbm>>
    tpu.wait_dma2 semaphore(%arg17 : memref<!tpu.dma_semaphore, #tpu.memory_space<semaphore_mem>>) src(%arg9 : memref<32x768xf32, #tpu.memory_space<vmem>>) dst(%dma_wait3A_679 : memref<32x768xf32, #tpu.memory_space<hbm>>)
    %dma_start3A_680 = arith.constant 8 : i32
    %dma_start3A_681 = arith.constant 0 : i32
    %dma_start3A_682 = tpu.memref_slice %arg8[%dma_start3A_680, %dma_start3A_681] : memref<16x32xi32, #tpu.memory_space<vmem>> -> memref<1x32xi32, #tpu.memory_space<vmem>>
    %dma_start3A_683 = tpu.memref_squeeze %dma_start3A_682 : memref<1x32xi32, #tpu.memory_space<vmem>> -> memref<32xi32, #tpu.memory_space<vmem>>
    %dma_start3A_684 = arith.constant 0 : i32
    %dma_start3A_685 = arith.constant 0 : i32
    %dma_start3A_686 = tpu.memref_slice %arg2[%dma_start3A_684, %dma_start3A_685] : memref<1536x768xf32, #tpu.memory_space<hbm>> -> memref<1536x768xf32, #tpu.memory_space<hbm>>
    tpu.enqueue_indirect_dma source(%dma_start3A_686 : memref<1536x768xf32, #tpu.memory_space<hbm>>) target(%arg9 : memref<32x768xf32, #tpu.memory_space<vmem>>) offsets(%dma_start3A_683 : memref<32xi32, #tpu.memory_space<vmem>>) semaphore(%arg13 : memref<!tpu.dma_semaphore, #tpu.memory_space<semaphore_mem>>)
    %dma_wait3A_687 = arith.constant 5 : i32
    %dma_wait3A_688 = arith.constant 0 : i32
    %dma_wait3A_689 = tpu.memref_slice %arg8[%dma_wait3A_687, %dma_wait3A_688] : memref<16x32xi32, #tpu.memory_space<vmem>> -> memref<1x32xi32, #tpu.memory_space<vmem>>
    %dma_wait3A_690 = tpu.memref_squeeze %dma_wait3A_689 : memref<1x32xi32, #tpu.memory_space<vmem>> -> memref<32xi32, #tpu.memory_space<vmem>>
    %dma_wait3A_691 = arith.constant 0 : i32
    %dma_wait3A_692 = arith.constant 0 : i32
    %dma_wait3A_693 = tpu.memref_slice %arg2[%dma_wait3A_691, %dma_wait3A_692] : memref<1536x768xf32, #tpu.memory_space<hbm>> -> memref<1536x768xf32, #tpu.memory_space<hbm>>
    tpu.wait_indirect_dma semaphore(%arg14 : memref<!tpu.dma_semaphore, #tpu.memory_space<semaphore_mem>>) src(%dma_wait3A_693 : memref<1536x768xf32, #tpu.memory_space<hbm>>) dst(%arg10 : memref<32x768xf32, #tpu.memory_space<vmem>>)
    %dma_start3A_694 = arith.constant 160 : i32
    %dma_start3A_695 = arith.constant 0 : i32
    %dma_start3A_696 = tpu.memref_slice %arg5[%add3A, %dma_start3A_694, %dma_start3A_695] : memref<32x512x768xf32, #tpu.memory_space<hbm>> -> memref<1x32x768xf32, #tpu.memory_space<hbm>>
    %dma_start3A_697 = tpu.memref_squeeze %dma_start3A_696 : memref<1x32x768xf32, #tpu.memory_space<hbm>> -> memref<32x768xf32, #tpu.memory_space<hbm>>
    %dma_start3A_698 = arith.constant 160 : i32
    %dma_start3A_699 = arith.constant 0 : i32
    %dma_start3A_700 = tpu.memref_slice %arg5[%add3A, %dma_start3A_698, %dma_start3A_699] : memref<32x512x768xf32, #tpu.memory_space<hbm>> -> memref<1x32x768xf32, #tpu.memory_space<hbm>>
    %dma_start3A_701 = tpu.memref_squeeze %dma_start3A_700 : memref<1x32x768xf32, #tpu.memory_space<hbm>> -> memref<32x768xf32, #tpu.memory_space<hbm>>
    tpu.enqueue_dma source(%arg10 : memref<32x768xf32, #tpu.memory_space<vmem>>) target(%dma_start3A_701 : memref<32x768xf32, #tpu.memory_space<hbm>>) target_semaphore(%arg18 : memref<!tpu.dma_semaphore, #tpu.memory_space<semaphore_mem>>)
    %dma_wait3A_702 = arith.constant 160 : i32
    %dma_wait3A_703 = arith.constant 0 : i32
    %dma_wait3A_704 = tpu.memref_slice %arg5[%add3A, %dma_wait3A_702, %dma_wait3A_703] : memref<32x512x768xf32, #tpu.memory_space<hbm>> -> memref<1x32x768xf32, #tpu.memory_space<hbm>>
    %dma_wait3A_705 = tpu.memref_squeeze %dma_wait3A_704 : memref<1x32x768xf32, #tpu.memory_space<hbm>> -> memref<32x768xf32, #tpu.memory_space<hbm>>
    %dma_wait3A_706 = arith.constant 160 : i32
    %dma_wait3A_707 = arith.constant 0 : i32
    %dma_wait3A_708 = tpu.memref_slice %arg5[%add3A, %dma_wait3A_706, %dma_wait3A_707] : memref<32x512x768xf32, #tpu.memory_space<hbm>> -> memref<1x32x768xf32, #tpu.memory_space<hbm>>
    %dma_wait3A_709 = tpu.memref_squeeze %dma_wait3A_708 : memref<1x32x768xf32, #tpu.memory_space<hbm>> -> memref<32x768xf32, #tpu.memory_space<hbm>>
    tpu.wait_dma2 semaphore(%arg18 : memref<!tpu.dma_semaphore, #tpu.memory_space<semaphore_mem>>) src(%arg10 : memref<32x768xf32, #tpu.memory_space<vmem>>) dst(%dma_wait3A_709 : memref<32x768xf32, #tpu.memory_space<hbm>>)
    %dma_start3A_710 = arith.constant 9 : i32
    %dma_start3A_711 = arith.constant 0 : i32
    %dma_start3A_712 = tpu.memref_slice %arg8[%dma_start3A_710, %dma_start3A_711] : memref<16x32xi32, #tpu.memory_space<vmem>> -> memref<1x32xi32, #tpu.memory_space<vmem>>
    %dma_start3A_713 = tpu.memref_squeeze %dma_start3A_712 : memref<1x32xi32, #tpu.memory_space<vmem>> -> memref<32xi32, #tpu.memory_space<vmem>>
    %dma_start3A_714 = arith.constant 0 : i32
    %dma_start3A_715 = arith.constant 0 : i32
    %dma_start3A_716 = tpu.memref_slice %arg2[%dma_start3A_714, %dma_start3A_715] : memref<1536x768xf32, #tpu.memory_space<hbm>> -> memref<1536x768xf32, #tpu.memory_space<hbm>>
    tpu.enqueue_indirect_dma source(%dma_start3A_716 : memref<1536x768xf32, #tpu.memory_space<hbm>>) target(%arg10 : memref<32x768xf32, #tpu.memory_space<vmem>>) offsets(%dma_start3A_713 : memref<32xi32, #tpu.memory_space<vmem>>) semaphore(%arg14 : memref<!tpu.dma_semaphore, #tpu.memory_space<semaphore_mem>>)
    %dma_wait3A_717 = arith.constant 6 : i32
    %dma_wait3A_718 = arith.constant 0 : i32
    %dma_wait3A_719 = tpu.memref_slice %arg8[%dma_wait3A_717, %dma_wait3A_718] : memref<16x32xi32, #tpu.memory_space<vmem>> -> memref<1x32xi32, #tpu.memory_space<vmem>>
    %dma_wait3A_720 = tpu.memref_squeeze %dma_wait3A_719 : memref<1x32xi32, #tpu.memory_space<vmem>> -> memref<32xi32, #tpu.memory_space<vmem>>
    %dma_wait3A_721 = arith.constant 0 : i32
    %dma_wait3A_722 = arith.constant 0 : i32
    %dma_wait3A_723 = tpu.memref_slice %arg2[%dma_wait3A_721, %dma_wait3A_722] : memref<1536x768xf32, #tpu.memory_space<hbm>> -> memref<1536x768xf32, #tpu.memory_space<hbm>>
    tpu.wait_indirect_dma semaphore(%arg15 : memref<!tpu.dma_semaphore, #tpu.memory_space<semaphore_mem>>) src(%dma_wait3A_723 : memref<1536x768xf32, #tpu.memory_space<hbm>>) dst(%arg11 : memref<32x768xf32, #tpu.memory_space<vmem>>)
    %dma_start3A_724 = arith.constant 192 : i32
    %dma_start3A_725 = arith.constant 0 : i32
    %dma_start3A_726 = tpu.memref_slice %arg5[%add3A, %dma_start3A_724, %dma_start3A_725] : memref<32x512x768xf32, #tpu.memory_space<hbm>> -> memref<1x32x768xf32, #tpu.memory_space<hbm>>
    %dma_start3A_727 = tpu.memref_squeeze %dma_start3A_726 : memref<1x32x768xf32, #tpu.memory_space<hbm>> -> memref<32x768xf32, #tpu.memory_space<hbm>>
    %dma_start3A_728 = arith.constant 192 : i32
    %dma_start3A_729 = arith.constant 0 : i32
    %dma_start3A_730 = tpu.memref_slice %arg5[%add3A, %dma_start3A_728, %dma_start3A_729] : memref<32x512x768xf32, #tpu.memory_space<hbm>> -> memref<1x32x768xf32, #tpu.memory_space<hbm>>
    %dma_start3A_731 = tpu.memref_squeeze %dma_start3A_730 : memref<1x32x768xf32, #tpu.memory_space<hbm>> -> memref<32x768xf32, #tpu.memory_space<hbm>>
    tpu.enqueue_dma source(%arg11 : memref<32x768xf32, #tpu.memory_space<vmem>>) target(%dma_start3A_731 : memref<32x768xf32, #tpu.memory_space<hbm>>) target_semaphore(%arg19 : memref<!tpu.dma_semaphore, #tpu.memory_space<semaphore_mem>>)
    %dma_wait3A_732 = arith.constant 192 : i32
    %dma_wait3A_733 = arith.constant 0 : i32
    %dma_wait3A_734 = tpu.memref_slice %arg5[%add3A, %dma_wait3A_732, %dma_wait3A_733] : memref<32x512x768xf32, #tpu.memory_space<hbm>> -> memref<1x32x768xf32, #tpu.memory_space<hbm>>
    %dma_wait3A_735 = tpu.memref_squeeze %dma_wait3A_734 : memref<1x32x768xf32, #tpu.memory_space<hbm>> -> memref<32x768xf32, #tpu.memory_space<hbm>>
    %dma_wait3A_736 = arith.constant 192 : i32
    %dma_wait3A_737 = arith.constant 0 : i32
    %dma_wait3A_738 = tpu.memref_slice %arg5[%add3A, %dma_wait3A_736, %dma_wait3A_737] : memref<32x512x768xf32, #tpu.memory_space<hbm>> -> memref<1x32x768xf32, #tpu.memory_space<hbm>>
    %dma_wait3A_739 = tpu.memref_squeeze %dma_wait3A_738 : memref<1x32x768xf32, #tpu.memory_space<hbm>> -> memref<32x768xf32, #tpu.memory_space<hbm>>
    tpu.wait_dma2 semaphore(%arg19 : memref<!tpu.dma_semaphore, #tpu.memory_space<semaphore_mem>>) src(%arg11 : memref<32x768xf32, #tpu.memory_space<vmem>>) dst(%dma_wait3A_739 : memref<32x768xf32, #tpu.memory_space<hbm>>)
    %dma_start3A_740 = arith.constant 10 : i32
    %dma_start3A_741 = arith.constant 0 : i32
    %dma_start3A_742 = tpu.memref_slice %arg8[%dma_start3A_740, %dma_start3A_741] : memref<16x32xi32, #tpu.memory_space<vmem>> -> memref<1x32xi32, #tpu.memory_space<vmem>>
    %dma_start3A_743 = tpu.memref_squeeze %dma_start3A_742 : memref<1x32xi32, #tpu.memory_space<vmem>> -> memref<32xi32, #tpu.memory_space<vmem>>
    %dma_start3A_744 = arith.constant 0 : i32
    %dma_start3A_745 = arith.constant 0 : i32
    %dma_start3A_746 = tpu.memref_slice %arg2[%dma_start3A_744, %dma_start3A_745] : memref<1536x768xf32, #tpu.memory_space<hbm>> -> memref<1536x768xf32, #tpu.memory_space<hbm>>
    tpu.enqueue_indirect_dma source(%dma_start3A_746 : memref<1536x768xf32, #tpu.memory_space<hbm>>) target(%arg11 : memref<32x768xf32, #tpu.memory_space<vmem>>) offsets(%dma_start3A_743 : memref<32xi32, #tpu.memory_space<vmem>>) semaphore(%arg15 : memref<!tpu.dma_semaphore, #tpu.memory_space<semaphore_mem>>)
    %dma_wait3A_747 = arith.constant 7 : i32
    %dma_wait3A_748 = arith.constant 0 : i32
    %dma_wait3A_749 = tpu.memref_slice %arg8[%dma_wait3A_747, %dma_wait3A_748] : memref<16x32xi32, #tpu.memory_space<vmem>> -> memref<1x32xi32, #tpu.memory_space<vmem>>
    %dma_wait3A_750 = tpu.memref_squeeze %dma_wait3A_749 : memref<1x32xi32, #tpu.memory_space<vmem>> -> memref<32xi32, #tpu.memory_space<vmem>>
    %dma_wait3A_751 = arith.constant 0 : i32
    %dma_wait3A_752 = arith.constant 0 : i32
    %dma_wait3A_753 = tpu.memref_slice %arg2[%dma_wait3A_751, %dma_wait3A_752] : memref<1536x768xf32, #tpu.memory_space<hbm>> -> memref<1536x768xf32, #tpu.memory_space<hbm>>
    tpu.wait_indirect_dma semaphore(%arg16 : memref<!tpu.dma_semaphore, #tpu.memory_space<semaphore_mem>>) src(%dma_wait3A_753 : memref<1536x768xf32, #tpu.memory_space<hbm>>) dst(%arg12 : memref<32x768xf32, #tpu.memory_space<vmem>>)
    %dma_start3A_754 = arith.constant 224 : i32
    %dma_start3A_755 = arith.constant 0 : i32
    %dma_start3A_756 = tpu.memref_slice %arg5[%add3A, %dma_start3A_754, %dma_start3A_755] : memref<32x512x768xf32, #tpu.memory_space<hbm>> -> memref<1x32x768xf32, #tpu.memory_space<hbm>>
    %dma_start3A_757 = tpu.memref_squeeze %dma_start3A_756 : memref<1x32x768xf32, #tpu.memory_space<hbm>> -> memref<32x768xf32, #tpu.memory_space<hbm>>
    %dma_start3A_758 = arith.constant 224 : i32
    %dma_start3A_759 = arith.constant 0 : i32
    %dma_start3A_760 = tpu.memref_slice %arg5[%add3A, %dma_start3A_758, %dma_start3A_759] : memref<32x512x768xf32, #tpu.memory_space<hbm>> -> memref<1x32x768xf32, #tpu.memory_space<hbm>>
    %dma_start3A_761 = tpu.memref_squeeze %dma_start3A_760 : memref<1x32x768xf32, #tpu.memory_space<hbm>> -> memref<32x768xf32, #tpu.memory_space<hbm>>
    tpu.enqueue_dma source(%arg12 : memref<32x768xf32, #tpu.memory_space<vmem>>) target(%dma_start3A_761 : memref<32x768xf32, #tpu.memory_space<hbm>>) target_semaphore(%arg20 : memref<!tpu.dma_semaphore, #tpu.memory_space<semaphore_mem>>)
    %dma_wait3A_762 = arith.constant 224 : i32
    %dma_wait3A_763 = arith.constant 0 : i32
    %dma_wait3A_764 = tpu.memref_slice %arg5[%add3A, %dma_wait3A_762, %dma_wait3A_763] : memref<32x512x768xf32, #tpu.memory_space<hbm>> -> memref<1x32x768xf32, #tpu.memory_space<hbm>>
    %dma_wait3A_765 = tpu.memref_squeeze %dma_wait3A_764 : memref<1x32x768xf32, #tpu.memory_space<hbm>> -> memref<32x768xf32, #tpu.memory_space<hbm>>
    %dma_wait3A_766 = arith.constant 224 : i32
    %dma_wait3A_767 = arith.constant 0 : i32
    %dma_wait3A_768 = tpu.memref_slice %arg5[%add3A, %dma_wait3A_766, %dma_wait3A_767] : memref<32x512x768xf32, #tpu.memory_space<hbm>> -> memref<1x32x768xf32, #tpu.memory_space<hbm>>
    %dma_wait3A_769 = tpu.memref_squeeze %dma_wait3A_768 : memref<1x32x768xf32, #tpu.memory_space<hbm>> -> memref<32x768xf32, #tpu.memory_space<hbm>>
    tpu.wait_dma2 semaphore(%arg20 : memref<!tpu.dma_semaphore, #tpu.memory_space<semaphore_mem>>) src(%arg12 : memref<32x768xf32, #tpu.memory_space<vmem>>) dst(%dma_wait3A_769 : memref<32x768xf32, #tpu.memory_space<hbm>>)
    %dma_start3A_770 = arith.constant 11 : i32
    %dma_start3A_771 = arith.constant 0 : i32
    %dma_start3A_772 = tpu.memref_slice %arg8[%dma_start3A_770, %dma_start3A_771] : memref<16x32xi32, #tpu.memory_space<vmem>> -> memref<1x32xi32, #tpu.memory_space<vmem>>
    %dma_start3A_773 = tpu.memref_squeeze %dma_start3A_772 : memref<1x32xi32, #tpu.memory_space<vmem>> -> memref<32xi32, #tpu.memory_space<vmem>>
    %dma_start3A_774 = arith.constant 0 : i32
    %dma_start3A_775 = arith.constant 0 : i32
    %dma_start3A_776 = tpu.memref_slice %arg2[%dma_start3A_774, %dma_start3A_775] : memref<1536x768xf32, #tpu.memory_space<hbm>> -> memref<1536x768xf32, #tpu.memory_space<hbm>>
    tpu.enqueue_indirect_dma source(%dma_start3A_776 : memref<1536x768xf32, #tpu.memory_space<hbm>>) target(%arg12 : memref<32x768xf32, #tpu.memory_space<vmem>>) offsets(%dma_start3A_773 : memref<32xi32, #tpu.memory_space<vmem>>) semaphore(%arg16 : memref<!tpu.dma_semaphore, #tpu.memory_space<semaphore_mem>>)
    %dma_wait3A_777 = arith.constant 8 : i32
    %dma_wait3A_778 = arith.constant 0 : i32
    %dma_wait3A_779 = tpu.memref_slice %arg8[%dma_wait3A_777, %dma_wait3A_778] : memref<16x32xi32, #tpu.memory_space<vmem>> -> memref<1x32xi32, #tpu.memory_space<vmem>>
    %dma_wait3A_780 = tpu.memref_squeeze %dma_wait3A_779 : memref<1x32xi32, #tpu.memory_space<vmem>> -> memref<32xi32, #tpu.memory_space<vmem>>
    %dma_wait3A_781 = arith.constant 0 : i32
    %dma_wait3A_782 = arith.constant 0 : i32
    %dma_wait3A_783 = tpu.memref_slice %arg2[%dma_wait3A_781, %dma_wait3A_782] : memref<1536x768xf32, #tpu.memory_space<hbm>> -> memref<1536x768xf32, #tpu.memory_space<hbm>>
    tpu.wait_indirect_dma semaphore(%arg13 : memref<!tpu.dma_semaphore, #tpu.memory_space<semaphore_mem>>) src(%dma_wait3A_783 : memref<1536x768xf32, #tpu.memory_space<hbm>>) dst(%arg9 : memref<32x768xf32, #tpu.memory_space<vmem>>)
    %dma_start3A_784 = arith.constant 256 : i32
    %dma_start3A_785 = arith.constant 0 : i32
    %dma_start3A_786 = tpu.memref_slice %arg5[%add3A, %dma_start3A_784, %dma_start3A_785] : memref<32x512x768xf32, #tpu.memory_space<hbm>> -> memref<1x32x768xf32, #tpu.memory_space<hbm>>
    %dma_start3A_787 = tpu.memref_squeeze %dma_start3A_786 : memref<1x32x768xf32, #tpu.memory_space<hbm>> -> memref<32x768xf32, #tpu.memory_space<hbm>>
    %dma_start3A_788 = arith.constant 256 : i32
    %dma_start3A_789 = arith.constant 0 : i32
    %dma_start3A_790 = tpu.memref_slice %arg5[%add3A, %dma_start3A_788, %dma_start3A_789] : memref<32x512x768xf32, #tpu.memory_space<hbm>> -> memref<1x32x768xf32, #tpu.memory_space<hbm>>
    %dma_start3A_791 = tpu.memref_squeeze %dma_start3A_790 : memref<1x32x768xf32, #tpu.memory_space<hbm>> -> memref<32x768xf32, #tpu.memory_space<hbm>>
    tpu.enqueue_dma source(%arg9 : memref<32x768xf32, #tpu.memory_space<vmem>>) target(%dma_start3A_791 : memref<32x768xf32, #tpu.memory_space<hbm>>) target_semaphore(%arg17 : memref<!tpu.dma_semaphore, #tpu.memory_space<semaphore_mem>>)
    %dma_wait3A_792 = arith.constant 256 : i32
    %dma_wait3A_793 = arith.constant 0 : i32
    %dma_wait3A_794 = tpu.memref_slice %arg5[%add3A, %dma_wait3A_792, %dma_wait3A_793] : memref<32x512x768xf32, #tpu.memory_space<hbm>> -> memref<1x32x768xf32, #tpu.memory_space<hbm>>
    %dma_wait3A_795 = tpu.memref_squeeze %dma_wait3A_794 : memref<1x32x768xf32, #tpu.memory_space<hbm>> -> memref<32x768xf32, #tpu.memory_space<hbm>>
    %dma_wait3A_796 = arith.constant 256 : i32
    %dma_wait3A_797 = arith.constant 0 : i32
    %dma_wait3A_798 = tpu.memref_slice %arg5[%add3A, %dma_wait3A_796, %dma_wait3A_797] : memref<32x512x768xf32, #tpu.memory_space<hbm>> -> memref<1x32x768xf32, #tpu.memory_space<hbm>>
    %dma_wait3A_799 = tpu.memref_squeeze %dma_wait3A_798 : memref<1x32x768xf32, #tpu.memory_space<hbm>> -> memref<32x768xf32, #tpu.memory_space<hbm>>
    tpu.wait_dma2 semaphore(%arg17 : memref<!tpu.dma_semaphore, #tpu.memory_space<semaphore_mem>>) src(%arg9 : memref<32x768xf32, #tpu.memory_space<vmem>>) dst(%dma_wait3A_799 : memref<32x768xf32, #tpu.memory_space<hbm>>)
    %dma_start3A_800 = arith.constant 12 : i32
    %dma_start3A_801 = arith.constant 0 : i32
    %dma_start3A_802 = tpu.memref_slice %arg8[%dma_start3A_800, %dma_start3A_801] : memref<16x32xi32, #tpu.memory_space<vmem>> -> memref<1x32xi32, #tpu.memory_space<vmem>>
    %dma_start3A_803 = tpu.memref_squeeze %dma_start3A_802 : memref<1x32xi32, #tpu.memory_space<vmem>> -> memref<32xi32, #tpu.memory_space<vmem>>
    %dma_start3A_804 = arith.constant 0 : i32
    %dma_start3A_805 = arith.constant 0 : i32
    %dma_start3A_806 = tpu.memref_slice %arg2[%dma_start3A_804, %dma_start3A_805] : memref<1536x768xf32, #tpu.memory_space<hbm>> -> memref<1536x768xf32, #tpu.memory_space<hbm>>
    tpu.enqueue_indirect_dma source(%dma_start3A_806 : memref<1536x768xf32, #tpu.memory_space<hbm>>) target(%arg9 : memref<32x768xf32, #tpu.memory_space<vmem>>) offsets(%dma_start3A_803 : memref<32xi32, #tpu.memory_space<vmem>>) semaphore(%arg13 : memref<!tpu.dma_semaphore, #tpu.memory_space<semaphore_mem>>)
    %dma_wait3A_807 = arith.constant 9 : i32
    %dma_wait3A_808 = arith.constant 0 : i32
    %dma_wait3A_809 = tpu.memref_slice %arg8[%dma_wait3A_807, %dma_wait3A_808] : memref<16x32xi32, #tpu.memory_space<vmem>> -> memref<1x32xi32, #tpu.memory_space<vmem>>
    %dma_wait3A_810 = tpu.memref_squeeze %dma_wait3A_809 : memref<1x32xi32, #tpu.memory_space<vmem>> -> memref<32xi32, #tpu.memory_space<vmem>>
    %dma_wait3A_811 = arith.constant 0 : i32
    %dma_wait3A_812 = arith.constant 0 : i32
    %dma_wait3A_813 = tpu.memref_slice %arg2[%dma_wait3A_811, %dma_wait3A_812] : memref<1536x768xf32, #tpu.memory_space<hbm>> -> memref<1536x768xf32, #tpu.memory_space<hbm>>
    tpu.wait_indirect_dma semaphore(%arg14 : memref<!tpu.dma_semaphore, #tpu.memory_space<semaphore_mem>>) src(%dma_wait3A_813 : memref<1536x768xf32, #tpu.memory_space<hbm>>) dst(%arg10 : memref<32x768xf32, #tpu.memory_space<vmem>>)
    %dma_start3A_814 = arith.constant 288 : i32
    %dma_start3A_815 = arith.constant 0 : i32
    %dma_start3A_816 = tpu.memref_slice %arg5[%add3A, %dma_start3A_814, %dma_start3A_815] : memref<32x512x768xf32, #tpu.memory_space<hbm>> -> memref<1x32x768xf32, #tpu.memory_space<hbm>>
    %dma_start3A_817 = tpu.memref_squeeze %dma_start3A_816 : memref<1x32x768xf32, #tpu.memory_space<hbm>> -> memref<32x768xf32, #tpu.memory_space<hbm>>
    %dma_start3A_818 = arith.constant 288 : i32
    %dma_start3A_819 = arith.constant 0 : i32
    %dma_start3A_820 = tpu.memref_slice %arg5[%add3A, %dma_start3A_818, %dma_start3A_819] : memref<32x512x768xf32, #tpu.memory_space<hbm>> -> memref<1x32x768xf32, #tpu.memory_space<hbm>>
    %dma_start3A_821 = tpu.memref_squeeze %dma_start3A_820 : memref<1x32x768xf32, #tpu.memory_space<hbm>> -> memref<32x768xf32, #tpu.memory_space<hbm>>
    tpu.enqueue_dma source(%arg10 : memref<32x768xf32, #tpu.memory_space<vmem>>) target(%dma_start3A_821 : memref<32x768xf32, #tpu.memory_space<hbm>>) target_semaphore(%arg18 : memref<!tpu.dma_semaphore, #tpu.memory_space<semaphore_mem>>)
    %dma_wait3A_822 = arith.constant 288 : i32
    %dma_wait3A_823 = arith.constant 0 : i32
    %dma_wait3A_824 = tpu.memref_slice %arg5[%add3A, %dma_wait3A_822, %dma_wait3A_823] : memref<32x512x768xf32, #tpu.memory_space<hbm>> -> memref<1x32x768xf32, #tpu.memory_space<hbm>>
    %dma_wait3A_825 = tpu.memref_squeeze %dma_wait3A_824 : memref<1x32x768xf32, #tpu.memory_space<hbm>> -> memref<32x768xf32, #tpu.memory_space<hbm>>
    %dma_wait3A_826 = arith.constant 288 : i32
    %dma_wait3A_827 = arith.constant 0 : i32
    %dma_wait3A_828 = tpu.memref_slice %arg5[%add3A, %dma_wait3A_826, %dma_wait3A_827] : memref<32x512x768xf32, #tpu.memory_space<hbm>> -> memref<1x32x768xf32, #tpu.memory_space<hbm>>
    %dma_wait3A_829 = tpu.memref_squeeze %dma_wait3A_828 : memref<1x32x768xf32, #tpu.memory_space<hbm>> -> memref<32x768xf32, #tpu.memory_space<hbm>>
    tpu.wait_dma2 semaphore(%arg18 : memref<!tpu.dma_semaphore, #tpu.memory_space<semaphore_mem>>) src(%arg10 : memref<32x768xf32, #tpu.memory_space<vmem>>) dst(%dma_wait3A_829 : memref<32x768xf32, #tpu.memory_space<hbm>>)
    %dma_start3A_830 = arith.constant 13 : i32
    %dma_start3A_831 = arith.constant 0 : i32
    %dma_start3A_832 = tpu.memref_slice %arg8[%dma_start3A_830, %dma_start3A_831] : memref<16x32xi32, #tpu.memory_space<vmem>> -> memref<1x32xi32, #tpu.memory_space<vmem>>
    %dma_start3A_833 = tpu.memref_squeeze %dma_start3A_832 : memref<1x32xi32, #tpu.memory_space<vmem>> -> memref<32xi32, #tpu.memory_space<vmem>>
    %dma_start3A_834 = arith.constant 0 : i32
    %dma_start3A_835 = arith.constant 0 : i32
    %dma_start3A_836 = tpu.memref_slice %arg2[%dma_start3A_834, %dma_start3A_835] : memref<1536x768xf32, #tpu.memory_space<hbm>> -> memref<1536x768xf32, #tpu.memory_space<hbm>>
    tpu.enqueue_indirect_dma source(%dma_start3A_836 : memref<1536x768xf32, #tpu.memory_space<hbm>>) target(%arg10 : memref<32x768xf32, #tpu.memory_space<vmem>>) offsets(%dma_start3A_833 : memref<32xi32, #tpu.memory_space<vmem>>) semaphore(%arg14 : memref<!tpu.dma_semaphore, #tpu.memory_space<semaphore_mem>>)
    %dma_wait3A_837 = arith.constant 10 : i32
    %dma_wait3A_838 = arith.constant 0 : i32
    %dma_wait3A_839 = tpu.memref_slice %arg8[%dma_wait3A_837, %dma_wait3A_838] : memref<16x32xi32, #tpu.memory_space<vmem>> -> memref<1x32xi32, #tpu.memory_space<vmem>>
    %dma_wait3A_840 = tpu.memref_squeeze %dma_wait3A_839 : memref<1x32xi32, #tpu.memory_space<vmem>> -> memref<32xi32, #tpu.memory_space<vmem>>
    %dma_wait3A_841 = arith.constant 0 : i32
    %dma_wait3A_842 = arith.constant 0 : i32
    %dma_wait3A_843 = tpu.memref_slice %arg2[%dma_wait3A_841, %dma_wait3A_842] : memref<1536x768xf32, #tpu.memory_space<hbm>> -> memref<1536x768xf32, #tpu.memory_space<hbm>>
    tpu.wait_indirect_dma semaphore(%arg15 : memref<!tpu.dma_semaphore, #tpu.memory_space<semaphore_mem>>) src(%dma_wait3A_843 : memref<1536x768xf32, #tpu.memory_space<hbm>>) dst(%arg11 : memref<32x768xf32, #tpu.memory_space<vmem>>)
    %dma_start3A_844 = arith.constant 320 : i32
    %dma_start3A_845 = arith.constant 0 : i32
    %dma_start3A_846 = tpu.memref_slice %arg5[%add3A, %dma_start3A_844, %dma_start3A_845] : memref<32x512x768xf32, #tpu.memory_space<hbm>> -> memref<1x32x768xf32, #tpu.memory_space<hbm>>
    %dma_start3A_847 = tpu.memref_squeeze %dma_start3A_846 : memref<1x32x768xf32, #tpu.memory_space<hbm>> -> memref<32x768xf32, #tpu.memory_space<hbm>>
    %dma_start3A_848 = arith.constant 320 : i32
    %dma_start3A_849 = arith.constant 0 : i32
    %dma_start3A_850 = tpu.memref_slice %arg5[%add3A, %dma_start3A_848, %dma_start3A_849] : memref<32x512x768xf32, #tpu.memory_space<hbm>> -> memref<1x32x768xf32, #tpu.memory_space<hbm>>
    %dma_start3A_851 = tpu.memref_squeeze %dma_start3A_850 : memref<1x32x768xf32, #tpu.memory_space<hbm>> -> memref<32x768xf32, #tpu.memory_space<hbm>>
    tpu.enqueue_dma source(%arg11 : memref<32x768xf32, #tpu.memory_space<vmem>>) target(%dma_start3A_851 : memref<32x768xf32, #tpu.memory_space<hbm>>) target_semaphore(%arg19 : memref<!tpu.dma_semaphore, #tpu.memory_space<semaphore_mem>>)
    %dma_wait3A_852 = arith.constant 320 : i32
    %dma_wait3A_853 = arith.constant 0 : i32
    %dma_wait3A_854 = tpu.memref_slice %arg5[%add3A, %dma_wait3A_852, %dma_wait3A_853] : memref<32x512x768xf32, #tpu.memory_space<hbm>> -> memref<1x32x768xf32, #tpu.memory_space<hbm>>
    %dma_wait3A_855 = tpu.memref_squeeze %dma_wait3A_854 : memref<1x32x768xf32, #tpu.memory_space<hbm>> -> memref<32x768xf32, #tpu.memory_space<hbm>>
    %dma_wait3A_856 = arith.constant 320 : i32
    %dma_wait3A_857 = arith.constant 0 : i32
    %dma_wait3A_858 = tpu.memref_slice %arg5[%add3A, %dma_wait3A_856, %dma_wait3A_857] : memref<32x512x768xf32, #tpu.memory_space<hbm>> -> memref<1x32x768xf32, #tpu.memory_space<hbm>>
    %dma_wait3A_859 = tpu.memref_squeeze %dma_wait3A_858 : memref<1x32x768xf32, #tpu.memory_space<hbm>> -> memref<32x768xf32, #tpu.memory_space<hbm>>
    tpu.wait_dma2 semaphore(%arg19 : memref<!tpu.dma_semaphore, #tpu.memory_space<semaphore_mem>>) src(%arg11 : memref<32x768xf32, #tpu.memory_space<vmem>>) dst(%dma_wait3A_859 : memref<32x768xf32, #tpu.memory_space<hbm>>)
    %dma_start3A_860 = arith.constant 14 : i32
    %dma_start3A_861 = arith.constant 0 : i32
    %dma_start3A_862 = tpu.memref_slice %arg8[%dma_start3A_860, %dma_start3A_861] : memref<16x32xi32, #tpu.memory_space<vmem>> -> memref<1x32xi32, #tpu.memory_space<vmem>>
    %dma_start3A_863 = tpu.memref_squeeze %dma_start3A_862 : memref<1x32xi32, #tpu.memory_space<vmem>> -> memref<32xi32, #tpu.memory_space<vmem>>
    %dma_start3A_864 = arith.constant 0 : i32
    %dma_start3A_865 = arith.constant 0 : i32
    %dma_start3A_866 = tpu.memref_slice %arg2[%dma_start3A_864, %dma_start3A_865] : memref<1536x768xf32, #tpu.memory_space<hbm>> -> memref<1536x768xf32, #tpu.memory_space<hbm>>
    tpu.enqueue_indirect_dma source(%dma_start3A_866 : memref<1536x768xf32, #tpu.memory_space<hbm>>) target(%arg11 : memref<32x768xf32, #tpu.memory_space<vmem>>) offsets(%dma_start3A_863 : memref<32xi32, #tpu.memory_space<vmem>>) semaphore(%arg15 : memref<!tpu.dma_semaphore, #tpu.memory_space<semaphore_mem>>)
    %dma_wait3A_867 = arith.constant 11 : i32
    %dma_wait3A_868 = arith.constant 0 : i32
    %dma_wait3A_869 = tpu.memref_slice %arg8[%dma_wait3A_867, %dma_wait3A_868] : memref<16x32xi32, #tpu.memory_space<vmem>> -> memref<1x32xi32, #tpu.memory_space<vmem>>
    %dma_wait3A_870 = tpu.memref_squeeze %dma_wait3A_869 : memref<1x32xi32, #tpu.memory_space<vmem>> -> memref<32xi32, #tpu.memory_space<vmem>>
    %dma_wait3A_871 = arith.constant 0 : i32
    %dma_wait3A_872 = arith.constant 0 : i32
    %dma_wait3A_873 = tpu.memref_slice %arg2[%dma_wait3A_871, %dma_wait3A_872] : memref<1536x768xf32, #tpu.memory_space<hbm>> -> memref<1536x768xf32, #tpu.memory_space<hbm>>
    tpu.wait_indirect_dma semaphore(%arg16 : memref<!tpu.dma_semaphore, #tpu.memory_space<semaphore_mem>>) src(%dma_wait3A_873 : memref<1536x768xf32, #tpu.memory_space<hbm>>) dst(%arg12 : memref<32x768xf32, #tpu.memory_space<vmem>>)
    %dma_start3A_874 = arith.constant 352 : i32
    %dma_start3A_875 = arith.constant 0 : i32
    %dma_start3A_876 = tpu.memref_slice %arg5[%add3A, %dma_start3A_874, %dma_start3A_875] : memref<32x512x768xf32, #tpu.memory_space<hbm>> -> memref<1x32x768xf32, #tpu.memory_space<hbm>>
    %dma_start3A_877 = tpu.memref_squeeze %dma_start3A_876 : memref<1x32x768xf32, #tpu.memory_space<hbm>> -> memref<32x768xf32, #tpu.memory_space<hbm>>
    %dma_start3A_878 = arith.constant 352 : i32
    %dma_start3A_879 = arith.constant 0 : i32
    %dma_start3A_880 = tpu.memref_slice %arg5[%add3A, %dma_start3A_878, %dma_start3A_879] : memref<32x512x768xf32, #tpu.memory_space<hbm>> -> memref<1x32x768xf32, #tpu.memory_space<hbm>>
    %dma_start3A_881 = tpu.memref_squeeze %dma_start3A_880 : memref<1x32x768xf32, #tpu.memory_space<hbm>> -> memref<32x768xf32, #tpu.memory_space<hbm>>
    tpu.enqueue_dma source(%arg12 : memref<32x768xf32, #tpu.memory_space<vmem>>) target(%dma_start3A_881 : memref<32x768xf32, #tpu.memory_space<hbm>>) target_semaphore(%arg20 : memref<!tpu.dma_semaphore, #tpu.memory_space<semaphore_mem>>)
    %dma_wait3A_882 = arith.constant 352 : i32
    %dma_wait3A_883 = arith.constant 0 : i32
    %dma_wait3A_884 = tpu.memref_slice %arg5[%add3A, %dma_wait3A_882, %dma_wait3A_883] : memref<32x512x768xf32, #tpu.memory_space<hbm>> -> memref<1x32x768xf32, #tpu.memory_space<hbm>>
    %dma_wait3A_885 = tpu.memref_squeeze %dma_wait3A_884 : memref<1x32x768xf32, #tpu.memory_space<hbm>> -> memref<32x768xf32, #tpu.memory_space<hbm>>
    %dma_wait3A_886 = arith.constant 352 : i32
    %dma_wait3A_887 = arith.constant 0 : i32
    %dma_wait3A_888 = tpu.memref_slice %arg5[%add3A, %dma_wait3A_886, %dma_wait3A_887] : memref<32x512x768xf32, #tpu.memory_space<hbm>> -> memref<1x32x768xf32, #tpu.memory_space<hbm>>
    %dma_wait3A_889 = tpu.memref_squeeze %dma_wait3A_888 : memref<1x32x768xf32, #tpu.memory_space<hbm>> -> memref<32x768xf32, #tpu.memory_space<hbm>>
    tpu.wait_dma2 semaphore(%arg20 : memref<!tpu.dma_semaphore, #tpu.memory_space<semaphore_mem>>) src(%arg12 : memref<32x768xf32, #tpu.memory_space<vmem>>) dst(%dma_wait3A_889 : memref<32x768xf32, #tpu.memory_space<hbm>>)
    %dma_start3A_890 = arith.constant 15 : i32
    %dma_start3A_891 = arith.constant 0 : i32
    %dma_start3A_892 = tpu.memref_slice %arg8[%dma_start3A_890, %dma_start3A_891] : memref<16x32xi32, #tpu.memory_space<vmem>> -> memref<1x32xi32, #tpu.memory_space<vmem>>
    %dma_start3A_893 = tpu.memref_squeeze %dma_start3A_892 : memref<1x32xi32, #tpu.memory_space<vmem>> -> memref<32xi32, #tpu.memory_space<vmem>>
    %dma_start3A_894 = arith.constant 0 : i32
    %dma_start3A_895 = arith.constant 0 : i32
    %dma_start3A_896 = tpu.memref_slice %arg2[%dma_start3A_894, %dma_start3A_895] : memref<1536x768xf32, #tpu.memory_space<hbm>> -> memref<1536x768xf32, #tpu.memory_space<hbm>>
    tpu.enqueue_indirect_dma source(%dma_start3A_896 : memref<1536x768xf32, #tpu.memory_space<hbm>>) target(%arg12 : memref<32x768xf32, #tpu.memory_space<vmem>>) offsets(%dma_start3A_893 : memref<32xi32, #tpu.memory_space<vmem>>) semaphore(%arg16 : memref<!tpu.dma_semaphore, #tpu.memory_space<semaphore_mem>>)
    %dma_wait3A_897 = arith.constant 12 : i32
    %dma_wait3A_898 = arith.constant 0 : i32
    %dma_wait3A_899 = tpu.memref_slice %arg8[%dma_wait3A_897, %dma_wait3A_898] : memref<16x32xi32, #tpu.memory_space<vmem>> -> memref<1x32xi32, #tpu.memory_space<vmem>>
    %dma_wait3A_900 = tpu.memref_squeeze %dma_wait3A_899 : memref<1x32xi32, #tpu.memory_space<vmem>> -> memref<32xi32, #tpu.memory_space<vmem>>
    %dma_wait3A_901 = arith.constant 0 : i32
    %dma_wait3A_902 = arith.constant 0 : i32
    %dma_wait3A_903 = tpu.memref_slice %arg2[%dma_wait3A_901, %dma_wait3A_902] : memref<1536x768xf32, #tpu.memory_space<hbm>> -> memref<1536x768xf32, #tpu.memory_space<hbm>>
    tpu.wait_indirect_dma semaphore(%arg13 : memref<!tpu.dma_semaphore, #tpu.memory_space<semaphore_mem>>) src(%dma_wait3A_903 : memref<1536x768xf32, #tpu.memory_space<hbm>>) dst(%arg9 : memref<32x768xf32, #tpu.memory_space<vmem>>)
    %dma_start3A_904 = arith.constant 384 : i32
    %dma_start3A_905 = arith.constant 0 : i32
    %dma_start3A_906 = tpu.memref_slice %arg5[%add3A, %dma_start3A_904, %dma_start3A_905] : memref<32x512x768xf32, #tpu.memory_space<hbm>> -> memref<1x32x768xf32, #tpu.memory_space<hbm>>
    %dma_start3A_907 = tpu.memref_squeeze %dma_start3A_906 : memref<1x32x768xf32, #tpu.memory_space<hbm>> -> memref<32x768xf32, #tpu.memory_space<hbm>>
    %dma_start3A_908 = arith.constant 384 : i32
    %dma_start3A_909 = arith.constant 0 : i32
    %dma_start3A_910 = tpu.memref_slice %arg5[%add3A, %dma_start3A_908, %dma_start3A_909] : memref<32x512x768xf32, #tpu.memory_space<hbm>> -> memref<1x32x768xf32, #tpu.memory_space<hbm>>
    %dma_start3A_911 = tpu.memref_squeeze %dma_start3A_910 : memref<1x32x768xf32, #tpu.memory_space<hbm>> -> memref<32x768xf32, #tpu.memory_space<hbm>>
    tpu.enqueue_dma source(%arg9 : memref<32x768xf32, #tpu.memory_space<vmem>>) target(%dma_start3A_911 : memref<32x768xf32, #tpu.memory_space<hbm>>) target_semaphore(%arg17 : memref<!tpu.dma_semaphore, #tpu.memory_space<semaphore_mem>>)
    %dma_wait3A_912 = arith.constant 13 : i32
    %dma_wait3A_913 = arith.constant 0 : i32
    %dma_wait3A_914 = tpu.memref_slice %arg8[%dma_wait3A_912, %dma_wait3A_913] : memref<16x32xi32, #tpu.memory_space<vmem>> -> memref<1x32xi32, #tpu.memory_space<vmem>>
    %dma_wait3A_915 = tpu.memref_squeeze %dma_wait3A_914 : memref<1x32xi32, #tpu.memory_space<vmem>> -> memref<32xi32, #tpu.memory_space<vmem>>
    %dma_wait3A_916 = arith.constant 0 : i32
    %dma_wait3A_917 = arith.constant 0 : i32
    %dma_wait3A_918 = tpu.memref_slice %arg2[%dma_wait3A_916, %dma_wait3A_917] : memref<1536x768xf32, #tpu.memory_space<hbm>> -> memref<1536x768xf32, #tpu.memory_space<hbm>>
    tpu.wait_indirect_dma semaphore(%arg14 : memref<!tpu.dma_semaphore, #tpu.memory_space<semaphore_mem>>) src(%dma_wait3A_918 : memref<1536x768xf32, #tpu.memory_space<hbm>>) dst(%arg10 : memref<32x768xf32, #tpu.memory_space<vmem>>)
    %dma_start3A_919 = arith.constant 416 : i32
    %dma_start3A_920 = arith.constant 0 : i32
    %dma_start3A_921 = tpu.memref_slice %arg5[%add3A, %dma_start3A_919, %dma_start3A_920] : memref<32x512x768xf32, #tpu.memory_space<hbm>> -> memref<1x32x768xf32, #tpu.memory_space<hbm>>
    %dma_start3A_922 = tpu.memref_squeeze %dma_start3A_921 : memref<1x32x768xf32, #tpu.memory_space<hbm>> -> memref<32x768xf32, #tpu.memory_space<hbm>>
    %dma_start3A_923 = arith.constant 416 : i32
    %dma_start3A_924 = arith.constant 0 : i32
    %dma_start3A_925 = tpu.memref_slice %arg5[%add3A, %dma_start3A_923, %dma_start3A_924] : memref<32x512x768xf32, #tpu.memory_space<hbm>> -> memref<1x32x768xf32, #tpu.memory_space<hbm>>
    %dma_start3A_926 = tpu.memref_squeeze %dma_start3A_925 : memref<1x32x768xf32, #tpu.memory_space<hbm>> -> memref<32x768xf32, #tpu.memory_space<hbm>>
    tpu.enqueue_dma source(%arg10 : memref<32x768xf32, #tpu.memory_space<vmem>>) target(%dma_start3A_926 : memref<32x768xf32, #tpu.memory_space<hbm>>) target_semaphore(%arg18 : memref<!tpu.dma_semaphore, #tpu.memory_space<semaphore_mem>>)
    %dma_wait3A_927 = arith.constant 14 : i32
    %dma_wait3A_928 = arith.constant 0 : i32
    %dma_wait3A_929 = tpu.memref_slice %arg8[%dma_wait3A_927, %dma_wait3A_928] : memref<16x32xi32, #tpu.memory_space<vmem>> -> memref<1x32xi32, #tpu.memory_space<vmem>>
    %dma_wait3A_930 = tpu.memref_squeeze %dma_wait3A_929 : memref<1x32xi32, #tpu.memory_space<vmem>> -> memref<32xi32, #tpu.memory_space<vmem>>
    %dma_wait3A_931 = arith.constant 0 : i32
    %dma_wait3A_932 = arith.constant 0 : i32
    %dma_wait3A_933 = tpu.memref_slice %arg2[%dma_wait3A_931, %dma_wait3A_932] : memref<1536x768xf32, #tpu.memory_space<hbm>> -> memref<1536x768xf32, #tpu.memory_space<hbm>>
    tpu.wait_indirect_dma semaphore(%arg15 : memref<!tpu.dma_semaphore, #tpu.memory_space<semaphore_mem>>) src(%dma_wait3A_933 : memref<1536x768xf32, #tpu.memory_space<hbm>>) dst(%arg11 : memref<32x768xf32, #tpu.memory_space<vmem>>)
    %dma_start3A_934 = arith.constant 448 : i32
    %dma_start3A_935 = arith.constant 0 : i32
    %dma_start3A_936 = tpu.memref_slice %arg5[%add3A, %dma_start3A_934, %dma_start3A_935] : memref<32x512x768xf32, #tpu.memory_space<hbm>> -> memref<1x32x768xf32, #tpu.memory_space<hbm>>
    %dma_start3A_937 = tpu.memref_squeeze %dma_start3A_936 : memref<1x32x768xf32, #tpu.memory_space<hbm>> -> memref<32x768xf32, #tpu.memory_space<hbm>>
    %dma_start3A_938 = arith.constant 448 : i32
    %dma_start3A_939 = arith.constant 0 : i32
    %dma_start3A_940 = tpu.memref_slice %arg5[%add3A, %dma_start3A_938, %dma_start3A_939] : memref<32x512x768xf32, #tpu.memory_space<hbm>> -> memref<1x32x768xf32, #tpu.memory_space<hbm>>
    %dma_start3A_941 = tpu.memref_squeeze %dma_start3A_940 : memref<1x32x768xf32, #tpu.memory_space<hbm>> -> memref<32x768xf32, #tpu.memory_space<hbm>>
    tpu.enqueue_dma source(%arg11 : memref<32x768xf32, #tpu.memory_space<vmem>>) target(%dma_start3A_941 : memref<32x768xf32, #tpu.memory_space<hbm>>) target_semaphore(%arg19 : memref<!tpu.dma_semaphore, #tpu.memory_space<semaphore_mem>>)
    %dma_wait3A_942 = arith.constant 15 : i32
    %dma_wait3A_943 = arith.constant 0 : i32
    %dma_wait3A_944 = tpu.memref_slice %arg8[%dma_wait3A_942, %dma_wait3A_943] : memref<16x32xi32, #tpu.memory_space<vmem>> -> memref<1x32xi32, #tpu.memory_space<vmem>>
    %dma_wait3A_945 = tpu.memref_squeeze %dma_wait3A_944 : memref<1x32xi32, #tpu.memory_space<vmem>> -> memref<32xi32, #tpu.memory_space<vmem>>
    %dma_wait3A_946 = arith.constant 0 : i32
    %dma_wait3A_947 = arith.constant 0 : i32
    %dma_wait3A_948 = tpu.memref_slice %arg2[%dma_wait3A_946, %dma_wait3A_947] : memref<1536x768xf32, #tpu.memory_space<hbm>> -> memref<1536x768xf32, #tpu.memory_space<hbm>>
    tpu.wait_indirect_dma semaphore(%arg16 : memref<!tpu.dma_semaphore, #tpu.memory_space<semaphore_mem>>) src(%dma_wait3A_948 : memref<1536x768xf32, #tpu.memory_space<hbm>>) dst(%arg12 : memref<32x768xf32, #tpu.memory_space<vmem>>)
    %dma_start3A_949 = arith.constant 480 : i32
    %dma_start3A_950 = arith.constant 0 : i32
    %dma_start3A_951 = tpu.memref_slice %arg5[%add3A, %dma_start3A_949, %dma_start3A_950] : memref<32x512x768xf32, #tpu.memory_space<hbm>> -> memref<1x32x768xf32, #tpu.memory_space<hbm>>
    %dma_start3A_952 = tpu.memref_squeeze %dma_start3A_951 : memref<1x32x768xf32, #tpu.memory_space<hbm>> -> memref<32x768xf32, #tpu.memory_space<hbm>>
    %dma_start3A_953 = arith.constant 480 : i32
    %dma_start3A_954 = arith.constant 0 : i32
    %dma_start3A_955 = tpu.memref_slice %arg5[%add3A, %dma_start3A_953, %dma_start3A_954] : memref<32x512x768xf32, #tpu.memory_space<hbm>> -> memref<1x32x768xf32, #tpu.memory_space<hbm>>
    %dma_start3A_956 = tpu.memref_squeeze %dma_start3A_955 : memref<1x32x768xf32, #tpu.memory_space<hbm>> -> memref<32x768xf32, #tpu.memory_space<hbm>>
    tpu.enqueue_dma source(%arg12 : memref<32x768xf32, #tpu.memory_space<vmem>>) target(%dma_start3A_956 : memref<32x768xf32, #tpu.memory_space<hbm>>) target_semaphore(%arg20 : memref<!tpu.dma_semaphore, #tpu.memory_space<semaphore_mem>>)
    %dma_wait3A_957 = arith.constant 384 : i32
    %dma_wait3A_958 = arith.constant 0 : i32
    %dma_wait3A_959 = tpu.memref_slice %arg5[%add3A, %dma_wait3A_957, %dma_wait3A_958] : memref<32x512x768xf32, #tpu.memory_space<hbm>> -> memref<1x32x768xf32, #tpu.memory_space<hbm>>
    %dma_wait3A_960 = tpu.memref_squeeze %dma_wait3A_959 : memref<1x32x768xf32, #tpu.memory_space<hbm>> -> memref<32x768xf32, #tpu.memory_space<hbm>>
    %dma_wait3A_961 = arith.constant 384 : i32
    %dma_wait3A_962 = arith.constant 0 : i32
    %dma_wait3A_963 = tpu.memref_slice %arg5[%add3A, %dma_wait3A_961, %dma_wait3A_962] : memref<32x512x768xf32, #tpu.memory_space<hbm>> -> memref<1x32x768xf32, #tpu.memory_space<hbm>>
    %dma_wait3A_964 = tpu.memref_squeeze %dma_wait3A_963 : memref<1x32x768xf32, #tpu.memory_space<hbm>> -> memref<32x768xf32, #tpu.memory_space<hbm>>
    tpu.wait_dma2 semaphore(%arg17 : memref<!tpu.dma_semaphore, #tpu.memory_space<semaphore_mem>>) src(%arg9 : memref<32x768xf32, #tpu.memory_space<vmem>>) dst(%dma_wait3A_964 : memref<32x768xf32, #tpu.memory_space<hbm>>)
    %dma_wait3A_965 = arith.constant 416 : i32
    %dma_wait3A_966 = arith.constant 0 : i32
    %dma_wait3A_967 = tpu.memref_slice %arg5[%add3A, %dma_wait3A_965, %dma_wait3A_966] : memref<32x512x768xf32, #tpu.memory_space<hbm>> -> memref<1x32x768xf32, #tpu.memory_space<hbm>>
    %dma_wait3A_968 = tpu.memref_squeeze %dma_wait3A_967 : memref<1x32x768xf32, #tpu.memory_space<hbm>> -> memref<32x768xf32, #tpu.memory_space<hbm>>
    %dma_wait3A_969 = arith.constant 416 : i32
    %dma_wait3A_970 = arith.constant 0 : i32
    %dma_wait3A_971 = tpu.memref_slice %arg5[%add3A, %dma_wait3A_969, %dma_wait3A_970] : memref<32x512x768xf32, #tpu.memory_space<hbm>> -> memref<1x32x768xf32, #tpu.memory_space<hbm>>
    %dma_wait3A_972 = tpu.memref_squeeze %dma_wait3A_971 : memref<1x32x768xf32, #tpu.memory_space<hbm>> -> memref<32x768xf32, #tpu.memory_space<hbm>>
    tpu.wait_dma2 semaphore(%arg18 : memref<!tpu.dma_semaphore, #tpu.memory_space<semaphore_mem>>) src(%arg10 : memref<32x768xf32, #tpu.memory_space<vmem>>) dst(%dma_wait3A_972 : memref<32x768xf32, #tpu.memory_space<hbm>>)
    %dma_wait3A_973 = arith.constant 448 : i32
    %dma_wait3A_974 = arith.constant 0 : i32
    %dma_wait3A_975 = tpu.memref_slice %arg5[%add3A, %dma_wait3A_973, %dma_wait3A_974] : memref<32x512x768xf32, #tpu.memory_space<hbm>> -> memref<1x32x768xf32, #tpu.memory_space<hbm>>
    %dma_wait3A_976 = tpu.memref_squeeze %dma_wait3A_975 : memref<1x32x768xf32, #tpu.memory_space<hbm>> -> memref<32x768xf32, #tpu.memory_space<hbm>>
    %dma_wait3A_977 = arith.constant 448 : i32
    %dma_wait3A_978 = arith.constant 0 : i32
    %dma_wait3A_979 = tpu.memref_slice %arg5[%add3A, %dma_wait3A_977, %dma_wait3A_978] : memref<32x512x768xf32, #tpu.memory_space<hbm>> -> memref<1x32x768xf32, #tpu.memory_space<hbm>>
    %dma_wait3A_980 = tpu.memref_squeeze %dma_wait3A_979 : memref<1x32x768xf32, #tpu.memory_space<hbm>> -> memref<32x768xf32, #tpu.memory_space<hbm>>
    tpu.wait_dma2 semaphore(%arg19 : memref<!tpu.dma_semaphore, #tpu.memory_space<semaphore_mem>>) src(%arg11 : memref<32x768xf32, #tpu.memory_space<vmem>>) dst(%dma_wait3A_980 : memref<32x768xf32, #tpu.memory_space<hbm>>)
    %dma_wait3A_981 = arith.constant 480 : i32
    %dma_wait3A_982 = arith.constant 0 : i32
    %dma_wait3A_983 = tpu.memref_slice %arg5[%add3A, %dma_wait3A_981, %dma_wait3A_982] : memref<32x512x768xf32, #tpu.memory_space<hbm>> -> memref<1x32x768xf32, #tpu.memory_space<hbm>>
    %dma_wait3A_984 = tpu.memref_squeeze %dma_wait3A_983 : memref<1x32x768xf32, #tpu.memory_space<hbm>> -> memref<32x768xf32, #tpu.memory_space<hbm>>
    %dma_wait3A_985 = arith.constant 480 : i32
    %dma_wait3A_986 = arith.constant 0 : i32
    %dma_wait3A_987 = tpu.memref_slice %arg5[%add3A, %dma_wait3A_985, %dma_wait3A_986] : memref<32x512x768xf32, #tpu.memory_space<hbm>> -> memref<1x32x768xf32, #tpu.memory_space<hbm>>
    %dma_wait3A_988 = tpu.memref_squeeze %dma_wait3A_987 : memref<1x32x768xf32, #tpu.memory_space<hbm>> -> memref<32x768xf32, #tpu.memory_space<hbm>>
    tpu.wait_dma2 semaphore(%arg20 : memref<!tpu.dma_semaphore, #tpu.memory_space<semaphore_mem>>) src(%arg12 : memref<32x768xf32, #tpu.memory_space<vmem>>) dst(%dma_wait3A_988 : memref<32x768xf32, #tpu.memory_space<hbm>>)
    return
  }
}

module attributes {stable_mosaic.version = 14 : i64} {
  func.func @_build_table_body(%arg0: i32, %arg1: memref<512x768xf32, #tpu.memory_space<vmem>>, %arg2: memref<512x768xf32, #tpu.memory_space<vmem>>, %arg3: memref<3x768xf32, #tpu.memory_space<vmem>>, %arg4: memref<1536x768xf32, #tpu.memory_space<vmem>>) attributes {dimension_semantics = [#tpu.dimension_semantics<arbitrary>], iteration_bounds = array<i64: 1>, scalar_prefetch = 0 : i64, scratch_operands = 0 : i64, tpu.core_type = #tpu.core_type<tc>, window_params = [{transform_indices = @transform_0, window_bounds = array<i64: 512, 768>}, {pipeline_mode = #tpu.pipeline_mode<synchronous>, transform_indices = @transform_1, window_bounds = array<i64: 512, 768>}, {pipeline_mode = #tpu.pipeline_mode<synchronous>, transform_indices = @transform_2, window_bounds = array<i64: 3, 768>}, {pipeline_mode = #tpu.pipeline_mode<synchronous>, transform_indices = @transform_3, window_bounds = array<i64: 1536, 768>}]} {
    %get3A = arith.constant 0 : index
    %get3A_0 = arith.constant 0 : index
    %get3A_1 = vector.load %arg1[%get3A, %get3A_0] : memref<512x768xf32, #tpu.memory_space<vmem>>, vector<512x768xf32>
    %get3A_2 = arith.constant 0 : index
    %get3A_3 = arith.constant 0 : index
    %get3A_4 = vector.load %arg2[%get3A_2, %get3A_3] : memref<512x768xf32, #tpu.memory_space<vmem>>, vector<512x768xf32>
    %add3A = arith.addf %get3A_1, %get3A_4 : vector<512x768xf32>
    %get3A_5 = arith.constant 0 : index
    %get3A_6 = arith.constant 0 : index
    %get3A_7 = vector.load %arg3[%get3A_5, %get3A_6] : memref<3x768xf32, #tpu.memory_space<vmem>>, vector<1x768xf32>
    %add3A_8 = vector.broadcast %get3A_7 : vector<1x768xf32> to vector<512x768xf32>
    %add3A_9 = arith.addf %add3A, %add3A_8 : vector<512x768xf32>
    %swap3A = arith.constant 0 : index
    %swap3A_10 = arith.constant 0 : index
    %swap3A_11 = vector.load %arg4[%swap3A, %swap3A_10] : memref<1536x768xf32, #tpu.memory_space<vmem>>, vector<512x768xf32>
    tpu.vector_store %arg4[%swap3A, %swap3A_10], %add3A_9 {strides = array<i32>} : memref<1536x768xf32, #tpu.memory_space<vmem>>, vector<512x768xf32>,
    %get3A_12 = arith.constant 1 : index
    %get3A_13 = arith.constant 0 : index
    %get3A_14 = vector.load %arg3[%get3A_12, %get3A_13] : memref<3x768xf32, #tpu.memory_space<vmem>>, vector<1x768xf32>
    %add3A_15 = vector.broadcast %get3A_14 : vector<1x768xf32> to vector<512x768xf32>
    %add3A_16 = arith.addf %add3A, %add3A_15 : vector<512x768xf32>
    %swap3A_17 = arith.constant 512 : index
    %swap3A_18 = arith.constant 0 : index
    %swap3A_19 = vector.load %arg4[%swap3A_17, %swap3A_18] : memref<1536x768xf32, #tpu.memory_space<vmem>>, vector<512x768xf32>
    tpu.vector_store %arg4[%swap3A_17, %swap3A_18], %add3A_16 {strides = array<i32>} : memref<1536x768xf32, #tpu.memory_space<vmem>>, vector<512x768xf32>,
    %get3A_20 = arith.constant 2 : index
    %get3A_21 = arith.constant 0 : index
    %get3A_22 = vector.load %arg3[%get3A_20, %get3A_21] : memref<3x768xf32, #tpu.memory_space<vmem>>, vector<1x768xf32>
    %add3A_23 = vector.broadcast %get3A_22 : vector<1x768xf32> to vector<512x768xf32>
    %add3A_24 = arith.addf %add3A, %add3A_23 : vector<512x768xf32>
    %swap3A_25 = arith.constant 1024 : index
    %swap3A_26 = arith.constant 0 : index
    %swap3A_27 = vector.load %arg4[%swap3A_25, %swap3A_26] : memref<1536x768xf32, #tpu.memory_space<vmem>>, vector<512x768xf32>
    tpu.vector_store %arg4[%swap3A_25, %swap3A_26], %add3A_24 {strides = array<i32>} : memref<1536x768xf32, #tpu.memory_space<vmem>>, vector<512x768xf32>,
    return
  }
  func.func @transform_0(%arg0: i32) -> (i32, i32) {
    %c0_i32 = arith.constant 0 : i32
    %c0_i32_0 = arith.constant 0 : i32
    %c0_i32_1 = arith.constant 0 : i32
    return %c0_i32, %c0_i32_0 : i32, i32
  }
  func.func @transform_1(%arg0: i32) -> (i32, i32) {
    %c0_i32 = arith.constant 0 : i32
    %c0_i32_0 = arith.constant 0 : i32
    %c0_i32_1 = arith.constant 0 : i32
    return %c0_i32, %c0_i32_0 : i32, i32
  }
  func.func @transform_2(%arg0: i32) -> (i32, i32) {
    %c0_i32 = arith.constant 0 : i32
    %c0_i32_0 = arith.constant 0 : i32
    %c0_i32_1 = arith.constant 0 : i32
    return %c0_i32, %c0_i32_0 : i32, i32
  }
  func.func @transform_3(%arg0: i32) -> (i32, i32) {
    %c0_i32 = arith.constant 0 : i32
    %c0_i32_0 = arith.constant 0 : i32
    %c0_i32_1 = arith.constant 0 : i32
    return %c0_i32, %c0_i32_0 : i32, i32
  }
}

</mosaic_0001>

<sc_bundles>
// kernel: kernel.4.cloned.1.call-start
scs
__scs_entry_jumppad:
0x0: {  	(pc) =	sbr.rel $0x88, $3  }
0x1: {  	(tag) =	ssettag $0x0;
	lr =	simm.s32 $0x1  }
0x2: {  	[smem:$0x3F9C] =	sst lr;
	_ =	strace $0xD0000000  }
0x3: {  	_ = 	snop  }
0x4: {  	_ = 	snop  }
0x5: {  	_ = 	snop  }
0x6: {  	_ = 	snop  }
0x7: {  	_ = 	snop  }
__scs_overlays_trampoline_lowered:
0x8: {  	[smem:$0x3FAB] =	sst s0  }
0x9: {  	[smem:$0x3FAC] =	sst s1  }
0xa: {  	[smem:$0x3FAD] =	sst s2  }
0xb: {  	[smem:$0x3FAE] =	sst s3  }
0xc: {  	[smem:$0x3FAF] =	sst s4  }
0xd: {  	[smem:$0x3FB0] =	sst s5  }
0xe: {  	[smem:$0x3FB1] =	sst s6  }
0xf: {  	[smem:$0x3FB2] =	sst s7  }
0x10: {  	[smem:$0x3FB3] =	sst s8  }
0x11: {  	[smem:$0x3FB4] =	sst s9;
	s0 =	simm.s32 @!p0 $0x0  }
0x12: {  	s1 =	sld [smem:$0x3F9A];
	s0 =	simm.s32 @p0 $0x1  }
0x13: {  	[smem:$0x3FB5] =	sst s0;
	s0 =	simm.s32 @!p1 $0x0  }
0x14: {  	s2 =	sld [smem:$0x3F99];
	s0 =	simm.s32 @p1 $0x1  }
0x15: {  	[smem:$0x3FB6] =	sst s0;
	s0 =	simm.s32 @!p2 $0x0  }
0x16: {  	s3 =	sld [smem:$0x3FDB];
	s0 =	simm.s32 @p2 $0x1  }
0x17: {  	s4 =	simm.s32 $0x1BF5;
	[smem:$0x3FB8] =	sst s0  }
0x18: {  	s0 =	sld [smem:$0x3F9B];
	_ =	swait.ge [sflag:s4], $0x0  }
0x19: {  	s7 =	sld [smem:$0x3F9C]  }
0x1a: {  	s8 =	sadd.s32 $0xFFFFE003, lr  }
0x1b: {  	s9 =	sadd.s32 $0xFFFFFEF7, lr;
	s5 =	simm.s32 $0xFFFFFFFF;
	p2 =	slt.u32 s8, $0xFFFFF086  }
0x1c: {  	p1 =	slt.u32 s9, $0xF7A;
	s5 =	simm.s32 @!p2 $0x0  }
0x1d: {  	s5 =	simm.s32 @p1 $0x1;
	p0 =	seq.s32 s7, s2  }
0x1e: {  	s7 =	smul.u32 @!p0 $0xF7A, s2;
	p2 =	seq.s32 @!p0 s5, $0x0  }
0x1f: {  	s9 =	smul.u32 $0xF7A, s1;
	s8 =	simm.s32 @!p0 $0x1BF5;
	p2 =	por !p2, p0  }
0x20: {  	[sflag:s8] =	ssyncset.s32 @!p0 $0xFFFFF086;
	s6 =	sadd.s32 @!p0 s3, s7;
	s7 =	simm.s32 @!p0 $0x108  }
0x21: {  	s3 =	sadd.s32 s3, s9;
	s6 =	sadd.s32 @!p0 $0x88, s6;
	s7 =	simm.s32 @p2 $0x1082  }
0x22: {  	[simem:s7], [sflag:s8] =	dma.local @!p0 [hbm:s6], $0xF7A  }
0x23: {  	s9 =	sor.u32 $0xD0000000, s2;
	s6 =	simm.s32 $0x108;
	_ =	swait.ge @!p0 [sflag:s8], $0x0  }
0x24: {  	s3 =	sadd.s32 $0x88, s3;
	s6 =	simm.s32 @!p1 $0x1082;
	[sflag:s4] =	ssyncset.s32 $0xFFFFF086  }
0x25: {  	[simem:s6], [sflag:s4] =	dma.local [hbm:s3], $0xF7A  }
0x26: {  	[smem:$0x3F9C] =	sst s1;
	(tag) =	ssettag s2;
	_ =	strace s9  }
0x27: {  	s1 =	sld [smem:$0x3FAC]  }
0x28: {  	s2 =	sld [smem:$0x3FAD]  }
0x29: {  	s4 =	sld [smem:$0x3FAF]  }
0x2a: {  	p0 =	seq.s32 s5, $0x0;
	s5 =	sld [smem:$0x3FB0]  }
0x2b: {  	s6 =	sld [smem:$0x3FB1]  }
0x2c: {  	s7 =	sld [smem:$0x3FB2]  }
0x2d: {  	s3 =	simm.s32 $0x108;
	s8 =	sld [smem:$0x3FB3]  }
0x2e: {  	s3 =	simm.s32 @!p0 $0x1082;
	s9 =	sld [smem:$0x3FB4]  }
0x2f: {  	lr =	sadd.s32 s0, s3;
	s0 =	sld [smem:$0x3FAB]  }
0x30: {  	s3 =	sld [smem:$0x3FAE]  }
0x31: {  	[smem:$0x3FB7] =	sst s10  }
0x32: {  	s10 =	sld [smem:$0x3FB5];
	_ =	sdelay $0x3  }
0x33: {  	p0 =	seq.s32 s10, $0x1;
	s10 =	sld [smem:$0x3FB7];
	_ =	sdelay $0x3  }
0x34: {  	[smem:$0x3FB7] =	sst s10  }
0x35: {  	s10 =	sld [smem:$0x3FB6];
	_ =	sdelay $0x3  }
0x36: {  	p1 =	seq.s32 s10, $0x1;
	s10 =	sld [smem:$0x3FB7];
	_ =	sdelay $0x3  }
0x37: {  	[smem:$0x3FB7] =	sst s10  }
0x38: {  	s10 =	sld [smem:$0x3FB8]  }
0x39: {  	_ = 	snop;
	(pc) =	sbr.ind lr, $3  }
0x3a: {  	_ = 	snop  }
0x3b: {  	_ = 	snop  }
0x3c: {  	p2 =	seq.s32 s10, $0x1;
	s10 =	sld [smem:$0x3FB7]  }
0x3d: {  	_ =	shalt  }
0x3e: {  	_ =	shalt  }
0x3f: {  	_ =	shalt  }
0x40: {  	_ =	shalt  }
0x41: {  	_ =	shalt  }
0x42: {  	_ =	shalt  }
0x43: {  	_ =	shalt  }
0x44: {  	_ =	shalt  }
0x45: {  	_ =	shalt  }
0x46: {  	_ =	shalt  }
0x47: {  	_ =	shalt  }
0x48: {  	_ =	shalt  }
0x49: {  	_ =	shalt  }
0x4a: {  	_ =	shalt  }
0x4b: {  	_ =	shalt  }
0x4c: {  	_ =	shalt  }
0x4d: {  	_ =	shalt  }
0x4e: {  	_ =	shalt  }
0x4f: {  	_ =	shalt  }
0x50: {  	_ =	shalt  }
0x51: {  	_ =	shalt  }
0x52: {  	_ =	shalt  }
0x53: {  	_ =	shalt  }
0x54: {  	_ =	shalt  }
0x55: {  	_ =	shalt  }
0x56: {  	_ =	shalt  }
0x57: {  	_ =	shalt  }
0x58: {  	_ =	shalt  }
0x59: {  	_ =	shalt  }
0x5a: {  	_ =	shalt  }
0x5b: {  	_ =	shalt  }
0x5c: {  	_ =	shalt  }
0x5d: {  	_ =	shalt  }
0x5e: {  	_ =	shalt  }
0x5f: {  	_ =	shalt  }
0x60: {  	_ =	shalt  }
0x61: {  	_ =	shalt  }
0x62: {  	_ =	shalt  }
0x63: {  	_ =	shalt  }
0x64: {  	_ =	shalt  }
0x65: {  	_ =	shalt  }
0x66: {  	_ =	shalt  }
0x67: {  	_ =	shalt  }
0x68: {  	_ =	shalt  }
0x69: {  	_ =	shalt  }
0x6a: {  	_ =	shalt  }
0x6b: {  	_ =	shalt  }
0x6c: {  	_ =	shalt  }
0x6d: {  	_ =	shalt  }
0x6e: {  	_ =	shalt  }
0x6f: {  	_ =	shalt  }
0x70: {  	_ =	shalt  }
0x71: {  	_ =	shalt  }
0x72: {  	_ =	shalt  }
0x73: {  	_ =	shalt  }
0x74: {  	_ =	shalt  }
0x75: {  	_ =	shalt  }
0x76: {  	_ =	shalt  }
0x77: {  	_ =	shalt  }
0x78: {  	_ =	shalt  }
0x79: {  	_ =	shalt  }
0x7a: {  	_ =	shalt  }
0x7b: {  	_ =	shalt  }
0x7c: {  	_ =	shalt  }
0x7d: {  	_ =	shalt  }
0x7e: {  	_ =	shalt  }
0x7f: {  	_ =	shalt  }
0x80: {  	_ =	shalt  }
0x81: {  	_ =	shalt  }
0x82: {  	_ =	shalt  }
0x83: {  	_ =	shalt  }
0x84: {  	_ =	shalt  }
0x85: {  	_ =	shalt  }
0x86: {  	_ =	shalt  }
0x87: {  	_ =	shalt  }
.Lfunc_end0:
.L_simem_size_0:
called_computation_lowered:
.L_overlay_start_0:
0x88: {  	s2 =	sld [smem:$0x3FD9]  }
0x89: {  	s3 =	sld [smem:$0x3FFE];
	_ =	sdelay $0x1  }
0x8a: {  	s1 =	srdreg.scid  }
0x8b: {  	s0 =	sand.u32 $0x1, s1  }
0x8c: {  	s17 =	sshll.u32 s0, $0xA;
	s2 =	sadd.s32 s3, s2  }
0x8d: {  	s2 =	sadd.s32 s2, s17  }
0x8e: {  	[smem:$0x3FC3] =	sst s2  }
0x8f: {  	_ = 	snop  }
0x90: {  	s2 =	sld [smem:$0x3FC9]  }
0x91: {  	s18 =	sld [smem:$0x3FC8]  }
0x92: {  	s4 =	sld [smem:$0x3FD0];
	(tm) =	ssettm $0x1  }
0x93: {  	s5 =	sld [smem:$0x3FFB];
	_ =	sdelay $0x3  }
0x94: {  	_ =	strace s5  }
0x95: {  	s5 =	sld [smem:$0x3FFC];
	_ =	sdelay $0x3  }
0x96: {  	_ =	strace s5  }
0x97: {  	s5 =	sld [smem:$0x3FFD];
	_ =	sdelay $0x3  }
0x98: {  	_ =	strace s5  }
0x99: {  	_ =	strace $0x8FFFFFFF  }
0x9a: {  	s19 =	sld [smem:$0x3FDB];
	_ =	sdelay $0x1  }
0x9b: {  	s6 =	simm.s32 $_scs_section_size  }
0x9c: {  	s7 =	simm.s32 $_size__tile_overlayer_lowered;
	s8 =	simm.s32 $_tile_overlayer_lowered  }
0x9d: {  	s22 =	simm.s32 $0x1BFF;
	s21 =	sshll.u32 s8, $0x1;
	s5 =	sadd.s32 s6, s19  }
0x9e: {  	s9 =	simm.s32 $0x0;
	s20 =	sshll.u32 s7, $0x1;
	s7 =	sadd.s32 s21, s5  }
0x9f: {  	[timem:s9], [sflag:s22] =	dma.local [hbm:s7], s20  }
0xa0: {  	_ =	swait.ge [sflag:s22], s20  }
0xa1: {  	s6 =	ssub.s32 $0x0, s20;
	[sflag:s22] =	ssyncset.done $0x0  }
0xa2: {  	[sflag:s22] =	ssyncadd.s32 s6;
	_ =	sdelay $0x1  }
0xa3: {  	s23 =	simm.s32 $0x1B8B  }
0xa4: {  	_ =	swait.ge [sflag:s23], $0x1  }
0xa5: {  	[sflag:s23] =	ssyncset.done $0x0  }
0xa6: {  	s25 =	simm.s32 $0x1B8E;
	s24 =	sld [smem:$0x3FFE];
	[sflag:s23] =	ssyncadd.s32 $0xFFFFFFFF  }
0xa7: {  	s26 =	simm.s32 $execute0_lowered;
	[smem:$0x3FD2] =	sst s25  }
0xa8: {  	s7 =	sshll.u32 s26, $0x1;
	_ =	strace $0x80000046;
	[dreg:$0x1] =	wrdreg $0xFFFFFFFF  }
0xa9: {  	s28 =	simm.s32 $_size_execute0_lowered;
	s5 =	sadd.s32 s5, s7;
	[dreg:$0x0] =	wrdreg $0x0  }
0xaa: {  	s7 =	sshll.u32 s28, $0x1;
	[dreg:$0x2] =	wrdreg s5  }
0xab: {  	[dreg:$0x3] =	wrdreg s7  }
0xac: {  	[dreg:$0x4] =	wrdreg $0xC0  }
0xad: {  	_ =	task [dreg:s9], $0x5FFFF  }
0xae: {  	[dreg:$0x1] =	wrdreg $0xFFFFFFFF  }
0xaf: {  	[dreg:$0x0] =	wrdreg $0x60  }
0xb0: {  	[dreg:$0x2] =	wrdreg s24  }
0xb1: {  	[dreg:$0x3] =	wrdreg s2  }
0xb2: {  	[dreg:$0x4] =	wrdreg s18  }
0xb3: {  	[dreg:$0x5] =	wrdreg s4  }
0xb4: {  	[dreg:$0x6] =	wrdreg $0x9  }
0xb5: {  	_ =	task.clear_ibuf [dreg:s9], $0x7FFFF;
	_ =	strace $0x90000046  }
0xb6: {  	s29 =	simm.s32 $0x9;
	_ =	strace $0x80000048  }
0xb7: {  	_ =	swait.ge [sflag:s29], $0x1  }
0xb8: {  	[sflag:s29] =	ssyncadd.s32 $0xFFFFFFFF  }
0xb9: {  	_ =	strace $0x90000048  }
0xba: {  	_ =	sfence  }
0xbb: {  	s30 =	sld [smem:$0x0];
	_ =	sdelay $0x2  }
0xbc: {  	s31 =	sshll.u32 s1, $0xD;
	s1 =	sshrl.u32 s1, $0x2  }
0xbd: {  	s3 =	sand.u32 $0x4000, s31;
	s1 =	sadd.s32 s1, s30  }
0xbe: {  	s0 =	sor.u32 s3, s0;
	s1 =	sshll.u32 s1, $0x11  }
0xbf: {  	s0 =	sor.u32 s1, s0  }
0xc0: {  	s0 =	sadd.s32 $0x8F2B, s0  }
0xc1: {  	[sflag:s0] =	ssyncadd.remote.s32 $0x1  }
0xc2: {  	_ =	sfence.sel $0xFFFF  }
0xc3: {  	[dreg:$0x0] =	wrdreg $0xFFFFFFFF;
	(pc) =	sbr.abs _section_cstart, $3  }
0xc4: {  	[dreg:$0x1] =	wrdreg $0xFFFFFFFF  }
0xc5: {  	_ =	task.clear_ibuf [dreg:s9], $0x2FFFF;
	_ =	strace $0x9FFFFFFF  }
0xc6: {  	(tm) =	ssettm $0x7FFFFFFF  }
0xc7: {  	_ =	shalt  }
tec
execute0_lowered:
.L_overlay_start_1:
0x0: {  	(tag) =	ssettag $0x1  }
0x1: {  	s0 =	rddreg [dreg:$0x0]  }
0x2: {  	s2 =	srdreg.scid;
	s7 =	stileid.u32  }
0x3: {  	s1 =	rddreg [dreg:$0x1];
	s5 =	sand.u32 $0x1, s2;
	s11 =	sshll.u32 s7, $0x1  }
0x4: {  	s3 =	rddreg [dreg:$0x2];
	s6 =	sor.u32 s5, s11  }
0x5: {  	s4 =	rddreg [dreg:$0x3];
	s7 =	sshll.u32 s7, $0x7;
	s8 =	sshll.u32 s6, $0x4  }
0x6: {  	s31 =	simm.s32 $0x200;
	s2 =	simm.s32 $0x0;
	s7 =	sor.u32 s7, s8  }
0x7: {  	[smem:$0x7FF] =	sst s2;
	s6 =	smul.u32 $0x60000, s6;
	s7 =	sand.u32 $0x670, s7  }
0x8: {  	_ =	strace $0x80000047;
	[dreg:$0x16] =	wrdreg s31;
	s1 =	sadd.s32 s1, s7  }
0x9: {  	s6 =	sshrl.u32 s6, $0x3;
	s12 =	sadd.s32 s3, s7;
	[dreg:$0x5] =	wrdreg s1  }
0xa: {  	s13 =	sadd.s32 s4, s6;
	[dreg:$0x6] =	wrdreg s12  }
0xb: {  	s14 =	sadd.s32 $0xC00, s13;
	[dreg:$0x17] =	wrdreg s13  }
0xc: {  	s15 =	sadd.s32 $0x1800, s13;
	[dreg:$0x7] =	wrdreg s14  }
0xd: {  	s16 =	sadd.s32 $0x2400, s13;
	[dreg:$0x8] =	wrdreg s15  }
0xe: {  	s17 =	sadd.s32 $0x3000, s13;
	[dreg:$0x9] =	wrdreg s16  }
0xf: {  	s18 =	sadd.s32 $0x3C00, s13;
	[dreg:$0xa] =	wrdreg s17  }
0x10: {  	s19 =	sadd.s32 $0x4800, s13;
	[dreg:$0xb] =	wrdreg s18  }
0x11: {  	s20 =	sadd.s32 $0x5400, s13;
	[dreg:$0xc] =	wrdreg s19  }
0x12: {  	s24 =	ssub.s32 $0x2, s5;
	s21 =	sadd.s32 $0x6000, s13;
	[dreg:$0xd] =	wrdreg s20  }
0x13: {  	s5 =	sshrl.u32 s24, $0x1;
	s22 =	sadd.s32 $0x6C00, s13;
	[dreg:$0xe] =	wrdreg s21  }
0x14: {  	s4 =	sadd.s32 $0xA00, s0;
	s23 =	sadd.s32 $0x7800, s13;
	[dreg:$0xf] =	wrdreg s22  }
0x15: {  	s3 =	ssub.s32 s24, s5;
	s25 =	sadd.s32 $0x8400, s13;
	[dreg:$0x10] =	wrdreg s23  }
0x16: {  	s5 =	sadd.s32 $0xB00, s0;
	s26 =	sadd.s32 $0x9000, s13;
	[dreg:$0x11] =	wrdreg s25  }
0x17: {  	s6 =	sadd.s32 $0xC00, s0;
	s28 =	sadd.s32 $0x9C00, s13;
	[dreg:$0x12] =	wrdreg s26  }
0x18: {  	v2 =	vlaneseq.u32;
	s29 =	sadd.s32 $0xA800, s13;
	s30 =	sadd.s32 $0xB400, s13;
	[dreg:$0x13] =	wrdreg s28  }
0x19: {  	vm0 =	vmmov $0xffff;
	v1 =	vshrl.u32 v2, $0x3;
	s1 =	smax.u32 s3, $0x1;
	s13 =	simm.s32 $0x12C00;
	[dreg:$0x14] =	wrdreg s29  }
0x1a: {  	v0 =	vand.u32 $0x7, v2;
	v2 =	vor.u32 $0x8, v2;
	v1 =	vmul.u32 $0x8, v1;
	[dreg:$0x15] =	wrdreg s30;
	s14 =	simm.s32 $0x1;
	s15 =	simm.s32 $0x5  }
.LBB2_1:
0x1b: {  	[dreg:$0x18] =	wrdreg s1  }
0x1c: {  	s21 =	rddreg [dreg:$0x5]  }
0x1d: {  	s25 =	simm.s32 $0x80;
	s26 =	simm.s32 $0x400;
	s0 =	simm.s32 $0x9  }
0x1e: {  	[tilespmem:s2], [sflag:$0x9] =	stream.strided.gather [hbm4b:s21+s25], $0x200, s26, s25, $0x38;
	[tilespmem:$0x18C00] =	vst v63  }
0x1f: {  	_ =	swait.ge [sflag:s0], $0x200  }
0x20: {  	s20 =	rddreg [dreg:$0x6];
	[sflag:s0] =	ssyncset.done $0x0  }
0x21: {  	s22 =	rddreg [dreg:$0x16];
	[sflag:s0] =	ssyncadd.s32 $0xFFFFFE00  }
0x22: {  	[tilespmem:s22], [sflag:$0x9] =	stream.strided.gather [hbm4b:s20+s25], $0x200, s26, s25, $0x38;
	[tilespmem:$0x18C00] =	vst v63  }
0x23: {  	_ =	swait.ge [sflag:s0], $0x200  }
0x24: {  	[sflag:s0] =	ssyncset.done $0x0  }
0x25: {  	[sflag:s0] =	ssyncadd.s32 $0xFFFFFE00  }
0x26: {  	v3 =	vld [tilespmem:$0x0]  }
0x27: {  	v4 =	vld [tilespmem:$0x200]  }
0x28: {  	v5 =	vld [tilespmem:$0x10]  }
0x29: {  	v6 =	vld [tilespmem:$0x210]  }
0x2a: {  	v7 =	vld [tilespmem:$0x20]  }
0x2b: {  	v8 =	vld [tilespmem:$0x220]  }
0x2c: {  	v9 =	vld [tilespmem:$0x30]  }
0x2d: {  	v10 =	vld [tilespmem:$0x230]  }
0x2e: {  	v11 =	vld [tilespmem:$0x40]  }
0x2f: {  	v12 =	vld [tilespmem:$0x240]  }
0x30: {  	v13 =	vld [tilespmem:$0x50]  }
0x31: {  	v14 =	vld [tilespmem:$0x250]  }
0x32: {  	v15 =	vld [tilespmem:$0x60]  }
0x33: {  	v16 =	vld [tilespmem:$0x260]  }
0x34: {  	v17 =	vld [tilespmem:$0x70]  }
0x35: {  	v18 =	vld [tilespmem:$0x270]  }
0x36: {  	v19 =	vld [tilespmem:$0x80]  }
0x37: {  	v20 =	vld [tilespmem:$0x280]  }
0x38: {  	v21 =	vld [tilespmem:$0x90]  }
0x39: {  	v22 =	vld [tilespmem:$0x290]  }
0x3a: {  	v23 =	vld [tilespmem:$0xA0]  }
0x3b: {  	v24 =	vld [tilespmem:$0x2A0]  }
0x3c: {  	v25 =	vld [tilespmem:$0xB0]  }
0x3d: {  	v26 =	vld [tilespmem:$0x2B0]  }
0x3e: {  	v27 =	vld [tilespmem:$0xC0]  }
0x3f: {  	v28 =	vld [tilespmem:$0x2C0]  }
0x40: {  	v29 =	vld [tilespmem:$0xD0]  }
0x41: {  	v30 =	vld [tilespmem:$0x2D0]  }
0x42: {  	v31 =	vld [tilespmem:$0xE0]  }
0x43: {  	v32 =	vld [tilespmem:$0x2E0]  }
0x44: {  	v33 =	vld [tilespmem:$0xF0]  }
0x45: {  	v34 =	vld [tilespmem:$0x2F0]  }
0x46: {  	v35 =	vld [tilespmem:$0x100]  }
0x47: {  	v36 =	vld [tilespmem:$0x300]  }
0x48: {  	v37 =	vld [tilespmem:$0x110]  }
0x49: {  	v38 =	vld [tilespmem:$0x310]  }
0x4a: {  	v39 =	vld [tilespmem:$0x120];
	v6 =	vshll.u32 v6, $0x9  }
0x4b: {  	v52 =	vld [tilespmem:$0x350];
	v63 =	vshll.u32 v8, $0x9;
	v5 =	vadd.s32 v5, v6  }
0x4c: {  	v57 =	vld [tilespmem:$0x360];
	v41 =	vshll.u32 v10, $0x9;
	v40 =	vadd.s32 v7, v63;
	[tilespmem:$0x410] =	vst v5  }
0x4d: {  	v60 =	vld [tilespmem:$0x170];
	v43 =	vshll.u32 v12, $0x9;
	v42 =	vadd.s32 v9, v41;
	[tilespmem:$0x480] =	vst v40  }
0x4e: {  	v8 =	vld [tilespmem:$0x320];
	v45 =	vshll.u32 v14, $0x9;
	v44 =	vadd.s32 v11, v43;
	[tilespmem:$0x490] =	vst v42  }
0x4f: {  	v10 =	vld [tilespmem:$0x140];
	v47 =	vshll.u32 v16, $0x9;
	v46 =	vadd.s32 v13, v45;
	[tilespmem:$0x500] =	vst v44  }
0x50: {  	v49 =	vshll.u32 v18, $0x9;
	v12 =	vld [tilespmem:$0x150];
	v48 =	vadd.s32 v15, v47;
	[tilespmem:$0x510] =	vst v46  }
0x51: {  	v51 =	vshll.u32 v20, $0x9;
	v54 =	vshll.u32 v22, $0x9;
	v14 =	vld [tilespmem:$0x160];
	v50 =	vadd.s32 v17, v49;
	[tilespmem:$0x580] =	vst v48  }
0x52: {  	v56 =	vshll.u32 v24, $0x9;
	v62 =	vshll.u32 v28, $0x9;
	v28 =	vld [tilespmem:$0x380];
	v53 =	vadd.s32 v19, v51;
	[tilespmem:$0x590] =	vst v50  }
0x53: {  	v24 =	vshll.u32 v30, $0x9;
	v30 =	vshll.u32 v34, $0x9;
	v34 =	vld [tilespmem:$0x390];
	v55 =	vadd.s32 v21, v54;
	[tilespmem:$0x600] =	vst v53  }
0x54: {  	v59 =	vshll.u32 v26, $0x9;
	v7 =	vld [tilespmem:$0x130];
	v58 =	vadd.s32 v23, v56;
	[tilespmem:$0x610] =	vst v55  }
0x55: {  	v9 =	vld [tilespmem:$0x330];
	v61 =	vadd.s32 v25, v59;
	[tilespmem:$0x680] =	vst v58  }
0x56: {  	v11 =	vld [tilespmem:$0x340];
	v23 =	vadd.s32 v27, v62;
	[tilespmem:$0x690] =	vst v61  }
0x57: {  	v63 =	vld [tilespmem:$0x370];
	v26 =	vadd.s32 v29, v24;
	[tilespmem:$0x700] =	vst v23  }
0x58: {  	v4 =	vshll.u32 v4, $0x9;
	v25 =	vld [tilespmem:$0x180];
	v27 =	vshll.u32 v32, $0x9;
	v32 =	vadd.s32 v33, v30;
	[tilespmem:$0x710] =	vst v26  }
0x59: {  	v41 =	vld [tilespmem:$0x1A0];
	v4 =	vadd.s32 v3, v4;
	[tilespmem:$0x790] =	vst v32  }
0x5a: {  	v33 =	vshll.u32 v36, $0x9;
	v47 =	vld [tilespmem:$0x1B0];
	v29 =	vadd.s32 v31, v27;
	[tilespmem:$0x400] =	vst v4  }
0x5b: {  	v56 =	vshll.u32 v57, $0x9;
	v57 =	vld [tilespmem:$0x1D0];
	v36 =	vadd.s32 v35, v33;
	v40 =	vshll.u32 v38, $0x9;
	[tilespmem:$0x780] =	vst v29  }
0x5c: {  	v52 =	vshll.u32 v52, $0x9;
	v59 =	vld [tilespmem:$0x3D0];
	[tilespmem:$0x800] =	vst v36;
	v42 =	vadd.s32 v37, v40  }
0x5d: {  	v19 =	vld [tilespmem:$0x3E0];
	[tilespmem:$0x810] =	vst v42;
	v54 =	vadd.s32 v12, v52  }
0x5e: {  	v21 =	vld [tilespmem:$0x3F0];
	v43 =	vshll.u32 v8, $0x9;
	v5 =	vadd.s32 v14, v56;
	[tilespmem:$0x910] =	vst v54  }
0x5f: {  	v31 =	vld [tilespmem:$0x190];
	v61 =	vshll.u32 v28, $0x9;
	v45 =	vadd.s32 v39, v43;
	[tilespmem:$0x980] =	vst v5  }
0x60: {  	v24 =	vld [tilespmem:$0x1F0];
	v46 =	vshll.u32 v9, $0x9;
	v58 =	vshll.u32 v63, $0x9;
	v63 =	vadd.s32 v25, v61;
	[tilespmem:$0x880] =	vst v45  }
0x61: {  	v44 =	vld [tilespmem:$0x3A0];
	v4 =	vshrl.u32 v4, $0x3;
	v49 =	vshll.u32 v11, $0x9;
	v48 =	vadd.s32 v7, v46;
	[tilespmem:$0xA00] =	vst v63  }
0x62: {  	v50 =	vld [tilespmem:$0x3B0];
	v4 =	vmul.u32 $0x30, v4;
	v51 =	vadd.s32 v10, v49;
	[tilespmem:$0x890] =	vst v48  }
0x63: {  	v3 =	vand.u32 $0x7, v3;
	v55 =	vld [tilespmem:$0x3C0];
	v18 =	vshll.u32 v34, $0x9;
	v60 =	vadd.s32 v60, v58;
	[tilespmem:$0x900] =	vst v51  }
0x64: {  	v53 =	vld [tilespmem:$0x1C0];
	v3 =	vor.u32 v3, v4;
	v28 =	vshll.u32 v59, $0x9;
	v20 =	vadd.s32 v31, v18;
	[tilespmem:$0x990] =	vst v60  }
0x65: {  	v62 =	vld [tilespmem:$0x1E0];
	v25 =	vperm.xlane v3, v0;
	v4 =	vshll.u32 v21, $0x9;
	v30 =	vadd.s32 v57, v28;
	[tilespmem:$0xA10] =	vst v20  }
0x66: {  	v8 =	vshll.u32 v44, $0x9;
	v4 =	vadd.s32 v24, v4;
	[tilespmem:$0xB10] =	vst v30  }
0x67: {  	v7 =	vshll.u32 v50, $0x9;
	v23 =	vadd.s32 v41, v8;
	v29 =	vadd.s32 v1, v25;
	[tilespmem:$0xB90] =	vst v4  }
0x68: {  	v6 =	vshll.u32 v55, $0x9;
	v26 =	vadd.s32 v47, v7;
	[tilespmem:$0xA80] =	vst v23  }
0x69: {  	v31 =	vshll.u32 v19, $0x9;
	v27 =	vadd.s32 v53, v6;
	[tilespmem:$0xA90] =	vst v26  }
0x6a: {  	v32 =	vadd.s32 v62, v31;
	[tilespmem:$0xB00] =	vst v27  }
0x6b: {  	s21 =	simm.s32 $0xC00;
	v3 =	vperm.xlane v3, v2;
	[tilespmem:$0xB80] =	vst v32  }
0x6c: {  	[tilespmem:s21], [sflag:$0x1] =	stream.indirect_vreg.gather [hbm4b:s4+s2], $0x80, v29, vm0, $0xb8;
	[tilespmem:$0x18C00] =	vst v63  }
0x6d: {  	s22 =	simm.s32 $0x1400;
	v3 =	vadd.s32 v1, v3  }
0x6e: {  	[tilespmem:s22], [sflag:$0x1] =	stream.indirect_vreg.gather [hbm4b:s5+s2], $0x80, v29, vm0, $0xb8;
	[tilespmem:$0x18C00] =	vst v63  }
0x6f: {  	s23 =	simm.s32 $0x1C00  }
0x70: {  	[tilespmem:s23], [sflag:$0x1] =	stream.indirect_vreg.gather [hbm4b:s6+s2], $0x80, v29, vm0, $0xb8;
	[tilespmem:$0x18C00] =	vst v63  }
0x71: {  	s24 =	simm.s32 $0x2400  }
0x72: {  	[tilespmem:s24], [sflag:$0x1] =	stream.indirect_vreg.gather [hbm4b:s4+s2], $0x80, v3, vm0, $0xb8;
	[tilespmem:$0x18C00] =	vst v63  }
0x73: {  	s25 =	simm.s32 $0x2C00  }
0x74: {  	[tilespmem:s25], [sflag:$0x1] =	stream.indirect_vreg.gather [hbm4b:s5+s2], $0x80, v3, vm0, $0xb8;
	[tilespmem:$0x18C00] =	vst v63  }
0x75: {  	s26 =	simm.s32 $0x3400  }
0x76: {  	[tilespmem:s26], [sflag:$0x1] =	stream.indirect_vreg.gather [hbm4b:s6+s2], $0x80, v3, vm0, $0xb8;
	[tilespmem:$0x18C00] =	vst v63  }
0x77: {  	v3 =	vld [tilespmem:$0x410];
	_ =	sdelay $0x4  }
0x78: {  	v33 =	vshrl.u32 v3, $0x3  }
0x79: {  	v4 =	vmul.u32 $0x30, v33  }
0x7a: {  	v3 =	vand.u32 $0x7, v3  }
0x7b: {  	v3 =	vor.u32 v3, v4  }
0x7c: {  	v4 =	vperm.xlane v3, v0;
	_ =	sdelay $0x1  }
0x7d: {  	v4 =	vadd.s32 v1, v4;
	_ =	sdelay $0x3  }
0x7e: {  	s28 =	simm.s32 $0x3C00;
	v3 =	vperm.xlane v3, v2  }
0x7f: {  	[tilespmem:s28], [sflag:$0x1] =	stream.indirect_vreg.gather [hbm4b:s4+s2], $0x80, v4, vm0, $0xb8;
	[tilespmem:$0x18C00] =	vst v63  }
0x80: {  	s29 =	simm.s32 $0x4400;
	v3 =	vadd.s32 v1, v3  }
0x81: {  	[tilespmem:s29], [sflag:$0x1] =	stream.indirect_vreg.gather [hbm4b:s5+s2], $0x80, v4, vm0, $0xb8;
	[tilespmem:$0x18C00] =	vst v63  }
0x82: {  	s30 =	simm.s32 $0x4C00  }
0x83: {  	[tilespmem:s30], [sflag:$0x1] =	stream.indirect_vreg.gather [hbm4b:s6+s2], $0x80, v4, vm0, $0xb8;
	[tilespmem:$0x18C00] =	vst v63  }
0x84: {  	s31 =	simm.s32 $0x5400  }
0x85: {  	[tilespmem:s31], [sflag:$0x1] =	stream.indirect_vreg.gather [hbm4b:s4+s2], $0x80, v3, vm0, $0xb8;
	[tilespmem:$0x18C00] =	vst v63  }
0x86: {  	s1 =	simm.s32 $0x5C00  }
0x87: {  	[tilespmem:s1], [sflag:$0x1] =	stream.indirect_vreg.gather [hbm4b:s5+s2], $0x80, v3, vm0, $0xb8;
	[tilespmem:$0x18C00] =	vst v63  }
0x88: {  	s3 =	simm.s32 $0x6400  }
0x89: {  	[tilespmem:s3], [sflag:$0x1] =	stream.indirect_vreg.gather [hbm4b:s6+s2], $0x80, v3, vm0, $0xb8;
	[tilespmem:$0x18C00] =	vst v63  }
0x8a: {  	v3 =	vld [tilespmem:$0x480];
	_ =	sdelay $0x4  }
0x8b: {  	v34 =	vshrl.u32 v3, $0x3  }
0x8c: {  	v4 =	vmul.u32 $0x30, v34  }
0x8d: {  	v3 =	vand.u32 $0x7, v3  }
0x8e: {  	v3 =	vor.u32 v3, v4  }
0x8f: {  	v4 =	vperm.xlane v3, v0;
	_ =	sdelay $0x1  }
0x90: {  	v4 =	vadd.s32 v1, v4;
	_ =	sdelay $0x3  }
0x91: {  	s26 =	simm.s32 $0x6C00;
	v3 =	vperm.xlane v3, v2  }
0x92: {  	[tilespmem:s26], [sflag:$0x2] =	stream.indirect_vreg.gather [hbm4b:s4+s2], $0x80, v4, vm0, $0xb8;
	[tilespmem:$0x18C00] =	vst v63  }
0x93: {  	s11 =	simm.s32 $0x7400;
	v3 =	vadd.s32 v1, v3  }
0x94: {  	[tilespmem:s11], [sflag:$0x2] =	stream.indirect_vreg.gather [hbm4b:s5+s2], $0x80, v4, vm0, $0xb8;
	[tilespmem:$0x18C00] =	vst v63  }
0x95: {  	s12 =	simm.s32 $0x7C00  }
0x96: {  	[tilespmem:s12], [sflag:$0x2] =	stream.indirect_vreg.gather [hbm4b:s6+s2], $0x80, v4, vm0, $0xb8;
	[tilespmem:$0x18C00] =	vst v63  }
0x97: {  	s18 =	simm.s32 $0x8400  }
0x98: {  	[tilespmem:s18], [sflag:$0x2] =	stream.indirect_vreg.gather [hbm4b:s4+s2], $0x80, v3, vm0, $0xb8;
	[tilespmem:$0x18C00] =	vst v63  }
0x99: {  	s21 =	simm.s32 $0x8C00  }
0x9a: {  	[tilespmem:s21], [sflag:$0x2] =	stream.indirect_vreg.gather [hbm4b:s5+s2], $0x80, v3, vm0, $0xb8;
	[tilespmem:$0x18C00] =	vst v63  }
0x9b: {  	s22 =	simm.s32 $0x9400  }
0x9c: {  	[tilespmem:s22], [sflag:$0x2] =	stream.indirect_vreg.gather [hbm4b:s6+s2], $0x80, v3, vm0, $0xb8;
	[tilespmem:$0x18C00] =	vst v63  }
0x9d: {  	v3 =	vld [tilespmem:$0x490];
	_ =	sdelay $0x4  }
0x9e: {  	v35 =	vshrl.u32 v3, $0x3  }
0x9f: {  	v4 =	vmul.u32 $0x30, v35  }
0xa0: {  	v3 =	vand.u32 $0x7, v3  }
0xa1: {  	v3 =	vor.u32 v3, v4  }
0xa2: {  	v4 =	vperm.xlane v3, v0;
	_ =	sdelay $0x1  }
0xa3: {  	v4 =	vadd.s32 v1, v4;
	_ =	sdelay $0x3  }
0xa4: {  	s23 =	simm.s32 $0x9C00;
	v3 =	vperm.xlane v3, v2  }
0xa5: {  	[tilespmem:s23], [sflag:$0x2] =	stream.indirect_vreg.gather [hbm4b:s4+s2], $0x80, v4, vm0, $0xb8;
	[tilespmem:$0x18C00] =	vst v63  }
0xa6: {  	s30 =	simm.s32 $0xA400;
	v3 =	vadd.s32 v1, v3  }
0xa7: {  	[tilespmem:s30], [sflag:$0x2] =	stream.indirect_vreg.gather [hbm4b:s5+s2], $0x80, v4, vm0, $0xb8;
	[tilespmem:$0x18C00] =	vst v63  }
0xa8: {  	s31 =	simm.s32 $0xAC00  }
0xa9: {  	[tilespmem:s31], [sflag:$0x2] =	stream.indirect_vreg.gather [hbm4b:s6+s2], $0x80, v4, vm0, $0xb8;
	[tilespmem:$0x18C00] =	vst v63  }
0xaa: {  	s1 =	simm.s32 $0xB400  }
0xab: {  	[tilespmem:s1], [sflag:$0x2] =	stream.indirect_vreg.gather [hbm4b:s4+s2], $0x80, v3, vm0, $0xb8;
	[tilespmem:$0x18C00] =	vst v63  }
0xac: {  	s3 =	simm.s32 $0xBC00  }
0xad: {  	[tilespmem:s3], [sflag:$0x2] =	stream.indirect_vreg.gather [hbm4b:s5+s2], $0x80, v3, vm0, $0xb8;
	[tilespmem:$0x18C00] =	vst v63  }
0xae: {  	s18 =	simm.s32 $0xC400  }
0xaf: {  	[tilespmem:s18], [sflag:$0x2] =	stream.indirect_vreg.gather [hbm4b:s6+s2], $0x80, v3, vm0, $0xb8;
	[tilespmem:$0x18C00] =	vst v63  }
0xb0: {  	v3 =	vld [tilespmem:$0x500];
	_ =	sdelay $0x4  }
0xb1: {  	v36 =	vshrl.u32 v3, $0x3  }
0xb2: {  	v4 =	vmul.u32 $0x30, v36  }
0xb3: {  	v3 =	vand.u32 $0x7, v3  }
0xb4: {  	v3 =	vor.u32 v3, v4  }
0xb5: {  	v4 =	vperm.xlane v3, v0;
	_ =	sdelay $0x1  }
0xb6: {  	v4 =	vadd.s32 v1, v4;
	_ =	sdelay $0x3  }
0xb7: {  	s22 =	simm.s32 $0xCC00;
	v3 =	vperm.xlane v3, v2  }
0xb8: {  	[tilespmem:s22], [sflag:$0x3] =	stream.indirect_vreg.gather [hbm4b:s4+s2], $0x80, v4, vm0, $0xb8;
	[tilespmem:$0x18C00] =	vst v63  }
0xb9: {  	s21 =	simm.s32 $0xD400;
	v3 =	vadd.s32 v1, v3  }
0xba: {  	[tilespmem:s21], [sflag:$0x3] =	stream.indirect_vreg.gather [hbm4b:s5+s2], $0x80, v4, vm0, $0xb8;
	[tilespmem:$0x18C00] =	vst v63  }
0xbb: {  	s23 =	simm.s32 $0xDC00  }
0xbc: {  	[tilespmem:s23], [sflag:$0x3] =	stream.indirect_vreg.gather [hbm4b:s6+s2], $0x80, v4, vm0, $0xb8;
	[tilespmem:$0x18C00] =	vst v63  }
0xbd: {  	s0 =	simm.s32 $0xE400  }
0xbe: {  	[tilespmem:s0], [sflag:$0x3] =	stream.indirect_vreg.gather [hbm4b:s4+s2], $0x80, v3, vm0, $0xb8;
	[tilespmem:$0x18C00] =	vst v63  }
0xbf: {  	s3 =	simm.s32 $0xEC00  }
0xc0: {  	[tilespmem:s3], [sflag:$0x3] =	stream.indirect_vreg.gather [hbm4b:s5+s2], $0x80, v3, vm0, $0xb8;
	[tilespmem:$0x18C00] =	vst v63  }
0xc1: {  	s21 =	simm.s32 $0xF400  }
0xc2: {  	[tilespmem:s21], [sflag:$0x3] =	stream.indirect_vreg.gather [hbm4b:s6+s2], $0x80, v3, vm0, $0xb8;
	[tilespmem:$0x18C00] =	vst v63  }
0xc3: {  	v3 =	vld [tilespmem:$0x510];
	_ =	sdelay $0x4  }
0xc4: {  	v37 =	vshrl.u32 v3, $0x3  }
0xc5: {  	v4 =	vmul.u32 $0x30, v37  }
0xc6: {  	v3 =	vand.u32 $0x7, v3  }
0xc7: {  	v3 =	vor.u32 v3, v4  }
0xc8: {  	v4 =	vperm.xlane v3, v0;
	_ =	sdelay $0x1  }
0xc9: {  	v4 =	vadd.s32 v1, v4;
	_ =	sdelay $0x3  }
0xca: {  	s23 =	simm.s32 $0xFC00;
	v3 =	vperm.xlane v3, v2  }
0xcb: {  	[tilespmem:s23], [sflag:$0x3] =	stream.indirect_vreg.gather [hbm4b:s4+s2], $0x80, v4, vm0, $0xb8;
	[tilespmem:$0x18C00] =	vst v63  }
0xcc: {  	s0 =	simm.s32 $0x10400;
	v3 =	vadd.s32 v1, v3  }
0xcd: {  	[tilespmem:s0], [sflag:$0x3] =	stream.indirect_vreg.gather [hbm4b:s5+s2], $0x80, v4, vm0, $0xb8;
	[tilespmem:$0x18C00] =	vst v63  }
0xce: {  	s21 =	simm.s32 $0x10C00  }
0xcf: {  	[tilespmem:s21], [sflag:$0x3] =	stream.indirect_vreg.gather [hbm4b:s6+s2], $0x80, v4, vm0, $0xb8;
	[tilespmem:$0x18C00] =	vst v63  }
0xd0: {  	s23 =	simm.s32 $0x11400  }
0xd1: {  	[tilespmem:s23], [sflag:$0x3] =	stream.indirect_vreg.gather [hbm4b:s4+s2], $0x80, v3, vm0, $0xb8;
	[tilespmem:$0x18C00] =	vst v63  }
0xd2: {  	s0 =	simm.s32 $0x11C00  }
0xd3: {  	[tilespmem:s0], [sflag:$0x3] =	stream.indirect_vreg.gather [hbm4b:s5+s2], $0x80, v3, vm0, $0xb8;
	[tilespmem:$0x18C00] =	vst v63  }
0xd4: {  	s21 =	simm.s32 $0x12400  }
0xd5: {  	[tilespmem:s21], [sflag:$0x3] =	stream.indirect_vreg.gather [hbm4b:s6+s2], $0x80, v3, vm0, $0xb8;
	[tilespmem:$0x18C00] =	vst v63  }
0xd6: {  	v3 =	vld [tilespmem:$0x580];
	_ =	sdelay $0x4  }
0xd7: {  	v38 =	vshrl.u32 v3, $0x3  }
0xd8: {  	v4 =	vmul.u32 $0x30, v38  }
0xd9: {  	v3 =	vand.u32 $0x7, v3  }
0xda: {  	v3 =	vor.u32 v3, v4  }
0xdb: {  	v4 =	vperm.xlane v3, v0;
	_ =	sdelay $0x1  }
0xdc: {  	v4 =	vadd.s32 v1, v4;
	_ =	sdelay $0x3  }
0xdd: {  	v3 =	vperm.xlane v3, v2  }
0xde: {  	[tilespmem:s13], [sflag:$0x4] =	stream.indirect_vreg.gather [hbm4b:s4+s2], $0x80, v4, vm0, $0xb8;
	[tilespmem:$0x18C00] =	vst v63  }
0xdf: {  	s23 =	simm.s32 $0x13400;
	v3 =	vadd.s32 v1, v3  }
0xe0: {  	[tilespmem:s23], [sflag:$0x4] =	stream.indirect_vreg.gather [hbm4b:s5+s2], $0x80, v4, vm0, $0xb8;
	[tilespmem:$0x18C00] =	vst v63  }
0xe1: {  	s0 =	simm.s32 $0x13C00  }
0xe2: {  	[tilespmem:s0], [sflag:$0x4] =	stream.indirect_vreg.gather [hbm4b:s6+s2], $0x80, v4, vm0, $0xb8;
	[tilespmem:$0x18C00] =	vst v63  }
0xe3: {  	s23 =	simm.s32 $0x14400  }
0xe4: {  	[tilespmem:s23], [sflag:$0x4] =	stream.indirect_vreg.gather [hbm4b:s4+s2], $0x80, v3, vm0, $0xb8;
	[tilespmem:$0x18C00] =	vst v63  }
0xe5: {  	s0 =	simm.s32 $0x14C00  }
0xe6: {  	[tilespmem:s0], [sflag:$0x4] =	stream.indirect_vreg.gather [hbm4b:s5+s2], $0x80, v3, vm0, $0xb8;
	[tilespmem:$0x18C00] =	vst v63  }
0xe7: {  	s23 =	simm.s32 $0x15400  }
0xe8: {  	[tilespmem:s23], [sflag:$0x4] =	stream.indirect_vreg.gather [hbm4b:s6+s2], $0x80, v3, vm0, $0xb8;
	[tilespmem:$0x18C00] =	vst v63  }
0xe9: {  	v3 =	vld [tilespmem:$0x590];
	_ =	sdelay $0x4  }
0xea: {  	v39 =	vshrl.u32 v3, $0x3  }
0xeb: {  	v4 =	vmul.u32 $0x30, v39  }
0xec: {  	v3 =	vand.u32 $0x7, v3  }
0xed: {  	v3 =	vor.u32 v3, v4  }
0xee: {  	v4 =	vperm.xlane v3, v0;
	_ =	sdelay $0x1  }
0xef: {  	v4 =	vadd.s32 v1, v4;
	_ =	sdelay $0x3  }
0xf0: {  	s0 =	simm.s32 $0x15C00;
	v3 =	vperm.xlane v3, v2  }
0xf1: {  	[tilespmem:s0], [sflag:$0x4] =	stream.indirect_vreg.gather [hbm4b:s4+s2], $0x80, v4, vm0, $0xb8;
	[tilespmem:$0x18C00] =	vst v63  }
0xf2: {  	s23 =	simm.s32 $0x16400;
	v3 =	vadd.s32 v1, v3  }
0xf3: {  	[tilespmem:s23], [sflag:$0x4] =	stream.indirect_vreg.gather [hbm4b:s5+s2], $0x80, v4, vm0, $0xb8;
	[tilespmem:$0x18C00] =	vst v63  }
0xf4: {  	s0 =	simm.s32 $0x16C00  }
0xf5: {  	[tilespmem:s0], [sflag:$0x4] =	stream.indirect_vreg.gather [hbm4b:s6+s2], $0x80, v4, vm0, $0xb8;
	[tilespmem:$0x18C00] =	vst v63  }
0xf6: {  	s23 =	simm.s32 $0x17400  }
0xf7: {  	[tilespmem:s23], [sflag:$0x4] =	stream.indirect_vreg.gather [hbm4b:s4+s2], $0x80, v3, vm0, $0xb8;
	[tilespmem:$0x18C00] =	vst v63  }
0xf8: {  	s0 =	simm.s32 $0x17C00  }
0xf9: {  	[tilespmem:s0], [sflag:$0x4] =	stream.indirect_vreg.gather [hbm4b:s5+s2], $0x80, v3, vm0, $0xb8;
	[tilespmem:$0x18C00] =	vst v63  }
0xfa: {  	s23 =	simm.s32 $0x18400  }
0xfb: {  	[tilespmem:s23], [sflag:$0x4] =	stream.indirect_vreg.gather [hbm4b:s6+s2], $0x80, v3, vm0, $0xb8;
	[tilespmem:$0x18C00] =	vst v63  }
0xfc: {  	_ =	swait.ge [sflag:s14], $0x6000  }
0xfd: {  	[sflag:s14] =	ssyncset.done $0x0  }
0xfe: {  	s23 =	simm.s32 $0xC00;
	s0 =	rddreg [dreg:$0x17];
	[sflag:s14] =	ssyncadd.s32 $0xFFFFA000  }
0xff: {  	[hbm4b:s0+s2] =	stream.linear.scatter [tilespmem:s23], [sflag:$0x5], $0x6000, $0x38;
	[tilespmem:$0x18C00] =	vst v63  }
0x100: {  	_ =	swait.ge [sflag:s15], $0x6000  }
0x101: {  	[sflag:s15] =	ssyncset.done $0x0  }
0x102: {  	[sflag:s15] =	ssyncadd.s32 $0xFFFFA000  }
0x103: {  	v3 =	vld [tilespmem:$0x600];
	_ =	sdelay $0x4  }
0x104: {  	v40 =	vshrl.u32 v3, $0x3  }
0x105: {  	v4 =	vmul.u32 $0x30, v40  }
0x106: {  	v3 =	vand.u32 $0x7, v3  }
0x107: {  	v3 =	vor.u32 v3, v4  }
0x108: {  	v4 =	vperm.xlane v3, v0;
	_ =	sdelay $0x1  }
0x109: {  	v4 =	vadd.s32 v1, v4;
	_ =	sdelay $0x3  }
0x10a: {  	v3 =	vperm.xlane v3, v2  }
0x10b: {  	[tilespmem:s23], [sflag:$0x1] =	stream.indirect_vreg.gather [hbm4b:s4+s2], $0x80, v4, vm0, $0xb8;
	[tilespmem:$0x18C00] =	vst v63  }
0x10c: {  	s16 =	simm.s32 $0x1400;
	v3 =	vadd.s32 v1, v3  }
0x10d: {  	[tilespmem:s16], [sflag:$0x1] =	stream.indirect_vreg.gather [hbm4b:s5+s2], $0x80, v4, vm0, $0xb8;
	[tilespmem:$0x18C00] =	vst v63  }
0x10e: {  	s17 =	simm.s32 $0x1C00  }
0x10f: {  	[tilespmem:s17], [sflag:$0x1] =	stream.indirect_vreg.gather [hbm4b:s6+s2], $0x80, v4, vm0, $0xb8;
	[tilespmem:$0x18C00] =	vst v63  }
0x110: {  	s19 =	simm.s32 $0x2400  }
0x111: {  	[tilespmem:s19], [sflag:$0x1] =	stream.indirect_vreg.gather [hbm4b:s4+s2], $0x80, v3, vm0, $0xb8;
	[tilespmem:$0x18C00] =	vst v63  }
0x112: {  	s8 =	simm.s32 $0x2C00  }
0x113: {  	[tilespmem:s8], [sflag:$0x1] =	stream.indirect_vreg.gather [hbm4b:s5+s2], $0x80, v3, vm0, $0xb8;
	[tilespmem:$0x18C00] =	vst v63  }
0x114: {  	s7 =	simm.s32 $0x3400  }
0x115: {  	[tilespmem:s7], [sflag:$0x1] =	stream.indirect_vreg.gather [hbm4b:s6+s2], $0x80, v3, vm0, $0xb8;
	[tilespmem:$0x18C00] =	vst v63  }
0x116: {  	v3 =	vld [tilespmem:$0x610];
	_ =	sdelay $0x4  }
0x117: {  	v41 =	vshrl.u32 v3, $0x3  }
0x118: {  	v4 =	vmul.u32 $0x30, v41  }
0x119: {  	v3 =	vand.u32 $0x7, v3  }
0x11a: {  	v3 =	vor.u32 v3, v4  }
0x11b: {  	v4 =	vperm.xlane v3, v0;
	_ =	sdelay $0x1  }
0x11c: {  	v4 =	vadd.s32 v1, v4;
	_ =	sdelay $0x3  }
0x11d: {  	s20 =	simm.s32 $0x3C00;
	v3 =	vperm.xlane v3, v2  }
0x11e: {  	[tilespmem:s20], [sflag:$0x1] =	stream.indirect_vreg.gather [hbm4b:s4+s2], $0x80, v4, vm0, $0xb8;
	[tilespmem:$0x18C00] =	vst v63  }
0x11f: {  	s9 =	simm.s32 $0x4400;
	v3 =	vadd.s32 v1, v3  }
0x120: {  	[tilespmem:s9], [sflag:$0x1] =	stream.indirect_vreg.gather [hbm4b:s5+s2], $0x80, v4, vm0, $0xb8;
	[tilespmem:$0x18C00] =	vst v63  }
0x121: {  	s10 =	simm.s32 $0x4C00  }
0x122: {  	[tilespmem:s10], [sflag:$0x1] =	stream.indirect_vreg.gather [hbm4b:s6+s2], $0x80, v4, vm0, $0xb8;
	[tilespmem:$0x18C00] =	vst v63  }
0x123: {  	s20 =	simm.s32 $0x5400  }
0x124: {  	[tilespmem:s20], [sflag:$0x1] =	stream.indirect_vreg.gather [hbm4b:s4+s2], $0x80, v3, vm0, $0xb8;
	[tilespmem:$0x18C00] =	vst v63  }
0x125: {  	s7 =	simm.s32 $0x5C00  }
0x126: {  	[tilespmem:s7], [sflag:$0x1] =	stream.indirect_vreg.gather [hbm4b:s5+s2], $0x80, v3, vm0, $0xb8;
	[tilespmem:$0x18C00] =	vst v63  }
0x127: {  	s23 =	simm.s32 $0x6400;
	s16 =	simm.s32 $0x2  }
0x128: {  	[tilespmem:s23], [sflag:$0x1] =	stream.indirect_vreg.gather [hbm4b:s6+s2], $0x80, v3, vm0, $0xb8;
	[tilespmem:$0x18C00] =	vst v63  }
0x129: {  	_ =	swait.ge [sflag:s16], $0x6000  }
0x12a: {  	[sflag:s16] =	ssyncset.done $0x0  }
0x12b: {  	s17 =	rddreg [dreg:$0x7];
	[sflag:s16] =	ssyncadd.s32 $0xFFFFA000  }
0x12c: {  	[hbm4b:s17+s2] =	stream.linear.scatter [tilespmem:s26], [sflag:$0x6], $0x6000, $0x38;
	[tilespmem:$0x18C00] =	vst v63  }
0x12d: {  	s17 =	simm.s32 $0x6  }
0x12e: {  	_ =	swait.ge [sflag:s17], $0x6000  }
0x12f: {  	[sflag:s17] =	ssyncset.done $0x0  }
0x130: {  	[sflag:s17] =	ssyncadd.s32 $0xFFFFA000  }
0x131: {  	v3 =	vld [tilespmem:$0x680];
	_ =	sdelay $0x4  }
0x132: {  	v42 =	vshrl.u32 v3, $0x3  }
0x133: {  	v4 =	vmul.u32 $0x30, v42  }
0x134: {  	v3 =	vand.u32 $0x7, v3  }
0x135: {  	v3 =	vor.u32 v3, v4  }
0x136: {  	v4 =	vperm.xlane v3, v0;
	_ =	sdelay $0x1  }
0x137: {  	v4 =	vadd.s32 v1, v4;
	_ =	sdelay $0x3  }
0x138: {  	v3 =	vperm.xlane v3, v2  }
0x139: {  	[tilespmem:s26], [sflag:$0x2] =	stream.indirect_vreg.gather [hbm4b:s4+s2], $0x80, v4, vm0, $0xb8;
	[tilespmem:$0x18C00] =	vst v63  }
0x13a: {  	s24 =	simm.s32 $0x7400;
	v3 =	vadd.s32 v1, v3  }
0x13b: {  	[tilespmem:s24], [sflag:$0x2] =	stream.indirect_vreg.gather [hbm4b:s5+s2], $0x80, v4, vm0, $0xb8;
	[tilespmem:$0x18C00] =	vst v63  }
0x13c: {  	s25 =	simm.s32 $0x7C00  }
0x13d: {  	[tilespmem:s25], [sflag:$0x2] =	stream.indirect_vreg.gather [hbm4b:s6+s2], $0x80, v4, vm0, $0xb8;
	[tilespmem:$0x18C00] =	vst v63  }
0x13e: {  	s28 =	simm.s32 $0x8400  }
0x13f: {  	[tilespmem:s28], [sflag:$0x2] =	stream.indirect_vreg.gather [hbm4b:s4+s2], $0x80, v3, vm0, $0xb8;
	[tilespmem:$0x18C00] =	vst v63  }
0x140: {  	s29 =	simm.s32 $0x8C00  }
0x141: {  	[tilespmem:s29], [sflag:$0x2] =	stream.indirect_vreg.gather [hbm4b:s5+s2], $0x80, v3, vm0, $0xb8;
	[tilespmem:$0x18C00] =	vst v63  }
0x142: {  	s12 =	simm.s32 $0x9400  }
0x143: {  	[tilespmem:s12], [sflag:$0x2] =	stream.indirect_vreg.gather [hbm4b:s6+s2], $0x80, v3, vm0, $0xb8;
	[tilespmem:$0x18C00] =	vst v63  }
0x144: {  	v3 =	vld [tilespmem:$0x690];
	_ =	sdelay $0x4  }
0x145: {  	v43 =	vshrl.u32 v3, $0x3  }
0x146: {  	v4 =	vmul.u32 $0x30, v43  }
0x147: {  	v3 =	vand.u32 $0x7, v3  }
0x148: {  	v3 =	vor.u32 v3, v4  }
0x149: {  	v4 =	vperm.xlane v3, v0;
	_ =	sdelay $0x1  }
0x14a: {  	v4 =	vadd.s32 v1, v4;
	_ =	sdelay $0x3  }
0x14b: {  	s11 =	simm.s32 $0x9C00;
	v3 =	vperm.xlane v3, v2  }
0x14c: {  	[tilespmem:s11], [sflag:$0x2] =	stream.indirect_vreg.gather [hbm4b:s4+s2], $0x80, v4, vm0, $0xb8;
	[tilespmem:$0x18C00] =	vst v63  }
0x14d: {  	s30 =	simm.s32 $0xA400;
	v3 =	vadd.s32 v1, v3  }
0x14e: {  	[tilespmem:s30], [sflag:$0x2] =	stream.indirect_vreg.gather [hbm4b:s5+s2], $0x80, v4, vm0, $0xb8;
	[tilespmem:$0x18C00] =	vst v63  }
0x14f: {  	s31 =	simm.s32 $0xAC00  }
0x150: {  	[tilespmem:s31], [sflag:$0x2] =	stream.indirect_vreg.gather [hbm4b:s6+s2], $0x80, v4, vm0, $0xb8;
	[tilespmem:$0x18C00] =	vst v63  }
0x151: {  	s8 =	simm.s32 $0xB400  }
0x152: {  	[tilespmem:s8], [sflag:$0x2] =	stream.indirect_vreg.gather [hbm4b:s4+s2], $0x80, v3, vm0, $0xb8;
	[tilespmem:$0x18C00] =	vst v63  }
0x153: {  	s9 =	simm.s32 $0xBC00  }
0x154: {  	[tilespmem:s9], [sflag:$0x2] =	stream.indirect_vreg.gather [hbm4b:s5+s2], $0x80, v3, vm0, $0xb8;
	[tilespmem:$0x18C00] =	vst v63  }
0x155: {  	s18 =	simm.s32 $0xC400  }
0x156: {  	[tilespmem:s18], [sflag:$0x2] =	stream.indirect_vreg.gather [hbm4b:s6+s2], $0x80, v3, vm0, $0xb8;
	[tilespmem:$0x18C00] =	vst v63  }
0x157: {  	s18 =	simm.s32 $0x3  }
0x158: {  	_ =	swait.ge [sflag:s18], $0x6000  }
0x159: {  	[sflag:s18] =	ssyncset.done $0x0  }
0x15a: {  	s19 =	rddreg [dreg:$0x8];
	[sflag:s18] =	ssyncadd.s32 $0xFFFFA000  }
0x15b: {  	[hbm4b:s19+s2] =	stream.linear.scatter [tilespmem:s22], [sflag:$0x7], $0x6000, $0x38;
	[tilespmem:$0x18C00] =	vst v63  }
0x15c: {  	s19 =	simm.s32 $0x7  }
0x15d: {  	_ =	swait.ge [sflag:s19], $0x6000  }
0x15e: {  	[sflag:s19] =	ssyncset.done $0x0  }
0x15f: {  	[sflag:s19] =	ssyncadd.s32 $0xFFFFA000  }
0x160: {  	v3 =	vld [tilespmem:$0x700];
	_ =	sdelay $0x4  }
0x161: {  	v44 =	vshrl.u32 v3, $0x3  }
0x162: {  	v4 =	vmul.u32 $0x30, v44  }
0x163: {  	v3 =	vand.u32 $0x7, v3  }
0x164: {  	v3 =	vor.u32 v3, v4  }
0x165: {  	v4 =	vperm.xlane v3, v0;
	_ =	sdelay $0x1  }
0x166: {  	v4 =	vadd.s32 v1, v4;
	_ =	sdelay $0x3  }
0x167: {  	v3 =	vperm.xlane v3, v2  }
0x168: {  	[tilespmem:s22], [sflag:$0x3] =	stream.indirect_vreg.gather [hbm4b:s4+s2], $0x80, v4, vm0, $0xb8;
	[tilespmem:$0x18C00] =	vst v63  }
0x169: {  	s11 =	simm.s32 $0xD400;
	v3 =	vadd.s32 v1, v3  }
0x16a: {  	[tilespmem:s11], [sflag:$0x3] =	stream.indirect_vreg.gather [hbm4b:s5+s2], $0x80, v4, vm0, $0xb8;
	[tilespmem:$0x18C00] =	vst v63  }
0x16b: {  	s30 =	simm.s32 $0xDC00  }
0x16c: {  	[tilespmem:s30], [sflag:$0x3] =	stream.indirect_vreg.gather [hbm4b:s6+s2], $0x80, v4, vm0, $0xb8;
	[tilespmem:$0x18C00] =	vst v63  }
0x16d: {  	s31 =	simm.s32 $0xE400  }
0x16e: {  	[tilespmem:s31], [sflag:$0x3] =	stream.indirect_vreg.gather [hbm4b:s4+s2], $0x80, v3, vm0, $0xb8;
	[tilespmem:$0x18C00] =	vst v63  }
0x16f: {  	s10 =	simm.s32 $0xEC00  }
0x170: {  	[tilespmem:s10], [sflag:$0x3] =	stream.indirect_vreg.gather [hbm4b:s5+s2], $0x80, v3, vm0, $0xb8;
	[tilespmem:$0x18C00] =	vst v63  }
0x171: {  	s3 =	simm.s32 $0xF400  }
0x172: {  	[tilespmem:s3], [sflag:$0x3] =	stream.indirect_vreg.gather [hbm4b:s6+s2], $0x80, v3, vm0, $0xb8;
	[tilespmem:$0x18C00] =	vst v63  }
0x173: {  	v3 =	vld [tilespmem:$0x710];
	_ =	sdelay $0x4  }
0x174: {  	v45 =	vshrl.u32 v3, $0x3  }
0x175: {  	v4 =	vmul.u32 $0x30, v45  }
0x176: {  	v3 =	vand.u32 $0x7, v3  }
0x177: {  	v3 =	vor.u32 v3, v4  }
0x178: {  	v4 =	vperm.xlane v3, v0;
	_ =	sdelay $0x1  }
0x179: {  	v4 =	vadd.s32 v1, v4;
	_ =	sdelay $0x3  }
0x17a: {  	s24 =	simm.s32 $0xFC00;
	v3 =	vperm.xlane v3, v2  }
0x17b: {  	[tilespmem:s24], [sflag:$0x3] =	stream.indirect_vreg.gather [hbm4b:s4+s2], $0x80, v4, vm0, $0xb8;
	[tilespmem:$0x18C00] =	vst v63  }
0x17c: {  	s12 =	simm.s32 $0x10400;
	v3 =	vadd.s32 v1, v3  }
0x17d: {  	[tilespmem:s12], [sflag:$0x3] =	stream.indirect_vreg.gather [hbm4b:s5+s2], $0x80, v4, vm0, $0xb8;
	[tilespmem:$0x18C00] =	vst v63  }
0x17e: {  	s24 =	simm.s32 $0x10C00  }
0x17f: {  	[tilespmem:s24], [sflag:$0x3] =	stream.indirect_vreg.gather [hbm4b:s6+s2], $0x80, v4, vm0, $0xb8;
	[tilespmem:$0x18C00] =	vst v63  }
0x180: {  	s28 =	simm.s32 $0x11400  }
0x181: {  	[tilespmem:s28], [sflag:$0x3] =	stream.indirect_vreg.gather [hbm4b:s4+s2], $0x80, v3, vm0, $0xb8;
	[tilespmem:$0x18C00] =	vst v63  }
0x182: {  	s29 =	simm.s32 $0x11C00  }
0x183: {  	[tilespmem:s29], [sflag:$0x3] =	stream.indirect_vreg.gather [hbm4b:s5+s2], $0x80, v3, vm0, $0xb8;
	[tilespmem:$0x18C00] =	vst v63  }
0x184: {  	s1 =	simm.s32 $0x12400  }
0x185: {  	[tilespmem:s1], [sflag:$0x3] =	stream.indirect_vreg.gather [hbm4b:s6+s2], $0x80, v3, vm0, $0xb8;
	[tilespmem:$0x18C00] =	vst v63  }
0x186: {  	s1 =	simm.s32 $0x4  }
0x187: {  	_ =	swait.ge [sflag:s1], $0x6000  }
0x188: {  	[sflag:s1] =	ssyncset.done $0x0  }
0x189: {  	s25 =	rddreg [dreg:$0x9];
	[sflag:s1] =	ssyncadd.s32 $0xFFFFA000  }
0x18a: {  	[hbm4b:s25+s2] =	stream.linear.scatter [tilespmem:s13], [sflag:$0x8], $0x6000, $0x38;
	[tilespmem:$0x18C00] =	vst v63  }
0x18b: {  	s25 =	simm.s32 $0x8  }
0x18c: {  	_ =	swait.ge [sflag:s25], $0x6000  }
0x18d: {  	[sflag:s25] =	ssyncset.done $0x0  }
0x18e: {  	[sflag:s25] =	ssyncadd.s32 $0xFFFFA000  }
0x18f: {  	v3 =	vld [tilespmem:$0x780];
	_ =	sdelay $0x4  }
0x190: {  	v46 =	vshrl.u32 v3, $0x3  }
0x191: {  	v4 =	vmul.u32 $0x30, v46  }
0x192: {  	v3 =	vand.u32 $0x7, v3  }
0x193: {  	v3 =	vor.u32 v3, v4  }
0x194: {  	v4 =	vperm.xlane v3, v0;
	_ =	sdelay $0x1  }
0x195: {  	v4 =	vadd.s32 v1, v4;
	_ =	sdelay $0x3  }
0x196: {  	v3 =	vperm.xlane v3, v2  }
0x197: {  	[tilespmem:s13], [sflag:$0x4] =	stream.indirect_vreg.gather [hbm4b:s4+s2], $0x80, v4, vm0, $0xb8;
	[tilespmem:$0x18C00] =	vst v63  }
0x198: {  	s21 =	simm.s32 $0x13400;
	v3 =	vadd.s32 v1, v3  }
0x199: {  	[tilespmem:s21], [sflag:$0x4] =	stream.indirect_vreg.gather [hbm4b:s5+s2], $0x80, v4, vm0, $0xb8;
	[tilespmem:$0x18C00] =	vst v63  }
0x19a: {  	s21 =	simm.s32 $0x13C00  }
0x19b: {  	[tilespmem:s21], [sflag:$0x4] =	stream.indirect_vreg.gather [hbm4b:s6+s2], $0x80, v4, vm0, $0xb8;
	[tilespmem:$0x18C00] =	vst v63  }
0x19c: {  	s21 =	simm.s32 $0x14400  }
0x19d: {  	[tilespmem:s21], [sflag:$0x4] =	stream.indirect_vreg.gather [hbm4b:s4+s2], $0x80, v3, vm0, $0xb8;
	[tilespmem:$0x18C00] =	vst v63  }
0x19e: {  	s21 =	simm.s32 $0x14C00  }
0x19f: {  	[tilespmem:s21], [sflag:$0x4] =	stream.indirect_vreg.gather [hbm4b:s5+s2], $0x80, v3, vm0, $0xb8;
	[tilespmem:$0x18C00] =	vst v63  }
0x1a0: {  	s21 =	simm.s32 $0x15400  }
0x1a1: {  	[tilespmem:s21], [sflag:$0x4] =	stream.indirect_vreg.gather [hbm4b:s6+s2], $0x80, v3, vm0, $0xb8;
	[tilespmem:$0x18C00] =	vst v63  }
0x1a2: {  	v3 =	vld [tilespmem:$0x790];
	_ =	sdelay $0x4  }
0x1a3: {  	v47 =	vshrl.u32 v3, $0x3  }
0x1a4: {  	v4 =	vmul.u32 $0x30, v47  }
0x1a5: {  	v3 =	vand.u32 $0x7, v3  }
0x1a6: {  	v3 =	vor.u32 v3, v4  }
0x1a7: {  	v4 =	vperm.xlane v3, v0;
	_ =	sdelay $0x1  }
0x1a8: {  	v4 =	vadd.s32 v1, v4;
	_ =	sdelay $0x3  }
0x1a9: {  	s21 =	simm.s32 $0x15C00;
	v3 =	vperm.xlane v3, v2  }
0x1aa: {  	[tilespmem:s21], [sflag:$0x4] =	stream.indirect_vreg.gather [hbm4b:s4+s2], $0x80, v4, vm0, $0xb8;
	[tilespmem:$0x18C00] =	vst v63  }
0x1ab: {  	v3 =	vadd.s32 v1, v3;
	s21 =	simm.s32 $0x16400  }
0x1ac: {  	[tilespmem:s21], [sflag:$0x4] =	stream.indirect_vreg.gather [hbm4b:s5+s2], $0x80, v4, vm0, $0xb8;
	[tilespmem:$0x18C00] =	vst v63  }
0x1ad: {  	s21 =	simm.s32 $0x16C00  }
0x1ae: {  	[tilespmem:s21], [sflag:$0x4] =	stream.indirect_vreg.gather [hbm4b:s6+s2], $0x80, v4, vm0, $0xb8;
	[tilespmem:$0x18C00] =	vst v63  }
0x1af: {  	s21 =	simm.s32 $0x17400  }
0x1b0: {  	[tilespmem:s21], [sflag:$0x4] =	stream.indirect_vreg.gather [hbm4b:s4+s2], $0x80, v3, vm0, $0xb8;
	[tilespmem:$0x18C00] =	vst v63  }
0x1b1: {  	s21 =	simm.s32 $0x17C00  }
0x1b2: {  	[tilespmem:s21], [sflag:$0x4] =	stream.indirect_vreg.gather [hbm4b:s5+s2], $0x80, v3, vm0, $0xb8;
	[tilespmem:$0x18C00] =	vst v63  }
0x1b3: {  	s21 =	simm.s32 $0x18400  }
0x1b4: {  	[tilespmem:s21], [sflag:$0x4] =	stream.indirect_vreg.gather [hbm4b:s6+s2], $0x80, v3, vm0, $0xb8;
	[tilespmem:$0x18C00] =	vst v63  }
0x1b5: {  	_ =	swait.ge [sflag:s14], $0x6000  }
0x1b6: {  	[sflag:s14] =	ssyncset.done $0x0  }
0x1b7: {  	s0 =	simm.s32 $0xC00;
	s21 =	rddreg [dreg:$0xa];
	[sflag:s14] =	ssyncadd.s32 $0xFFFFA000  }
0x1b8: {  	[hbm4b:s21+s2] =	stream.linear.scatter [tilespmem:s0], [sflag:$0x5], $0x6000, $0x38;
	[tilespmem:$0x18C00] =	vst v63  }
0x1b9: {  	_ =	swait.ge [sflag:s15], $0x6000  }
0x1ba: {  	[sflag:s15] =	ssyncset.done $0x0  }
0x1bb: {  	[sflag:s15] =	ssyncadd.s32 $0xFFFFA000  }
0x1bc: {  	v3 =	vld [tilespmem:$0x800];
	_ =	sdelay $0x4  }
0x1bd: {  	v48 =	vshrl.u32 v3, $0x3  }
0x1be: {  	v4 =	vmul.u32 $0x30, v48  }
0x1bf: {  	v3 =	vand.u32 $0x7, v3  }
0x1c0: {  	v3 =	vor.u32 v3, v4  }
0x1c1: {  	v4 =	vperm.xlane v3, v0;
	_ =	sdelay $0x1  }
0x1c2: {  	v4 =	vadd.s32 v1, v4;
	_ =	sdelay $0x3  }
0x1c3: {  	v3 =	vperm.xlane v3, v2  }
0x1c4: {  	[tilespmem:s0], [sflag:$0x1] =	stream.indirect_vreg.gather [hbm4b:s4+s2], $0x80, v4, vm0, $0xb8;
	[tilespmem:$0x18C00] =	vst v63  }
0x1c5: {  	s21 =	simm.s32 $0x1400;
	v3 =	vadd.s32 v1, v3  }
0x1c6: {  	[tilespmem:s21], [sflag:$0x1] =	stream.indirect_vreg.gather [hbm4b:s5+s2], $0x80, v4, vm0, $0xb8;
	[tilespmem:$0x18C00] =	vst v63  }
0x1c7: {  	s21 =	simm.s32 $0x1C00  }
0x1c8: {  	[tilespmem:s21], [sflag:$0x1] =	stream.indirect_vreg.gather [hbm4b:s6+s2], $0x80, v4, vm0, $0xb8;
	[tilespmem:$0x18C00] =	vst v63  }
0x1c9: {  	s21 =	simm.s32 $0x2400  }
0x1ca: {  	[tilespmem:s21], [sflag:$0x1] =	stream.indirect_vreg.gather [hbm4b:s4+s2], $0x80, v3, vm0, $0xb8;
	[tilespmem:$0x18C00] =	vst v63  }
0x1cb: {  	s21 =	simm.s32 $0x2C00  }
0x1cc: {  	[tilespmem:s21], [sflag:$0x1] =	stream.indirect_vreg.gather [hbm4b:s5+s2], $0x80, v3, vm0, $0xb8;
	[tilespmem:$0x18C00] =	vst v63  }
0x1cd: {  	s21 =	simm.s32 $0x3400  }
0x1ce: {  	[tilespmem:s21], [sflag:$0x1] =	stream.indirect_vreg.gather [hbm4b:s6+s2], $0x80, v3, vm0, $0xb8;
	[tilespmem:$0x18C00] =	vst v63  }
0x1cf: {  	v3 =	vld [tilespmem:$0x810];
	_ =	sdelay $0x4  }
0x1d0: {  	v49 =	vshrl.u32 v3, $0x3  }
0x1d1: {  	v4 =	vmul.u32 $0x30, v49  }
0x1d2: {  	v3 =	vand.u32 $0x7, v3  }
0x1d3: {  	v3 =	vor.u32 v3, v4  }
0x1d4: {  	v4 =	vperm.xlane v3, v0;
	_ =	sdelay $0x1  }
0x1d5: {  	v4 =	vadd.s32 v1, v4;
	_ =	sdelay $0x3  }
0x1d6: {  	s21 =	simm.s32 $0x3C00;
	v3 =	vperm.xlane v3, v2  }
0x1d7: {  	[tilespmem:s21], [sflag:$0x1] =	stream.indirect_vreg.gather [hbm4b:s4+s2], $0x80, v4, vm0, $0xb8;
	[tilespmem:$0x18C00] =	vst v63  }
0x1d8: {  	v3 =	vadd.s32 v1, v3;
	s21 =	simm.s32 $0x4400  }
0x1d9: {  	[tilespmem:s21], [sflag:$0x1] =	stream.indirect_vreg.gather [hbm4b:s5+s2], $0x80, v4, vm0, $0xb8;
	[tilespmem:$0x18C00] =	vst v63  }
0x1da: {  	s21 =	simm.s32 $0x4C00  }
0x1db: {  	[tilespmem:s21], [sflag:$0x1] =	stream.indirect_vreg.gather [hbm4b:s6+s2], $0x80, v4, vm0, $0xb8;
	[tilespmem:$0x18C00] =	vst v63  }
0x1dc: {  	_ = 	snop  }
0x1dd: {  	[tilespmem:s20], [sflag:$0x1] =	stream.indirect_vreg.gather [hbm4b:s4+s2], $0x80, v3, vm0, $0xb8;
	[tilespmem:$0x18C00] =	vst v63  }
0x1de: {  	_ = 	snop  }
0x1df: {  	[tilespmem:s7], [sflag:$0x1] =	stream.indirect_vreg.gather [hbm4b:s5+s2], $0x80, v3, vm0, $0xb8;
	[tilespmem:$0x18C00] =	vst v63  }
0x1e0: {  	_ = 	snop  }
0x1e1: {  	[tilespmem:s23], [sflag:$0x1] =	stream.indirect_vreg.gather [hbm4b:s6+s2], $0x80, v3, vm0, $0xb8;
	[tilespmem:$0x18C00] =	vst v63  }
0x1e2: {  	_ =	swait.ge [sflag:s16], $0x6000  }
0x1e3: {  	[sflag:s16] =	ssyncset.done $0x0  }
0x1e4: {  	s7 =	rddreg [dreg:$0xb];
	[sflag:s16] =	ssyncadd.s32 $0xFFFFA000  }
0x1e5: {  	[hbm4b:s7+s2] =	stream.linear.scatter [tilespmem:s26], [sflag:$0x6], $0x6000, $0x38;
	[tilespmem:$0x18C00] =	vst v63  }
0x1e6: {  	_ =	swait.ge [sflag:s17], $0x6000  }
0x1e7: {  	[sflag:s17] =	ssyncset.done $0x0  }
0x1e8: {  	[sflag:s17] =	ssyncadd.s32 $0xFFFFA000  }
0x1e9: {  	v3 =	vld [tilespmem:$0x880];
	_ =	sdelay $0x4  }
0x1ea: {  	v50 =	vshrl.u32 v3, $0x3  }
0x1eb: {  	v4 =	vmul.u32 $0x30, v50  }
0x1ec: {  	v3 =	vand.u32 $0x7, v3  }
0x1ed: {  	v3 =	vor.u32 v3, v4  }
0x1ee: {  	v4 =	vperm.xlane v3, v0;
	_ =	sdelay $0x1  }
0x1ef: {  	v4 =	vadd.s32 v1, v4;
	_ =	sdelay $0x3  }
0x1f0: {  	v3 =	vperm.xlane v3, v2  }
0x1f1: {  	[tilespmem:s26], [sflag:$0x2] =	stream.indirect_vreg.gather [hbm4b:s4+s2], $0x80, v4, vm0, $0xb8;
	[tilespmem:$0x18C00] =	vst v63  }
0x1f2: {  	s23 =	simm.s32 $0x7400;
	v3 =	vadd.s32 v1, v3  }
0x1f3: {  	[tilespmem:s23], [sflag:$0x2] =	stream.indirect_vreg.gather [hbm4b:s5+s2], $0x80, v4, vm0, $0xb8;
	[tilespmem:$0x18C00] =	vst v63  }
0x1f4: {  	s7 =	simm.s32 $0x7C00  }
0x1f5: {  	[tilespmem:s7], [sflag:$0x2] =	stream.indirect_vreg.gather [hbm4b:s6+s2], $0x80, v4, vm0, $0xb8;
	[tilespmem:$0x18C00] =	vst v63  }
0x1f6: {  	s21 =	simm.s32 $0x8400  }
0x1f7: {  	[tilespmem:s21], [sflag:$0x2] =	stream.indirect_vreg.gather [hbm4b:s4+s2], $0x80, v3, vm0, $0xb8;
	[tilespmem:$0x18C00] =	vst v63  }
0x1f8: {  	s23 =	simm.s32 $0x8C00  }
0x1f9: {  	[tilespmem:s23], [sflag:$0x2] =	stream.indirect_vreg.gather [hbm4b:s5+s2], $0x80, v3, vm0, $0xb8;
	[tilespmem:$0x18C00] =	vst v63  }
0x1fa: {  	s7 =	simm.s32 $0x9400  }
0x1fb: {  	[tilespmem:s7], [sflag:$0x2] =	stream.indirect_vreg.gather [hbm4b:s6+s2], $0x80, v3, vm0, $0xb8;
	[tilespmem:$0x18C00] =	vst v63  }
0x1fc: {  	v3 =	vld [tilespmem:$0x890];
	_ =	sdelay $0x4  }
0x1fd: {  	v51 =	vshrl.u32 v3, $0x3  }
0x1fe: {  	v4 =	vmul.u32 $0x30, v51  }
0x1ff: {  	v3 =	vand.u32 $0x7, v3  }
0x200: {  	v3 =	vor.u32 v3, v4  }
0x201: {  	v4 =	vperm.xlane v3, v0;
	_ =	sdelay $0x1  }
0x202: {  	v4 =	vadd.s32 v1, v4;
	_ =	sdelay $0x3  }
0x203: {  	s21 =	simm.s32 $0x9C00;
	v3 =	vperm.xlane v3, v2  }
0x204: {  	[tilespmem:s21], [sflag:$0x2] =	stream.indirect_vreg.gather [hbm4b:s4+s2], $0x80, v4, vm0, $0xb8;
	[tilespmem:$0x18C00] =	vst v63  }
0x205: {  	s23 =	simm.s32 $0xA400;
	v3 =	vadd.s32 v1, v3  }
0x206: {  	[tilespmem:s23], [sflag:$0x2] =	stream.indirect_vreg.gather [hbm4b:s5+s2], $0x80, v4, vm0, $0xb8;
	[tilespmem:$0x18C00] =	vst v63  }
0x207: {  	s7 =	simm.s32 $0xAC00  }
0x208: {  	[tilespmem:s7], [sflag:$0x2] =	stream.indirect_vreg.gather [hbm4b:s6+s2], $0x80, v4, vm0, $0xb8;
	[tilespmem:$0x18C00] =	vst v63  }
0x209: {  	_ = 	snop  }
0x20a: {  	[tilespmem:s8], [sflag:$0x2] =	stream.indirect_vreg.gather [hbm4b:s4+s2], $0x80, v3, vm0, $0xb8;
	[tilespmem:$0x18C00] =	vst v63  }
0x20b: {  	_ = 	snop  }
0x20c: {  	[tilespmem:s9], [sflag:$0x2] =	stream.indirect_vreg.gather [hbm4b:s5+s2], $0x80, v3, vm0, $0xb8;
	[tilespmem:$0x18C00] =	vst v63  }
0x20d: {  	s21 =	simm.s32 $0xC400  }
0x20e: {  	[tilespmem:s21], [sflag:$0x2] =	stream.indirect_vreg.gather [hbm4b:s6+s2], $0x80, v3, vm0, $0xb8;
	[tilespmem:$0x18C00] =	vst v63  }
0x20f: {  	_ =	swait.ge [sflag:s18], $0x6000  }
0x210: {  	[sflag:s18] =	ssyncset.done $0x0  }
0x211: {  	s0 =	rddreg [dreg:$0xc];
	[sflag:s18] =	ssyncadd.s32 $0xFFFFA000  }
0x212: {  	[hbm4b:s0+s2] =	stream.linear.scatter [tilespmem:s22], [sflag:$0x7], $0x6000, $0x38;
	[tilespmem:$0x18C00] =	vst v63  }
0x213: {  	_ =	swait.ge [sflag:s19], $0x6000  }
0x214: {  	[sflag:s19] =	ssyncset.done $0x0  }
0x215: {  	[sflag:s19] =	ssyncadd.s32 $0xFFFFA000  }
0x216: {  	v3 =	vld [tilespmem:$0x900];
	_ =	sdelay $0x4  }
0x217: {  	v52 =	vshrl.u32 v3, $0x3  }
0x218: {  	v4 =	vmul.u32 $0x30, v52  }
0x219: {  	v3 =	vand.u32 $0x7, v3  }
0x21a: {  	v3 =	vor.u32 v3, v4  }
0x21b: {  	v4 =	vperm.xlane v3, v0;
	_ =	sdelay $0x1  }
0x21c: {  	v4 =	vadd.s32 v1, v4;
	_ =	sdelay $0x3  }
0x21d: {  	v3 =	vperm.xlane v3, v2  }
0x21e: {  	[tilespmem:s22], [sflag:$0x3] =	stream.indirect_vreg.gather [hbm4b:s4+s2], $0x80, v4, vm0, $0xb8;
	[tilespmem:$0x18C00] =	vst v63  }
0x21f: {  	v3 =	vadd.s32 v1, v3  }
0x220: {  	[tilespmem:s11], [sflag:$0x3] =	stream.indirect_vreg.gather [hbm4b:s5+s2], $0x80, v4, vm0, $0xb8;
	[tilespmem:$0x18C00] =	vst v63  }
0x221: {  	_ = 	snop  }
0x222: {  	[tilespmem:s30], [sflag:$0x3] =	stream.indirect_vreg.gather [hbm4b:s6+s2], $0x80, v4, vm0, $0xb8;
	[tilespmem:$0x18C00] =	vst v63  }
0x223: {  	_ = 	snop  }
0x224: {  	[tilespmem:s31], [sflag:$0x3] =	stream.indirect_vreg.gather [hbm4b:s4+s2], $0x80, v3, vm0, $0xb8;
	[tilespmem:$0x18C00] =	vst v63  }
0x225: {  	_ = 	snop  }
0x226: {  	[tilespmem:s10], [sflag:$0x3] =	stream.indirect_vreg.gather [hbm4b:s5+s2], $0x80, v3, vm0, $0xb8;
	[tilespmem:$0x18C00] =	vst v63  }
0x227: {  	s3 =	simm.s32 $0xF400  }
0x228: {  	[tilespmem:s3], [sflag:$0x3] =	stream.indirect_vreg.gather [hbm4b:s6+s2], $0x80, v3, vm0, $0xb8;
	[tilespmem:$0x18C00] =	vst v63  }
0x229: {  	v3 =	vld [tilespmem:$0x910];
	_ =	sdelay $0x4  }
0x22a: {  	v53 =	vshrl.u32 v3, $0x3  }
0x22b: {  	v4 =	vmul.u32 $0x30, v53  }
0x22c: {  	v3 =	vand.u32 $0x7, v3  }
0x22d: {  	v3 =	vor.u32 v3, v4  }
0x22e: {  	v4 =	vperm.xlane v3, v0;
	_ =	sdelay $0x1  }
0x22f: {  	v4 =	vadd.s32 v1, v4;
	_ =	sdelay $0x3  }
0x230: {  	s3 =	simm.s32 $0xFC00;
	v3 =	vperm.xlane v3, v2  }
0x231: {  	[tilespmem:s3], [sflag:$0x3] =	stream.indirect_vreg.gather [hbm4b:s4+s2], $0x80, v4, vm0, $0xb8;
	[tilespmem:$0x18C00] =	vst v63  }
0x232: {  	v3 =	vadd.s32 v1, v3  }
0x233: {  	[tilespmem:s12], [sflag:$0x3] =	stream.indirect_vreg.gather [hbm4b:s5+s2], $0x80, v4, vm0, $0xb8;
	[tilespmem:$0x18C00] =	vst v63  }
0x234: {  	_ = 	snop  }
0x235: {  	[tilespmem:s24], [sflag:$0x3] =	stream.indirect_vreg.gather [hbm4b:s6+s2], $0x80, v4, vm0, $0xb8;
	[tilespmem:$0x18C00] =	vst v63  }
0x236: {  	_ = 	snop  }
0x237: {  	[tilespmem:s28], [sflag:$0x3] =	stream.indirect_vreg.gather [hbm4b:s4+s2], $0x80, v3, vm0, $0xb8;
	[tilespmem:$0x18C00] =	vst v63  }
0x238: {  	_ = 	snop  }
0x239: {  	[tilespmem:s29], [sflag:$0x3] =	stream.indirect_vreg.gather [hbm4b:s5+s2], $0x80, v3, vm0, $0xb8;
	[tilespmem:$0x18C00] =	vst v63  }
0x23a: {  	s7 =	simm.s32 $0x12400  }
0x23b: {  	[tilespmem:s7], [sflag:$0x3] =	stream.indirect_vreg.gather [hbm4b:s6+s2], $0x80, v3, vm0, $0xb8;
	[tilespmem:$0x18C00] =	vst v63  }
0x23c: {  	_ =	swait.ge [sflag:s1], $0x6000  }
0x23d: {  	[sflag:s1] =	ssyncset.done $0x0  }
0x23e: {  	s8 =	rddreg [dreg:$0xd];
	[sflag:s1] =	ssyncadd.s32 $0xFFFFA000  }
0x23f: {  	[hbm4b:s8+s2] =	stream.linear.scatter [tilespmem:s13], [sflag:$0x8], $0x6000, $0x38;
	[tilespmem:$0x18C00] =	vst v63  }
0x240: {  	_ =	swait.ge [sflag:s25], $0x6000  }
0x241: {  	[sflag:s25] =	ssyncset.done $0x0  }
0x242: {  	[sflag:s25] =	ssyncadd.s32 $0xFFFFA000  }
0x243: {  	v3 =	vld [tilespmem:$0x980];
	_ =	sdelay $0x4  }
0x244: {  	v54 =	vshrl.u32 v3, $0x3  }
0x245: {  	v4 =	vmul.u32 $0x30, v54  }
0x246: {  	v3 =	vand.u32 $0x7, v3  }
0x247: {  	v3 =	vor.u32 v3, v4  }
0x248: {  	v4 =	vperm.xlane v3, v0;
	_ =	sdelay $0x1  }
0x249: {  	v4 =	vadd.s32 v1, v4;
	_ =	sdelay $0x3  }
0x24a: {  	v3 =	vperm.xlane v3, v2  }
0x24b: {  	[tilespmem:s13], [sflag:$0x4] =	stream.indirect_vreg.gather [hbm4b:s4+s2], $0x80, v4, vm0, $0xb8;
	[tilespmem:$0x18C00] =	vst v63  }
0x24c: {  	s31 =	simm.s32 $0x13400;
	v3 =	vadd.s32 v1, v3  }
0x24d: {  	[tilespmem:s31], [sflag:$0x4] =	stream.indirect_vreg.gather [hbm4b:s5+s2], $0x80, v4, vm0, $0xb8;
	[tilespmem:$0x18C00] =	vst v63  }
0x24e: {  	s3 =	simm.s32 $0x13C00  }
0x24f: {  	[tilespmem:s3], [sflag:$0x4] =	stream.indirect_vreg.gather [hbm4b:s6+s2], $0x80, v4, vm0, $0xb8;
	[tilespmem:$0x18C00] =	vst v63  }
0x250: {  	s0 =	simm.s32 $0x14400  }
0x251: {  	[tilespmem:s0], [sflag:$0x4] =	stream.indirect_vreg.gather [hbm4b:s4+s2], $0x80, v3, vm0, $0xb8;
	[tilespmem:$0x18C00] =	vst v63  }
0x252: {  	s8 =	simm.s32 $0x14C00  }
0x253: {  	[tilespmem:s8], [sflag:$0x4] =	stream.indirect_vreg.gather [hbm4b:s5+s2], $0x80, v3, vm0, $0xb8;
	[tilespmem:$0x18C00] =	vst v63  }
0x254: {  	s21 =	simm.s32 $0x15400  }
0x255: {  	[tilespmem:s21], [sflag:$0x4] =	stream.indirect_vreg.gather [hbm4b:s6+s2], $0x80, v3, vm0, $0xb8;
	[tilespmem:$0x18C00] =	vst v63  }
0x256: {  	v3 =	vld [tilespmem:$0x990];
	_ =	sdelay $0x4  }
0x257: {  	v55 =	vshrl.u32 v3, $0x3  }
0x258: {  	v4 =	vmul.u32 $0x30, v55  }
0x259: {  	v3 =	vand.u32 $0x7, v3  }
0x25a: {  	v3 =	vor.u32 v3, v4  }
0x25b: {  	v4 =	vperm.xlane v3, v0;
	_ =	sdelay $0x1  }
0x25c: {  	v4 =	vadd.s32 v1, v4;
	_ =	sdelay $0x3  }
0x25d: {  	s21 =	simm.s32 $0x15C00;
	v3 =	vperm.xlane v3, v2  }
0x25e: {  	[tilespmem:s21], [sflag:$0x4] =	stream.indirect_vreg.gather [hbm4b:s4+s2], $0x80, v4, vm0, $0xb8;
	[tilespmem:$0x18C00] =	vst v63  }
0x25f: {  	v3 =	vadd.s32 v1, v3;
	s21 =	simm.s32 $0x16400  }
0x260: {  	[tilespmem:s21], [sflag:$0x4] =	stream.indirect_vreg.gather [hbm4b:s5+s2], $0x80, v4, vm0, $0xb8;
	[tilespmem:$0x18C00] =	vst v63  }
0x261: {  	s21 =	simm.s32 $0x16C00  }
0x262: {  	[tilespmem:s21], [sflag:$0x4] =	stream.indirect_vreg.gather [hbm4b:s6+s2], $0x80, v4, vm0, $0xb8;
	[tilespmem:$0x18C00] =	vst v63  }
0x263: {  	s21 =	simm.s32 $0x17400  }
0x264: {  	[tilespmem:s21], [sflag:$0x4] =	stream.indirect_vreg.gather [hbm4b:s4+s2], $0x80, v3, vm0, $0xb8;
	[tilespmem:$0x18C00] =	vst v63  }
0x265: {  	s21 =	simm.s32 $0x17C00  }
0x266: {  	[tilespmem:s21], [sflag:$0x4] =	stream.indirect_vreg.gather [hbm4b:s5+s2], $0x80, v3, vm0, $0xb8;
	[tilespmem:$0x18C00] =	vst v63  }
0x267: {  	s21 =	simm.s32 $0x18400  }
0x268: {  	[tilespmem:s21], [sflag:$0x4] =	stream.indirect_vreg.gather [hbm4b:s6+s2], $0x80, v3, vm0, $0xb8;
	[tilespmem:$0x18C00] =	vst v63  }
0x269: {  	_ =	swait.ge [sflag:s14], $0x6000  }
0x26a: {  	[sflag:s14] =	ssyncset.done $0x0  }
0x26b: {  	s7 =	simm.s32 $0xC00;
	s21 =	rddreg [dreg:$0xe];
	[sflag:s14] =	ssyncadd.s32 $0xFFFFA000  }
0x26c: {  	[hbm4b:s21+s2] =	stream.linear.scatter [tilespmem:s7], [sflag:$0x5], $0x6000, $0x38;
	[tilespmem:$0x18C00] =	vst v63  }
0x26d: {  	_ =	swait.ge [sflag:s15], $0x6000  }
0x26e: {  	[sflag:s15] =	ssyncset.done $0x0  }
0x26f: {  	[sflag:s15] =	ssyncadd.s32 $0xFFFFA000  }
0x270: {  	v3 =	vld [tilespmem:$0xA00];
	_ =	sdelay $0x4  }
0x271: {  	v56 =	vshrl.u32 v3, $0x3  }
0x272: {  	v4 =	vmul.u32 $0x30, v56  }
0x273: {  	v3 =	vand.u32 $0x7, v3  }
0x274: {  	v3 =	vor.u32 v3, v4  }
0x275: {  	v4 =	vperm.xlane v3, v0;
	_ =	sdelay $0x1  }
0x276: {  	v4 =	vadd.s32 v1, v4;
	_ =	sdelay $0x3  }
0x277: {  	v3 =	vperm.xlane v3, v2  }
0x278: {  	[tilespmem:s7], [sflag:$0x1] =	stream.indirect_vreg.gather [hbm4b:s4+s2], $0x80, v4, vm0, $0xb8;
	[tilespmem:$0x18C00] =	vst v63  }
0x279: {  	s21 =	simm.s32 $0x1400;
	v3 =	vadd.s32 v1, v3  }
0x27a: {  	[tilespmem:s21], [sflag:$0x1] =	stream.indirect_vreg.gather [hbm4b:s5+s2], $0x80, v4, vm0, $0xb8;
	[tilespmem:$0x18C00] =	vst v63  }
0x27b: {  	s21 =	simm.s32 $0x1C00  }
0x27c: {  	[tilespmem:s21], [sflag:$0x1] =	stream.indirect_vreg.gather [hbm4b:s6+s2], $0x80, v4, vm0, $0xb8;
	[tilespmem:$0x18C00] =	vst v63  }
0x27d: {  	s21 =	simm.s32 $0x2400  }
0x27e: {  	[tilespmem:s21], [sflag:$0x1] =	stream.indirect_vreg.gather [hbm4b:s4+s2], $0x80, v3, vm0, $0xb8;
	[tilespmem:$0x18C00] =	vst v63  }
0x27f: {  	s21 =	simm.s32 $0x2C00  }
0x280: {  	[tilespmem:s21], [sflag:$0x1] =	stream.indirect_vreg.gather [hbm4b:s5+s2], $0x80, v3, vm0, $0xb8;
	[tilespmem:$0x18C00] =	vst v63  }
0x281: {  	s21 =	simm.s32 $0x3400  }
0x282: {  	[tilespmem:s21], [sflag:$0x1] =	stream.indirect_vreg.gather [hbm4b:s6+s2], $0x80, v3, vm0, $0xb8;
	[tilespmem:$0x18C00] =	vst v63  }
0x283: {  	v3 =	vld [tilespmem:$0xA10];
	_ =	sdelay $0x4  }
0x284: {  	v57 =	vshrl.u32 v3, $0x3  }
0x285: {  	v4 =	vmul.u32 $0x30, v57  }
0x286: {  	v3 =	vand.u32 $0x7, v3  }
0x287: {  	v3 =	vor.u32 v3, v4  }
0x288: {  	v4 =	vperm.xlane v3, v0;
	_ =	sdelay $0x1  }
0x289: {  	v4 =	vadd.s32 v1, v4;
	_ =	sdelay $0x3  }
0x28a: {  	s21 =	simm.s32 $0x3C00;
	v3 =	vperm.xlane v3, v2  }
0x28b: {  	[tilespmem:s21], [sflag:$0x1] =	stream.indirect_vreg.gather [hbm4b:s4+s2], $0x80, v4, vm0, $0xb8;
	[tilespmem:$0x18C00] =	vst v63  }
0x28c: {  	v3 =	vadd.s32 v1, v3;
	s21 =	simm.s32 $0x4400  }
0x28d: {  	[tilespmem:s21], [sflag:$0x1] =	stream.indirect_vreg.gather [hbm4b:s5+s2], $0x80, v4, vm0, $0xb8;
	[tilespmem:$0x18C00] =	vst v63  }
0x28e: {  	s21 =	simm.s32 $0x4C00  }
0x28f: {  	[tilespmem:s21], [sflag:$0x1] =	stream.indirect_vreg.gather [hbm4b:s6+s2], $0x80, v4, vm0, $0xb8;
	[tilespmem:$0x18C00] =	vst v63  }
0x290: {  	s20 =	simm.s32 $0x5400  }
0x291: {  	[tilespmem:s20], [sflag:$0x1] =	stream.indirect_vreg.gather [hbm4b:s4+s2], $0x80, v3, vm0, $0xb8;
	[tilespmem:$0x18C00] =	vst v63  }
0x292: {  	s21 =	simm.s32 $0x5C00  }
0x293: {  	[tilespmem:s21], [sflag:$0x1] =	stream.indirect_vreg.gather [hbm4b:s5+s2], $0x80, v3, vm0, $0xb8;
	[tilespmem:$0x18C00] =	vst v63  }
0x294: {  	s21 =	simm.s32 $0x6400  }
0x295: {  	[tilespmem:s21], [sflag:$0x1] =	stream.indirect_vreg.gather [hbm4b:s6+s2], $0x80, v3, vm0, $0xb8;
	[tilespmem:$0x18C00] =	vst v63  }
0x296: {  	_ =	swait.ge [sflag:s16], $0x6000  }
0x297: {  	[sflag:s16] =	ssyncset.done $0x0  }
0x298: {  	s20 =	rddreg [dreg:$0xf];
	[sflag:s16] =	ssyncadd.s32 $0xFFFFA000  }
0x299: {  	[hbm4b:s20+s2] =	stream.linear.scatter [tilespmem:s26], [sflag:$0x6], $0x6000, $0x38;
	[tilespmem:$0x18C00] =	vst v63  }
0x29a: {  	_ =	swait.ge [sflag:s17], $0x6000  }
0x29b: {  	[sflag:s17] =	ssyncset.done $0x0  }
0x29c: {  	[sflag:s17] =	ssyncadd.s32 $0xFFFFA000  }
0x29d: {  	v3 =	vld [tilespmem:$0xA80];
	_ =	sdelay $0x4  }
0x29e: {  	v58 =	vshrl.u32 v3, $0x3  }
0x29f: {  	v4 =	vmul.u32 $0x30, v58  }
0x2a0: {  	v3 =	vand.u32 $0x7, v3  }
0x2a1: {  	v3 =	vor.u32 v3, v4  }
0x2a2: {  	v4 =	vperm.xlane v3, v0;
	_ =	sdelay $0x1  }
0x2a3: {  	v4 =	vadd.s32 v1, v4;
	_ =	sdelay $0x3  }
0x2a4: {  	v3 =	vperm.xlane v3, v2  }
0x2a5: {  	[tilespmem:s26], [sflag:$0x2] =	stream.indirect_vreg.gather [hbm4b:s4+s2], $0x80, v4, vm0, $0xb8;
	[tilespmem:$0x18C00] =	vst v63  }
0x2a6: {  	s21 =	simm.s32 $0x7400;
	v3 =	vadd.s32 v1, v3  }
0x2a7: {  	[tilespmem:s21], [sflag:$0x2] =	stream.indirect_vreg.gather [hbm4b:s5+s2], $0x80, v4, vm0, $0xb8;
	[tilespmem:$0x18C00] =	vst v63  }
0x2a8: {  	s21 =	simm.s32 $0x7C00  }
0x2a9: {  	[tilespmem:s21], [sflag:$0x2] =	stream.indirect_vreg.gather [hbm4b:s6+s2], $0x80, v4, vm0, $0xb8;
	[tilespmem:$0x18C00] =	vst v63  }
0x2aa: {  	s21 =	simm.s32 $0x8400  }
0x2ab: {  	[tilespmem:s21], [sflag:$0x2] =	stream.indirect_vreg.gather [hbm4b:s4+s2], $0x80, v3, vm0, $0xb8;
	[tilespmem:$0x18C00] =	vst v63  }
0x2ac: {  	s21 =	simm.s32 $0x8C00  }
0x2ad: {  	[tilespmem:s21], [sflag:$0x2] =	stream.indirect_vreg.gather [hbm4b:s5+s2], $0x80, v3, vm0, $0xb8;
	[tilespmem:$0x18C00] =	vst v63  }
0x2ae: {  	s21 =	simm.s32 $0x9400  }
0x2af: {  	[tilespmem:s21], [sflag:$0x2] =	stream.indirect_vreg.gather [hbm4b:s6+s2], $0x80, v3, vm0, $0xb8;
	[tilespmem:$0x18C00] =	vst v63  }
0x2b0: {  	v3 =	vld [tilespmem:$0xA90];
	_ =	sdelay $0x4  }
0x2b1: {  	v59 =	vshrl.u32 v3, $0x3  }
0x2b2: {  	v4 =	vmul.u32 $0x30, v59  }
0x2b3: {  	v3 =	vand.u32 $0x7, v3  }
0x2b4: {  	v3 =	vor.u32 v3, v4  }
0x2b5: {  	v4 =	vperm.xlane v3, v0;
	_ =	sdelay $0x1  }
0x2b6: {  	v4 =	vadd.s32 v1, v4;
	_ =	sdelay $0x3  }
0x2b7: {  	s21 =	simm.s32 $0x9C00;
	v3 =	vperm.xlane v3, v2  }
0x2b8: {  	[tilespmem:s21], [sflag:$0x2] =	stream.indirect_vreg.gather [hbm4b:s4+s2], $0x80, v4, vm0, $0xb8;
	[tilespmem:$0x18C00] =	vst v63  }
0x2b9: {  	v3 =	vadd.s32 v1, v3;
	s21 =	simm.s32 $0xA400  }
0x2ba: {  	[tilespmem:s21], [sflag:$0x2] =	stream.indirect_vreg.gather [hbm4b:s5+s2], $0x80, v4, vm0, $0xb8;
	[tilespmem:$0x18C00] =	vst v63  }
0x2bb: {  	s21 =	simm.s32 $0xAC00  }
0x2bc: {  	[tilespmem:s21], [sflag:$0x2] =	stream.indirect_vreg.gather [hbm4b:s6+s2], $0x80, v4, vm0, $0xb8;
	[tilespmem:$0x18C00] =	vst v63  }
0x2bd: {  	s23 =	simm.s32 $0xB400  }
0x2be: {  	[tilespmem:s23], [sflag:$0x2] =	stream.indirect_vreg.gather [hbm4b:s4+s2], $0x80, v3, vm0, $0xb8;
	[tilespmem:$0x18C00] =	vst v63  }
0x2bf: {  	s9 =	simm.s32 $0xBC00  }
0x2c0: {  	[tilespmem:s9], [sflag:$0x2] =	stream.indirect_vreg.gather [hbm4b:s5+s2], $0x80, v3, vm0, $0xb8;
	[tilespmem:$0x18C00] =	vst v63  }
0x2c1: {  	s23 =	simm.s32 $0xC400  }
0x2c2: {  	[tilespmem:s23], [sflag:$0x2] =	stream.indirect_vreg.gather [hbm4b:s6+s2], $0x80, v3, vm0, $0xb8;
	[tilespmem:$0x18C00] =	vst v63  }
0x2c3: {  	_ =	swait.ge [sflag:s18], $0x6000  }
0x2c4: {  	[sflag:s18] =	ssyncset.done $0x0  }
0x2c5: {  	s9 =	rddreg [dreg:$0x10];
	[sflag:s18] =	ssyncadd.s32 $0xFFFFA000  }
0x2c6: {  	[hbm4b:s9+s2] =	stream.linear.scatter [tilespmem:s22], [sflag:$0x7], $0x6000, $0x38;
	[tilespmem:$0x18C00] =	vst v63  }
0x2c7: {  	_ =	swait.ge [sflag:s19], $0x6000  }
0x2c8: {  	[sflag:s19] =	ssyncset.done $0x0  }
0x2c9: {  	[sflag:s19] =	ssyncadd.s32 $0xFFFFA000  }
0x2ca: {  	v3 =	vld [tilespmem:$0xB00];
	_ =	sdelay $0x4  }
0x2cb: {  	v60 =	vshrl.u32 v3, $0x3  }
0x2cc: {  	v4 =	vmul.u32 $0x30, v60  }
0x2cd: {  	v3 =	vand.u32 $0x7, v3  }
0x2ce: {  	v3 =	vor.u32 v3, v4  }
0x2cf: {  	v4 =	vperm.xlane v3, v0;
	_ =	sdelay $0x1  }
0x2d0: {  	v4 =	vadd.s32 v1, v4;
	_ =	sdelay $0x3  }
0x2d1: {  	v3 =	vperm.xlane v3, v2  }
0x2d2: {  	[tilespmem:s22], [sflag:$0x3] =	stream.indirect_vreg.gather [hbm4b:s4+s2], $0x80, v4, vm0, $0xb8;
	[tilespmem:$0x18C00] =	vst v63  }
0x2d3: {  	s20 =	simm.s32 $0xD400;
	v3 =	vadd.s32 v1, v3  }
0x2d4: {  	[tilespmem:s20], [sflag:$0x3] =	stream.indirect_vreg.gather [hbm4b:s5+s2], $0x80, v4, vm0, $0xb8;
	[tilespmem:$0x18C00] =	vst v63  }
0x2d5: {  	s11 =	simm.s32 $0xDC00  }
0x2d6: {  	[tilespmem:s11], [sflag:$0x3] =	stream.indirect_vreg.gather [hbm4b:s6+s2], $0x80, v4, vm0, $0xb8;
	[tilespmem:$0x18C00] =	vst v63  }
0x2d7: {  	s30 =	simm.s32 $0xE400  }
0x2d8: {  	[tilespmem:s30], [sflag:$0x3] =	stream.indirect_vreg.gather [hbm4b:s4+s2], $0x80, v3, vm0, $0xb8;
	[tilespmem:$0x18C00] =	vst v63  }
0x2d9: {  	s10 =	simm.s32 $0xEC00  }
0x2da: {  	[tilespmem:s10], [sflag:$0x3] =	stream.indirect_vreg.gather [hbm4b:s5+s2], $0x80, v3, vm0, $0xb8;
	[tilespmem:$0x18C00] =	vst v63  }
0x2db: {  	s21 =	simm.s32 $0xF400  }
0x2dc: {  	[tilespmem:s21], [sflag:$0x3] =	stream.indirect_vreg.gather [hbm4b:s6+s2], $0x80, v3, vm0, $0xb8;
	[tilespmem:$0x18C00] =	vst v63  }
0x2dd: {  	v3 =	vld [tilespmem:$0xB10];
	_ =	sdelay $0x4  }
0x2de: {  	v61 =	vshrl.u32 v3, $0x3  }
0x2df: {  	v4 =	vmul.u32 $0x30, v61  }
0x2e0: {  	v3 =	vand.u32 $0x7, v3  }
0x2e1: {  	v3 =	vor.u32 v3, v4  }
0x2e2: {  	v4 =	vperm.xlane v3, v0;
	_ =	sdelay $0x1  }
0x2e3: {  	v4 =	vadd.s32 v1, v4;
	_ =	sdelay $0x3  }
0x2e4: {  	s23 =	simm.s32 $0xFC00;
	v3 =	vperm.xlane v3, v2  }
0x2e5: {  	[tilespmem:s23], [sflag:$0x3] =	stream.indirect_vreg.gather [hbm4b:s4+s2], $0x80, v4, vm0, $0xb8;
	[tilespmem:$0x18C00] =	vst v63  }
0x2e6: {  	s12 =	simm.s32 $0x10400;
	v3 =	vadd.s32 v1, v3  }
0x2e7: {  	[tilespmem:s12], [sflag:$0x3] =	stream.indirect_vreg.gather [hbm4b:s5+s2], $0x80, v4, vm0, $0xb8;
	[tilespmem:$0x18C00] =	vst v63  }
0x2e8: {  	s24 =	simm.s32 $0x10C00  }
0x2e9: {  	[tilespmem:s24], [sflag:$0x3] =	stream.indirect_vreg.gather [hbm4b:s6+s2], $0x80, v4, vm0, $0xb8;
	[tilespmem:$0x18C00] =	vst v63  }
0x2ea: {  	s28 =	simm.s32 $0x11400  }
0x2eb: {  	[tilespmem:s28], [sflag:$0x3] =	stream.indirect_vreg.gather [hbm4b:s4+s2], $0x80, v3, vm0, $0xb8;
	[tilespmem:$0x18C00] =	vst v63  }
0x2ec: {  	s29 =	simm.s32 $0x11C00  }
0x2ed: {  	[tilespmem:s29], [sflag:$0x3] =	stream.indirect_vreg.gather [hbm4b:s5+s2], $0x80, v3, vm0, $0xb8;
	[tilespmem:$0x18C00] =	vst v63  }
0x2ee: {  	s29 =	simm.s32 $0x12400  }
0x2ef: {  	[tilespmem:s29], [sflag:$0x3] =	stream.indirect_vreg.gather [hbm4b:s6+s2], $0x80, v3, vm0, $0xb8;
	[tilespmem:$0x18C00] =	vst v63  }
0x2f0: {  	_ =	swait.ge [sflag:s1], $0x6000  }
0x2f1: {  	[sflag:s1] =	ssyncset.done $0x0  }
0x2f2: {  	s30 =	rddreg [dreg:$0x11];
	[sflag:s1] =	ssyncadd.s32 $0xFFFFA000  }
0x2f3: {  	[hbm4b:s30+s2] =	stream.linear.scatter [tilespmem:s13], [sflag:$0x8], $0x6000, $0x38;
	[tilespmem:$0x18C00] =	vst v63  }
0x2f4: {  	_ =	swait.ge [sflag:s25], $0x6000  }
0x2f5: {  	[sflag:s25] =	ssyncset.done $0x0  }
0x2f6: {  	[sflag:s25] =	ssyncadd.s32 $0xFFFFA000  }
0x2f7: {  	v3 =	vld [tilespmem:$0xB80];
	_ =	sdelay $0x4  }
0x2f8: {  	v62 =	vshrl.u32 v3, $0x3  }
0x2f9: {  	v4 =	vmul.u32 $0x30, v62  }
0x2fa: {  	v3 =	vand.u32 $0x7, v3  }
0x2fb: {  	v3 =	vor.u32 v3, v4  }
0x2fc: {  	v4 =	vperm.xlane v3, v0;
	_ =	sdelay $0x1  }
0x2fd: {  	v4 =	vadd.s32 v1, v4;
	_ =	sdelay $0x3  }
0x2fe: {  	v3 =	vperm.xlane v3, v2  }
0x2ff: {  	[tilespmem:s13], [sflag:$0x4] =	stream.indirect_vreg.gather [hbm4b:s4+s2], $0x80, v4, vm0, $0xb8;
	[tilespmem:$0x18C00] =	vst v63  }
0x300: {  	v3 =	vadd.s32 v1, v3  }
0x301: {  	[tilespmem:s31], [sflag:$0x4] =	stream.indirect_vreg.gather [hbm4b:s5+s2], $0x80, v4, vm0, $0xb8;
	[tilespmem:$0x18C00] =	vst v63  }
0x302: {  	_ = 	snop  }
0x303: {  	[tilespmem:s3], [sflag:$0x4] =	stream.indirect_vreg.gather [hbm4b:s6+s2], $0x80, v4, vm0, $0xb8;
	[tilespmem:$0x18C00] =	vst v63  }
0x304: {  	_ = 	snop  }
0x305: {  	[tilespmem:s0], [sflag:$0x4] =	stream.indirect_vreg.gather [hbm4b:s4+s2], $0x80, v3, vm0, $0xb8;
	[tilespmem:$0x18C00] =	vst v63  }
0x306: {  	_ = 	snop  }
0x307: {  	[tilespmem:s8], [sflag:$0x4] =	stream.indirect_vreg.gather [hbm4b:s5+s2], $0x80, v3, vm0, $0xb8;
	[tilespmem:$0x18C00] =	vst v63  }
0x308: {  	s9 =	simm.s32 $0x15400  }
0x309: {  	[tilespmem:s9], [sflag:$0x4] =	stream.indirect_vreg.gather [hbm4b:s6+s2], $0x80, v3, vm0, $0xb8;
	[tilespmem:$0x18C00] =	vst v63  }
0x30a: {  	v3 =	vld [tilespmem:$0xB90];
	_ =	sdelay $0x4  }
0x30b: {  	v63 =	vshrl.u32 v3, $0x3  }
0x30c: {  	v4 =	vmul.u32 $0x30, v63  }
0x30d: {  	v3 =	vand.u32 $0x7, v3  }
0x30e: {  	v3 =	vor.u32 v3, v4  }
0x30f: {  	v4 =	vperm.xlane v3, v0;
	_ =	sdelay $0x1  }
0x310: {  	v4 =	vadd.s32 v1, v4;
	_ =	sdelay $0x3  }
0x311: {  	s10 =	simm.s32 $0x15C00;
	v3 =	vperm.xlane v3, v2  }
0x312: {  	[tilespmem:s10], [sflag:$0x4] =	stream.indirect_vreg.gather [hbm4b:s4+s2], $0x80, v4, vm0, $0xb8;
	[tilespmem:$0x18C00] =	vst v63  }
0x313: {  	s11 =	simm.s32 $0x16400;
	v3 =	vadd.s32 v1, v3  }
0x314: {  	[tilespmem:s11], [sflag:$0x4] =	stream.indirect_vreg.gather [hbm4b:s5+s2], $0x80, v4, vm0, $0xb8;
	[tilespmem:$0x18C00] =	vst v63  }
0x315: {  	s12 =	simm.s32 $0x16C00  }
0x316: {  	[tilespmem:s12], [sflag:$0x4] =	stream.indirect_vreg.gather [hbm4b:s6+s2], $0x80, v4, vm0, $0xb8;
	[tilespmem:$0x18C00] =	vst v63  }
0x317: {  	s20 =	simm.s32 $0x17400  }
0x318: {  	[tilespmem:s20], [sflag:$0x4] =	stream.indirect_vreg.gather [hbm4b:s4+s2], $0x80, v3, vm0, $0xb8;
	[tilespmem:$0x18C00] =	vst v63  }
0x319: {  	s21 =	simm.s32 $0x17C00  }
0x31a: {  	[tilespmem:s21], [sflag:$0x4] =	stream.indirect_vreg.gather [hbm4b:s5+s2], $0x80, v3, vm0, $0xb8;
	[tilespmem:$0x18C00] =	vst v63  }
0x31b: {  	s23 =	simm.s32 $0x18400  }
0x31c: {  	[tilespmem:s23], [sflag:$0x4] =	stream.indirect_vreg.gather [hbm4b:s6+s2], $0x80, v3, vm0, $0xb8;
	[tilespmem:$0x18C00] =	vst v63  }
0x31d: {  	_ =	swait.ge [sflag:s14], $0x6000  }
0x31e: {  	[sflag:s14] =	ssyncset.done $0x0  }
0x31f: {  	s7 =	simm.s32 $0xC00;
	s24 =	rddreg [dreg:$0x12];
	[sflag:s14] =	ssyncadd.s32 $0xFFFFA000  }
0x320: {  	[hbm4b:s24+s2] =	stream.linear.scatter [tilespmem:s7], [sflag:$0x5], $0x6000, $0x38;
	[tilespmem:$0x18C00] =	vst v63  }
0x321: {  	_ =	swait.ge [sflag:s16], $0x6000  }
0x322: {  	[sflag:s16] =	ssyncset.done $0x0  }
0x323: {  	s28 =	rddreg [dreg:$0x13];
	[sflag:s16] =	ssyncadd.s32 $0xFFFFA000  }
0x324: {  	[hbm4b:s28+s2] =	stream.linear.scatter [tilespmem:s26], [sflag:$0x6], $0x6000, $0x38;
	[tilespmem:$0x18C00] =	vst v63  }
0x325: {  	_ =	swait.ge [sflag:s18], $0x6000  }
0x326: {  	[sflag:s18] =	ssyncset.done $0x0  }
0x327: {  	s29 =	rddreg [dreg:$0x14];
	[sflag:s18] =	ssyncadd.s32 $0xFFFFA000  }
0x328: {  	[hbm4b:s29+s2] =	stream.linear.scatter [tilespmem:s22], [sflag:$0x7], $0x6000, $0x38;
	[tilespmem:$0x18C00] =	vst v63  }
0x329: {  	_ =	swait.ge [sflag:s1], $0x6000  }
0x32a: {  	[sflag:s1] =	ssyncset.done $0x0  }
0x32b: {  	s30 =	rddreg [dreg:$0x15];
	[sflag:s1] =	ssyncadd.s32 $0xFFFFA000  }
0x32c: {  	[hbm4b:s30+s2] =	stream.linear.scatter [tilespmem:s13], [sflag:$0x8], $0x6000, $0x38;
	[tilespmem:$0x18C00] =	vst v63  }
0x32d: {  	s31 =	rddreg [dreg:$0x18];
	_ =	swait.ge [sflag:s15], $0x6000  }
0x32e: {  	[sflag:s15] =	ssyncset.done $0x0  }
0x32f: {  	[sflag:s15] =	ssyncadd.s32 $0xFFFFA000  }
0x330: {  	_ =	swait.ge [sflag:s17], $0x6000  }
0x331: {  	[sflag:s17] =	ssyncset.done $0x0  }
0x332: {  	[sflag:s17] =	ssyncadd.s32 $0xFFFFA000  }
0x333: {  	p0 =	sne.s32 s31, $0x1;
	_ =	swait.ge [sflag:s19], $0x6000  }
.Ltmp0:
0x334: {  	[sflag:s19] =	ssyncset.done $0x0;
	(pc) =	sbr.rel @p0 .LBB2_1-.Ltmp0, $4  }
0x335: {  	[sflag:s19] =	ssyncadd.s32 $0xFFFFA000  }
0x336: {  	_ =	swait.ge [sflag:s25], $0x6000  }
0x337: {  	[sflag:s25] =	ssyncset.done $0x0  }
0x338: {  	s1 =	sadd.s32 $0xFFFFFFFF, s31;
	[sflag:s25] =	ssyncadd.s32 $0xFFFFA000  }
0x339: {  	_ =	sfence.sel $0x180000  }
0x33a: {  	[bflag:$0x0] =	sbarrier.arrive $0xFFFF  }
0x33b: {  	_ =	strace $0x90000047  }
0x33c: {  	s0 =	stileid.u32;
	[bflag:$0x2] =	sbarrier.arrive $0xFFFF  }
0x33d: {  	p0 =	sne.s32 s0, $0x0;
	s0 =	rddreg [dreg:$0x4]  }
0x33e: {  	s0 =	sadd.s32 @!p0 $0x100000, s0  }
0x33f: {  	[sflag:s0] =	ssyncadd.tile.s32 @!p0 $0x1;
	_ =	shalt  }
.Lfunc_end2:
_tile_overlayer_lowered:
.L_overlay_start_2:
0x340: {  	(tag) =	ssettag $0x2  }
0x341: {  	s0 =	rddreg [dreg:$0x0];
	s2 =	stileid.u32  }
0x342: {  	s1 =	rddreg [dreg:$0x1];
	p0 =	sne.s32 s2, $0x0  }
0x343: {  	s3 =	rddreg [dreg:$0x2];
	[bflag:$0x3] =	sbarrier.arrive $0xFFFF;
	s2 =	simm.s32 @!p0 $0x1C09  }
0x344: {  	[timem:s3], [sflag:s2] =	dma.local @!p0 [hbm:s0], s1  }
0x345: {  	s0 =	simm.s32 @!p0 $0x9  }
0x346: {  	_ =	swait.ge @!p0 [sflag:s0], s1  }
0x347: {  	s1 =	ssub.s32 @!p0 $0x0, s1;
	[sflag:s0] =	ssyncset.done @!p0 $0x0  }
0x348: {  	[sflag:s0] =	ssyncadd.s32 @!p0 s1  }
0x349: {  	[bflag:$0x3] =	sbarrier.arrive $0xFFFF  }
0x34a: {  	_ =	shalt  }

</sc_bundles>
